<compile_context>
chip_gen: v7x
topology: tpu7x:2x2x1
jax: 0.10.2.dev20260603
libtpu: 0.0.44.dev20260713+nightly
codegen_flags: <defaults>
</compile_context>

<pallas_src>
import jax
import jax.numpy as jnp
from jax import lax
from jax.experimental import pallas as pl
from jax.experimental.pallas import tpu as pltpu
from jax.experimental.pallas import tpu_sc as plsc

_NBUF = 2
_NW = 32
_L = 16


def kernel(token_ids, weight):
    b, t = token_ids.shape
    nv, d = weight.shape
    bb = b // _NW
    assert b % _NW == 0 and bb % 8 == 0 and d % _L == 0
    idxT = token_ids.T.astype(jnp.int32)

    mesh = plsc.VectorSubcoreMesh(core_axis_name="core",
                                  subcore_axis_name="subcore")

    scratch = ([pltpu.VMEM((t, bb), jnp.int32)]
               + [pltpu.VMEM((bb, d), jnp.float32) for _ in range(_NBUF)]
               + [pltpu.VMEM((d, bb), jnp.float32) for _ in range(_NBUF)]
               + [pltpu.SemaphoreType.DMA for _ in range(2 * _NBUF)])

    @pl.kernel(out_type=jax.ShapeDtypeStruct((t, d, b), weight.dtype),
               mesh=mesh,
               compiler_params=pltpu.CompilerParams(
                   use_tc_tiling_on_sc=False, needs_layout_passes=False,
                   disable_bounds_checks=True),
               scratch_types=scratch)
    def gather_kernel(table_hbm, idx_hbm, x_hbm, idx_v, *rest):
        bufs = rest[:_NBUF]
        xbufs = rest[_NBUF:2 * _NBUF]
        gsem = rest[2 * _NBUF:3 * _NBUF]
        wsem = rest[3 * _NBUF:]
        wid = lax.axis_index("subcore") * 2 + lax.axis_index("core")
        base = wid * bb
        pltpu.sync_copy(idx_hbm.at[:, pl.ds(base, bb)], idx_v)

        def start_gather(k, tt):
            pltpu.make_async_copy(
                table_hbm.at[idx_v.at[tt]], bufs[k], gsem[k]).start()

        def wait_gather(k):
            pltpu.make_async_copy(
                table_hbm.at[idx_v.at[0]], bufs[k], gsem[k]).wait()

        def start_wb(k, tt):
            pltpu.make_async_copy(
                xbufs[k], x_hbm.at[tt, :, pl.ds(base, bb)], wsem[k]).start()

        def wait_wb(k):
            pltpu.make_async_copy(
                xbufs[k], x_hbm.at[0, :, pl.ds(base, bb)], wsem[k]).wait()

        def transpose(k):
            @pl.loop(0, bb, step=_L)
            def _(c0):
                rows = lax.broadcasted_iota(jnp.int32, (_L,), 0) + c0
                for j in range(d):
                    cols = jnp.full((_L,), j, jnp.int32)
                    xbufs[k][j, pl.ds(c0, _L)] = plsc.load_gather(
                        bufs[k], [rows, cols])

        for k in range(_NBUF):
            start_gather(k, k)

        @pl.loop(0, t, step=_NBUF)
        def _(g):
            for k in range(_NBUF):
                tt = g + k
                wait_gather(k)
                transpose(k)
                start_wb(k, tt)
                wait_wb(k)

                @pl.when(tt + _NBUF < t)
                def _():
                    start_gather(k, tt + _NBUF)

    return gather_kernel(weight, idxT).transpose(2, 0, 1)

# --- scband reference (transcript-rebuilt; emitter-appended) ---
"""Pipeline reference for scband-embedding-88965952569829 (READ-ONLY COPY).

The authoritative reference and input builder live on the scoring server;
editing this copy changes nothing except your own understanding.
"""

import jax, jax.numpy as jnp
import numpy as np

NUM_EMBEDDINGS = 1000000
EMBEDDING_DIM = 64


def setup_inputs(seed: int = 0) -> dict:
    key = jax.random.key(seed)
    k_idx, k_w = jax.random.split(key)
    token_ids = jax.random.randint(k_idx, (4096, 200), 0, NUM_EMBEDDINGS, dtype=jnp.int64 if jax.config.jax_enable_x64 else jnp.int32)
    # trunc_normal_(mean=0, std=1, a=-3, b=3)
    weight = jax.random.truncated_normal(k_w, -3.0, 3.0, (NUM_EMBEDDINGS, EMBEDDING_DIM), dtype=jnp.float32)
    return {"token_ids": token_ids, "weight": weight}


def reference(token_ids, weight):
    # self.weight[token_ids] -> gather rows of the embedding table
    return jnp.take(weight, token_ids, axis=0)

if __name__ == "__main__":
    import jax
    _d = setup_inputs()
    print(jax.jit(kernel)(*tuple(_d.values())))

</pallas_src>

<mosaic_0001>
#map = affine_map<(d0, d1) -> (0, 0)>
#map1 = affine_map<(d0, d1) -> (0, 0, 0)>
module attributes {stable_mosaic.version = 14 : i64} {
  func.func @gather_kernel(%arg0: i32, %arg1: i32, %arg2: memref<1000000x64xf32, #tpu.memory_space<hbm>>, %arg3: memref<200x4096xi32, #tpu.memory_space<hbm>>, %arg4: memref<200x64x4096xf32, #tpu.memory_space<hbm>>, %arg5: memref<200x128xi32, #tpu.memory_space<vmem>>, %arg6: memref<128x64xf32, #tpu.memory_space<vmem>>, %arg7: memref<128x64xf32, #tpu.memory_space<vmem>>, %arg8: memref<64x128xf32, #tpu.memory_space<vmem>>, %arg9: memref<64x128xf32, #tpu.memory_space<vmem>>, %arg10: memref<!tpu.dma_semaphore, #tpu.memory_space<semaphore_mem>>, %arg11: memref<!tpu.dma_semaphore, #tpu.memory_space<semaphore_mem>>, %arg12: memref<!tpu.dma_semaphore, #tpu.memory_space<semaphore_mem>>, %arg13: memref<!tpu.dma_semaphore, #tpu.memory_space<semaphore_mem>>) attributes {dimension_semantics = [#tpu.dimension_semantics<core_parallel>, #tpu.dimension_semantics<subcore_parallel>], iteration_bounds = array<i64: 2, 16>, scalar_prefetch = 0 : i64, scratch_operands = 9 : i64, tpu.core_type = #tpu.core_type<sc_vector_subcore>, window_params = [{transform_indices = #map}, {transform_indices = #map}, {transform_indices = #map1}]} {
    %mul3A = arith.constant 2 : i32
    %mul3A_0 = arith.muli %arg1, %mul3A : i32
    %add3A = arith.addi %mul3A_0, %arg0 : i32
    %mul3A_1 = arith.constant 128 : i32
    %mul3A_2 = arith.muli %add3A, %mul3A_1 : i32
    "tpu.region"() ({
      %run_scoped3A = tpu.sem_alloc : memref<!tpu.dma_semaphore, #tpu.memory_space<semaphore_mem>>
      %dma_start3A_20 = arith.constant 0 : i32
      %dma_start3A_21 = tpu.memref_slice %arg3[%dma_start3A_20, %mul3A_2] : memref<200x4096xi32, #tpu.memory_space<hbm>> -> memref<200x128xi32, #tpu.memory_space<hbm>>
      %dma_start3A_22 = arith.constant 0 : i32
      %dma_start3A_23 = tpu.memref_slice %arg3[%dma_start3A_22, %mul3A_2] : memref<200x4096xi32, #tpu.memory_space<hbm>> -> memref<200x128xi32, #tpu.memory_space<hbm>>
      tpu.enqueue_dma source(%dma_start3A_23 : memref<200x128xi32, #tpu.memory_space<hbm>>) target(%arg5 : memref<200x128xi32, #tpu.memory_space<vmem>>) target_semaphore(%run_scoped3A : memref<!tpu.dma_semaphore, #tpu.memory_space<semaphore_mem>>)
      %dma_wait3A = arith.constant 0 : i32
      %dma_wait3A_24 = tpu.memref_slice %arg3[%dma_wait3A, %mul3A_2] : memref<200x4096xi32, #tpu.memory_space<hbm>> -> memref<200x128xi32, #tpu.memory_space<hbm>>
      %dma_wait3A_25 = arith.constant 0 : i32
      %dma_wait3A_26 = tpu.memref_slice %arg3[%dma_wait3A_25, %mul3A_2] : memref<200x4096xi32, #tpu.memory_space<hbm>> -> memref<200x128xi32, #tpu.memory_space<hbm>>
      tpu.wait_dma2 semaphore(%run_scoped3A : memref<!tpu.dma_semaphore, #tpu.memory_space<semaphore_mem>>) src(%dma_wait3A_26 : memref<200x128xi32, #tpu.memory_space<hbm>>) dst(%arg5 : memref<200x128xi32, #tpu.memory_space<vmem>>)
      tpu.yield
    }) : () -> ()
    %dma_start3A = arith.constant 0 : i32
    %dma_start3A_3 = arith.constant 0 : i32
    %dma_start3A_4 = tpu.memref_slice %arg5[%dma_start3A, %dma_start3A_3] : memref<200x128xi32, #tpu.memory_space<vmem>> -> memref<1x128xi32, #tpu.memory_space<vmem>>
    %dma_start3A_5 = tpu.memref_squeeze %dma_start3A_4 : memref<1x128xi32, #tpu.memory_space<vmem>> -> memref<128xi32, #tpu.memory_space<vmem>>
    %dma_start3A_6 = arith.constant 0 : i32
    %dma_start3A_7 = arith.constant 0 : i32
    %dma_start3A_8 = tpu.memref_slice %arg2[%dma_start3A_6, %dma_start3A_7] : memref<1000000x64xf32, #tpu.memory_space<hbm>> -> memref<1000000x64xf32, #tpu.memory_space<hbm>>
    tpu.enqueue_indirect_dma source(%dma_start3A_8 : memref<1000000x64xf32, #tpu.memory_space<hbm>>) target(%arg6 : memref<128x64xf32, #tpu.memory_space<vmem>>) offsets(%dma_start3A_5 : memref<128xi32, #tpu.memory_space<vmem>>) semaphore(%arg10 : memref<!tpu.dma_semaphore, #tpu.memory_space<semaphore_mem>>)
    %dma_start3A_9 = arith.constant 1 : i32
    %dma_start3A_10 = arith.constant 0 : i32
    %dma_start3A_11 = tpu.memref_slice %arg5[%dma_start3A_9, %dma_start3A_10] : memref<200x128xi32, #tpu.memory_space<vmem>> -> memref<1x128xi32, #tpu.memory_space<vmem>>
    %dma_start3A_12 = tpu.memref_squeeze %dma_start3A_11 : memref<1x128xi32, #tpu.memory_space<vmem>> -> memref<128xi32, #tpu.memory_space<vmem>>
    %dma_start3A_13 = arith.constant 0 : i32
    %dma_start3A_14 = arith.constant 0 : i32
    %dma_start3A_15 = tpu.memref_slice %arg2[%dma_start3A_13, %dma_start3A_14] : memref<1000000x64xf32, #tpu.memory_space<hbm>> -> memref<1000000x64xf32, #tpu.memory_space<hbm>>
    tpu.enqueue_indirect_dma source(%dma_start3A_15 : memref<1000000x64xf32, #tpu.memory_space<hbm>>) target(%arg7 : memref<128x64xf32, #tpu.memory_space<vmem>>) offsets(%dma_start3A_12 : memref<128xi32, #tpu.memory_space<vmem>>) semaphore(%arg11 : memref<!tpu.dma_semaphore, #tpu.memory_space<semaphore_mem>>)
    %scan3A = arith.constant 0 : i32
    %scan3A_16 = arith.constant 100 : i32
    %scan3A_17 = arith.addi %scan3A, %scan3A_16 : i32
    %scan3A_18 = arith.constant 1 : i32
    scf.for %scan3A_20 = %scan3A to %scan3A_17 step %scan3A_18  : i32 {
      %mul3A_21 = arith.constant 2 : i32
      %mul3A_22 = arith.muli %scan3A_20, %mul3A_21 : i32
      %add3A_23 = arith.constant 0 : i32
      %add3A_24 = arith.addi %add3A_23, %mul3A_22 : i32
      %add3A_25 = arith.constant 0 : i32
      %add3A_26 = arith.addi %add3A_24, %add3A_25 : i32
      %dma_wait3A = arith.constant 0 : i32
      %dma_wait3A_27 = arith.constant 0 : i32
      %dma_wait3A_28 = tpu.memref_slice %arg5[%dma_wait3A, %dma_wait3A_27] : memref<200x128xi32, #tpu.memory_space<vmem>> -> memref<1x128xi32, #tpu.memory_space<vmem>>
      %dma_wait3A_29 = tpu.memref_squeeze %dma_wait3A_28 : memref<1x128xi32, #tpu.memory_space<vmem>> -> memref<128xi32, #tpu.memory_space<vmem>>
      %dma_wait3A_30 = arith.constant 0 : i32
      %dma_wait3A_31 = arith.constant 0 : i32
      %dma_wait3A_32 = tpu.memref_slice %arg2[%dma_wait3A_30, %dma_wait3A_31] : memref<1000000x64xf32, #tpu.memory_space<hbm>> -> memref<1000000x64xf32, #tpu.memory_space<hbm>>
      tpu.wait_indirect_dma semaphore(%arg10 : memref<!tpu.dma_semaphore, #tpu.memory_space<semaphore_mem>>) src(%dma_wait3A_32 : memref<1000000x64xf32, #tpu.memory_space<hbm>>) dst(%arg6 : memref<128x64xf32, #tpu.memory_space<vmem>>)
      %scan3A_33 = arith.constant 0 : i32
      %scan3A_34 = arith.constant 8 : i32
      %scan3A_35 = arith.addi %scan3A_33, %scan3A_34 : i32
      %scan3A_36 = arith.constant 1 : i32
      scf.for %scan3A_89 = %scan3A_33 to %scan3A_35 step %scan3A_36  : i32 {
        %mul3A_90 = arith.constant 16 : i32
        %mul3A_91 = arith.muli %scan3A_89, %mul3A_90 : i32
        %add3A_92 = arith.constant 0 : i32
        %add3A_93 = arith.addi %add3A_92, %mul3A_91 : i32
        %iota3A = tpu.iota {dimensions = array<i32: 0>} : vector<16xi32>
        %add3A_94 = vector.broadcast %add3A_93 : i32 to vector<16xi32>
        %add3A_95 = arith.addi %iota3A, %add3A_94 : vector<16xi32>
        %broadcast_in_dim3A = arith.constant 0 : i32
        %broadcast_in_dim3A_96 = vector.broadcast %broadcast_in_dim3A : i32 to vector<16xi32>
        %gather3A = tpu.vector_load_idx %arg6[%add3A_95, %broadcast_in_dim3A_96] : memref<128x64xf32, #tpu.memory_space<vmem>>[vector<16xi32>, vector<16xi32>], vector<16xf32>,
        %swap3A = arith.constant 0 : i32
        %swap3A_97 = arith.index_cast %swap3A : i32 to index
        %swap3A_98 = arith.index_cast %add3A_93 : i32 to index
        %swap3A_99 = tpu.vector_load %arg8[%swap3A_97, %swap3A_98] {strides = array<i32>} : memref<64x128xf32, #tpu.memory_space<vmem>>, vector<16xf32>,
        tpu.vector_store %arg8[%swap3A_97, %swap3A_98], %gather3A {strides = array<i32>} : memref<64x128xf32, #tpu.memory_space<vmem>>, vector<16xf32>,
        %broadcast_in_dim3A_100 = arith.constant 1 : i32
        %broadcast_in_dim3A_101 = vector.broadcast %broadcast_in_dim3A_100 : i32 to vector<16xi32>
        %gather3A_102 = tpu.vector_load_idx %arg6[%add3A_95, %broadcast_in_dim3A_101] : memref<128x64xf32, #tpu.memory_space<vmem>>[vector<16xi32>, vector<16xi32>], vector<16xf32>,
        %swap3A_103 = arith.constant 1 : i32
        %swap3A_104 = arith.index_cast %swap3A_103 : i32 to index
        %swap3A_105 = arith.index_cast %add3A_93 : i32 to index
        %swap3A_106 = tpu.vector_load %arg8[%swap3A_104, %swap3A_105] {strides = array<i32>} : memref<64x128xf32, #tpu.memory_space<vmem>>, vector<16xf32>,
        tpu.vector_store %arg8[%swap3A_104, %swap3A_105], %gather3A_102 {strides = array<i32>} : memref<64x128xf32, #tpu.memory_space<vmem>>, vector<16xf32>,
        %broadcast_in_dim3A_107 = arith.constant 2 : i32
        %broadcast_in_dim3A_108 = vector.broadcast %broadcast_in_dim3A_107 : i32 to vector<16xi32>
        %gather3A_109 = tpu.vector_load_idx %arg6[%add3A_95, %broadcast_in_dim3A_108] : memref<128x64xf32, #tpu.memory_space<vmem>>[vector<16xi32>, vector<16xi32>], vector<16xf32>,
        %swap3A_110 = arith.constant 2 : i32
        %swap3A_111 = arith.index_cast %swap3A_110 : i32 to index
        %swap3A_112 = arith.index_cast %add3A_93 : i32 to index
        %swap3A_113 = tpu.vector_load %arg8[%swap3A_111, %swap3A_112] {strides = array<i32>} : memref<64x128xf32, #tpu.memory_space<vmem>>, vector<16xf32>,
        tpu.vector_store %arg8[%swap3A_111, %swap3A_112], %gather3A_109 {strides = array<i32>} : memref<64x128xf32, #tpu.memory_space<vmem>>, vector<16xf32>,
        %broadcast_in_dim3A_114 = arith.constant 3 : i32
        %broadcast_in_dim3A_115 = vector.broadcast %broadcast_in_dim3A_114 : i32 to vector<16xi32>
        %gather3A_116 = tpu.vector_load_idx %arg6[%add3A_95, %broadcast_in_dim3A_115] : memref<128x64xf32, #tpu.memory_space<vmem>>[vector<16xi32>, vector<16xi32>], vector<16xf32>,
        %swap3A_117 = arith.constant 3 : i32
        %swap3A_118 = arith.index_cast %swap3A_117 : i32 to index
        %swap3A_119 = arith.index_cast %add3A_93 : i32 to index
        %swap3A_120 = tpu.vector_load %arg8[%swap3A_118, %swap3A_119] {strides = array<i32>} : memref<64x128xf32, #tpu.memory_space<vmem>>, vector<16xf32>,
        tpu.vector_store %arg8[%swap3A_118, %swap3A_119], %gather3A_116 {strides = array<i32>} : memref<64x128xf32, #tpu.memory_space<vmem>>, vector<16xf32>,
        %broadcast_in_dim3A_121 = arith.constant 4 : i32
        %broadcast_in_dim3A_122 = vector.broadcast %broadcast_in_dim3A_121 : i32 to vector<16xi32>
        %gather3A_123 = tpu.vector_load_idx %arg6[%add3A_95, %broadcast_in_dim3A_122] : memref<128x64xf32, #tpu.memory_space<vmem>>[vector<16xi32>, vector<16xi32>], vector<16xf32>,
        %swap3A_124 = arith.constant 4 : i32
        %swap3A_125 = arith.index_cast %swap3A_124 : i32 to index
        %swap3A_126 = arith.index_cast %add3A_93 : i32 to index
        %swap3A_127 = tpu.vector_load %arg8[%swap3A_125, %swap3A_126] {strides = array<i32>} : memref<64x128xf32, #tpu.memory_space<vmem>>, vector<16xf32>,
        tpu.vector_store %arg8[%swap3A_125, %swap3A_126], %gather3A_123 {strides = array<i32>} : memref<64x128xf32, #tpu.memory_space<vmem>>, vector<16xf32>,
        %broadcast_in_dim3A_128 = arith.constant 5 : i32
        %broadcast_in_dim3A_129 = vector.broadcast %broadcast_in_dim3A_128 : i32 to vector<16xi32>
        %gather3A_130 = tpu.vector_load_idx %arg6[%add3A_95, %broadcast_in_dim3A_129] : memref<128x64xf32, #tpu.memory_space<vmem>>[vector<16xi32>, vector<16xi32>], vector<16xf32>,
        %swap3A_131 = arith.constant 5 : i32
        %swap3A_132 = arith.index_cast %swap3A_131 : i32 to index
        %swap3A_133 = arith.index_cast %add3A_93 : i32 to index
        %swap3A_134 = tpu.vector_load %arg8[%swap3A_132, %swap3A_133] {strides = array<i32>} : memref<64x128xf32, #tpu.memory_space<vmem>>, vector<16xf32>,
        tpu.vector_store %arg8[%swap3A_132, %swap3A_133], %gather3A_130 {strides = array<i32>} : memref<64x128xf32, #tpu.memory_space<vmem>>, vector<16xf32>,
        %broadcast_in_dim3A_135 = arith.constant 6 : i32
        %broadcast_in_dim3A_136 = vector.broadcast %broadcast_in_dim3A_135 : i32 to vector<16xi32>
        %gather3A_137 = tpu.vector_load_idx %arg6[%add3A_95, %broadcast_in_dim3A_136] : memref<128x64xf32, #tpu.memory_space<vmem>>[vector<16xi32>, vector<16xi32>], vector<16xf32>,
        %swap3A_138 = arith.constant 6 : i32
        %swap3A_139 = arith.index_cast %swap3A_138 : i32 to index
        %swap3A_140 = arith.index_cast %add3A_93 : i32 to index
        %swap3A_141 = tpu.vector_load %arg8[%swap3A_139, %swap3A_140] {strides = array<i32>} : memref<64x128xf32, #tpu.memory_space<vmem>>, vector<16xf32>,
        tpu.vector_store %arg8[%swap3A_139, %swap3A_140], %gather3A_137 {strides = array<i32>} : memref<64x128xf32, #tpu.memory_space<vmem>>, vector<16xf32>,
        %broadcast_in_dim3A_142 = arith.constant 7 : i32
        %broadcast_in_dim3A_143 = vector.broadcast %broadcast_in_dim3A_142 : i32 to vector<16xi32>
        %gather3A_144 = tpu.vector_load_idx %arg6[%add3A_95, %broadcast_in_dim3A_143] : memref<128x64xf32, #tpu.memory_space<vmem>>[vector<16xi32>, vector<16xi32>], vector<16xf32>,
        %swap3A_145 = arith.constant 7 : i32
        %swap3A_146 = arith.index_cast %swap3A_145 : i32 to index
        %swap3A_147 = arith.index_cast %add3A_93 : i32 to index
        %swap3A_148 = tpu.vector_load %arg8[%swap3A_146, %swap3A_147] {strides = array<i32>} : memref<64x128xf32, #tpu.memory_space<vmem>>, vector<16xf32>,
        tpu.vector_store %arg8[%swap3A_146, %swap3A_147], %gather3A_144 {strides = array<i32>} : memref<64x128xf32, #tpu.memory_space<vmem>>, vector<16xf32>,
        %broadcast_in_dim3A_149 = arith.constant 8 : i32
        %broadcast_in_dim3A_150 = vector.broadcast %broadcast_in_dim3A_149 : i32 to vector<16xi32>
        %gather3A_151 = tpu.vector_load_idx %arg6[%add3A_95, %broadcast_in_dim3A_150] : memref<128x64xf32, #tpu.memory_space<vmem>>[vector<16xi32>, vector<16xi32>], vector<16xf32>,
        %swap3A_152 = arith.constant 8 : i32
        %swap3A_153 = arith.index_cast %swap3A_152 : i32 to index
        %swap3A_154 = arith.index_cast %add3A_93 : i32 to index
        %swap3A_155 = tpu.vector_load %arg8[%swap3A_153, %swap3A_154] {strides = array<i32>} : memref<64x128xf32, #tpu.memory_space<vmem>>, vector<16xf32>,
        tpu.vector_store %arg8[%swap3A_153, %swap3A_154], %gather3A_151 {strides = array<i32>} : memref<64x128xf32, #tpu.memory_space<vmem>>, vector<16xf32>,
        %broadcast_in_dim3A_156 = arith.constant 9 : i32
        %broadcast_in_dim3A_157 = vector.broadcast %broadcast_in_dim3A_156 : i32 to vector<16xi32>
        %gather3A_158 = tpu.vector_load_idx %arg6[%add3A_95, %broadcast_in_dim3A_157] : memref<128x64xf32, #tpu.memory_space<vmem>>[vector<16xi32>, vector<16xi32>], vector<16xf32>,
        %swap3A_159 = arith.constant 9 : i32
        %swap3A_160 = arith.index_cast %swap3A_159 : i32 to index
        %swap3A_161 = arith.index_cast %add3A_93 : i32 to index
        %swap3A_162 = tpu.vector_load %arg8[%swap3A_160, %swap3A_161] {strides = array<i32>} : memref<64x128xf32, #tpu.memory_space<vmem>>, vector<16xf32>,
        tpu.vector_store %arg8[%swap3A_160, %swap3A_161], %gather3A_158 {strides = array<i32>} : memref<64x128xf32, #tpu.memory_space<vmem>>, vector<16xf32>,
        %broadcast_in_dim3A_163 = arith.constant 10 : i32
        %broadcast_in_dim3A_164 = vector.broadcast %broadcast_in_dim3A_163 : i32 to vector<16xi32>
        %gather3A_165 = tpu.vector_load_idx %arg6[%add3A_95, %broadcast_in_dim3A_164] : memref<128x64xf32, #tpu.memory_space<vmem>>[vector<16xi32>, vector<16xi32>], vector<16xf32>,
        %swap3A_166 = arith.constant 10 : i32
        %swap3A_167 = arith.index_cast %swap3A_166 : i32 to index
        %swap3A_168 = arith.index_cast %add3A_93 : i32 to index
        %swap3A_169 = tpu.vector_load %arg8[%swap3A_167, %swap3A_168] {strides = array<i32>} : memref<64x128xf32, #tpu.memory_space<vmem>>, vector<16xf32>,
        tpu.vector_store %arg8[%swap3A_167, %swap3A_168], %gather3A_165 {strides = array<i32>} : memref<64x128xf32, #tpu.memory_space<vmem>>, vector<16xf32>,
        %broadcast_in_dim3A_170 = arith.constant 11 : i32
        %broadcast_in_dim3A_171 = vector.broadcast %broadcast_in_dim3A_170 : i32 to vector<16xi32>
        %gather3A_172 = tpu.vector_load_idx %arg6[%add3A_95, %broadcast_in_dim3A_171] : memref<128x64xf32, #tpu.memory_space<vmem>>[vector<16xi32>, vector<16xi32>], vector<16xf32>,
        %swap3A_173 = arith.constant 11 : i32
        %swap3A_174 = arith.index_cast %swap3A_173 : i32 to index
        %swap3A_175 = arith.index_cast %add3A_93 : i32 to index
        %swap3A_176 = tpu.vector_load %arg8[%swap3A_174, %swap3A_175] {strides = array<i32>} : memref<64x128xf32, #tpu.memory_space<vmem>>, vector<16xf32>,
        tpu.vector_store %arg8[%swap3A_174, %swap3A_175], %gather3A_172 {strides = array<i32>} : memref<64x128xf32, #tpu.memory_space<vmem>>, vector<16xf32>,
        %broadcast_in_dim3A_177 = arith.constant 12 : i32
        %broadcast_in_dim3A_178 = vector.broadcast %broadcast_in_dim3A_177 : i32 to vector<16xi32>
        %gather3A_179 = tpu.vector_load_idx %arg6[%add3A_95, %broadcast_in_dim3A_178] : memref<128x64xf32, #tpu.memory_space<vmem>>[vector<16xi32>, vector<16xi32>], vector<16xf32>,
        %swap3A_180 = arith.constant 12 : i32
        %swap3A_181 = arith.index_cast %swap3A_180 : i32 to index
        %swap3A_182 = arith.index_cast %add3A_93 : i32 to index
        %swap3A_183 = tpu.vector_load %arg8[%swap3A_181, %swap3A_182] {strides = array<i32>} : memref<64x128xf32, #tpu.memory_space<vmem>>, vector<16xf32>,
        tpu.vector_store %arg8[%swap3A_181, %swap3A_182], %gather3A_179 {strides = array<i32>} : memref<64x128xf32, #tpu.memory_space<vmem>>, vector<16xf32>,
        %broadcast_in_dim3A_184 = arith.constant 13 : i32
        %broadcast_in_dim3A_185 = vector.broadcast %broadcast_in_dim3A_184 : i32 to vector<16xi32>
        %gather3A_186 = tpu.vector_load_idx %arg6[%add3A_95, %broadcast_in_dim3A_185] : memref<128x64xf32, #tpu.memory_space<vmem>>[vector<16xi32>, vector<16xi32>], vector<16xf32>,
        %swap3A_187 = arith.constant 13 : i32
        %swap3A_188 = arith.index_cast %swap3A_187 : i32 to index
        %swap3A_189 = arith.index_cast %add3A_93 : i32 to index
        %swap3A_190 = tpu.vector_load %arg8[%swap3A_188, %swap3A_189] {strides = array<i32>} : memref<64x128xf32, #tpu.memory_space<vmem>>, vector<16xf32>,
        tpu.vector_store %arg8[%swap3A_188, %swap3A_189], %gather3A_186 {strides = array<i32>} : memref<64x128xf32, #tpu.memory_space<vmem>>, vector<16xf32>,
        %broadcast_in_dim3A_191 = arith.constant 14 : i32
        %broadcast_in_dim3A_192 = vector.broadcast %broadcast_in_dim3A_191 : i32 to vector<16xi32>
        %gather3A_193 = tpu.vector_load_idx %arg6[%add3A_95, %broadcast_in_dim3A_192] : memref<128x64xf32, #tpu.memory_space<vmem>>[vector<16xi32>, vector<16xi32>], vector<16xf32>,
        %swap3A_194 = arith.constant 14 : i32
        %swap3A_195 = arith.index_cast %swap3A_194 : i32 to index
        %swap3A_196 = arith.index_cast %add3A_93 : i32 to index
        %swap3A_197 = tpu.vector_load %arg8[%swap3A_195, %swap3A_196] {strides = array<i32>} : memref<64x128xf32, #tpu.memory_space<vmem>>, vector<16xf32>,
        tpu.vector_store %arg8[%swap3A_195, %swap3A_196], %gather3A_193 {strides = array<i32>} : memref<64x128xf32, #tpu.memory_space<vmem>>, vector<16xf32>,
        %broadcast_in_dim3A_198 = arith.constant 15 : i32
        %broadcast_in_dim3A_199 = vector.broadcast %broadcast_in_dim3A_198 : i32 to vector<16xi32>
        %gather3A_200 = tpu.vector_load_idx %arg6[%add3A_95, %broadcast_in_dim3A_199] : memref<128x64xf32, #tpu.memory_space<vmem>>[vector<16xi32>, vector<16xi32>], vector<16xf32>,
        %swap3A_201 = arith.constant 15 : i32
        %swap3A_202 = arith.index_cast %swap3A_201 : i32 to index
        %swap3A_203 = arith.index_cast %add3A_93 : i32 to index
        %swap3A_204 = tpu.vector_load %arg8[%swap3A_202, %swap3A_203] {strides = array<i32>} : memref<64x128xf32, #tpu.memory_space<vmem>>, vector<16xf32>,
        tpu.vector_store %arg8[%swap3A_202, %swap3A_203], %gather3A_200 {strides = array<i32>} : memref<64x128xf32, #tpu.memory_space<vmem>>, vector<16xf32>,
        %broadcast_in_dim3A_205 = arith.constant 16 : i32
        %broadcast_in_dim3A_206 = vector.broadcast %broadcast_in_dim3A_205 : i32 to vector<16xi32>
        %gather3A_207 = tpu.vector_load_idx %arg6[%add3A_95, %broadcast_in_dim3A_206] : memref<128x64xf32, #tpu.memory_space<vmem>>[vector<16xi32>, vector<16xi32>], vector<16xf32>,
        %swap3A_208 = arith.constant 16 : i32
        %swap3A_209 = arith.index_cast %swap3A_208 : i32 to index
        %swap3A_210 = arith.index_cast %add3A_93 : i32 to index
        %swap3A_211 = tpu.vector_load %arg8[%swap3A_209, %swap3A_210] {strides = array<i32>} : memref<64x128xf32, #tpu.memory_space<vmem>>, vector<16xf32>,
        tpu.vector_store %arg8[%swap3A_209, %swap3A_210], %gather3A_207 {strides = array<i32>} : memref<64x128xf32, #tpu.memory_space<vmem>>, vector<16xf32>,
        %broadcast_in_dim3A_212 = arith.constant 17 : i32
        %broadcast_in_dim3A_213 = vector.broadcast %broadcast_in_dim3A_212 : i32 to vector<16xi32>
        %gather3A_214 = tpu.vector_load_idx %arg6[%add3A_95, %broadcast_in_dim3A_213] : memref<128x64xf32, #tpu.memory_space<vmem>>[vector<16xi32>, vector<16xi32>], vector<16xf32>,
        %swap3A_215 = arith.constant 17 : i32
        %swap3A_216 = arith.index_cast %swap3A_215 : i32 to index
        %swap3A_217 = arith.index_cast %add3A_93 : i32 to index
        %swap3A_218 = tpu.vector_load %arg8[%swap3A_216, %swap3A_217] {strides = array<i32>} : memref<64x128xf32, #tpu.memory_space<vmem>>, vector<16xf32>,
        tpu.vector_store %arg8[%swap3A_216, %swap3A_217], %gather3A_214 {strides = array<i32>} : memref<64x128xf32, #tpu.memory_space<vmem>>, vector<16xf32>,
        %broadcast_in_dim3A_219 = arith.constant 18 : i32
        %broadcast_in_dim3A_220 = vector.broadcast %broadcast_in_dim3A_219 : i32 to vector<16xi32>
        %gather3A_221 = tpu.vector_load_idx %arg6[%add3A_95, %broadcast_in_dim3A_220] : memref<128x64xf32, #tpu.memory_space<vmem>>[vector<16xi32>, vector<16xi32>], vector<16xf32>,
        %swap3A_222 = arith.constant 18 : i32
        %swap3A_223 = arith.index_cast %swap3A_222 : i32 to index
        %swap3A_224 = arith.index_cast %add3A_93 : i32 to index
        %swap3A_225 = tpu.vector_load %arg8[%swap3A_223, %swap3A_224] {strides = array<i32>} : memref<64x128xf32, #tpu.memory_space<vmem>>, vector<16xf32>,
        tpu.vector_store %arg8[%swap3A_223, %swap3A_224], %gather3A_221 {strides = array<i32>} : memref<64x128xf32, #tpu.memory_space<vmem>>, vector<16xf32>,
        %broadcast_in_dim3A_226 = arith.constant 19 : i32
        %broadcast_in_dim3A_227 = vector.broadcast %broadcast_in_dim3A_226 : i32 to vector<16xi32>
        %gather3A_228 = tpu.vector_load_idx %arg6[%add3A_95, %broadcast_in_dim3A_227] : memref<128x64xf32, #tpu.memory_space<vmem>>[vector<16xi32>, vector<16xi32>], vector<16xf32>,
        %swap3A_229 = arith.constant 19 : i32
        %swap3A_230 = arith.index_cast %swap3A_229 : i32 to index
        %swap3A_231 = arith.index_cast %add3A_93 : i32 to index
        %swap3A_232 = tpu.vector_load %arg8[%swap3A_230, %swap3A_231] {strides = array<i32>} : memref<64x128xf32, #tpu.memory_space<vmem>>, vector<16xf32>,
        tpu.vector_store %arg8[%swap3A_230, %swap3A_231], %gather3A_228 {strides = array<i32>} : memref<64x128xf32, #tpu.memory_space<vmem>>, vector<16xf32>,
        %broadcast_in_dim3A_233 = arith.constant 20 : i32
        %broadcast_in_dim3A_234 = vector.broadcast %broadcast_in_dim3A_233 : i32 to vector<16xi32>
        %gather3A_235 = tpu.vector_load_idx %arg6[%add3A_95, %broadcast_in_dim3A_234] : memref<128x64xf32, #tpu.memory_space<vmem>>[vector<16xi32>, vector<16xi32>], vector<16xf32>,
        %swap3A_236 = arith.constant 20 : i32
        %swap3A_237 = arith.index_cast %swap3A_236 : i32 to index
        %swap3A_238 = arith.index_cast %add3A_93 : i32 to index
        %swap3A_239 = tpu.vector_load %arg8[%swap3A_237, %swap3A_238] {strides = array<i32>} : memref<64x128xf32, #tpu.memory_space<vmem>>, vector<16xf32>,
        tpu.vector_store %arg8[%swap3A_237, %swap3A_238], %gather3A_235 {strides = array<i32>} : memref<64x128xf32, #tpu.memory_space<vmem>>, vector<16xf32>,
        %broadcast_in_dim3A_240 = arith.constant 21 : i32
        %broadcast_in_dim3A_241 = vector.broadcast %broadcast_in_dim3A_240 : i32 to vector<16xi32>
        %gather3A_242 = tpu.vector_load_idx %arg6[%add3A_95, %broadcast_in_dim3A_241] : memref<128x64xf32, #tpu.memory_space<vmem>>[vector<16xi32>, vector<16xi32>], vector<16xf32>,
        %swap3A_243 = arith.constant 21 : i32
        %swap3A_244 = arith.index_cast %swap3A_243 : i32 to index
        %swap3A_245 = arith.index_cast %add3A_93 : i32 to index
        %swap3A_246 = tpu.vector_load %arg8[%swap3A_244, %swap3A_245] {strides = array<i32>} : memref<64x128xf32, #tpu.memory_space<vmem>>, vector<16xf32>,
        tpu.vector_store %arg8[%swap3A_244, %swap3A_245], %gather3A_242 {strides = array<i32>} : memref<64x128xf32, #tpu.memory_space<vmem>>, vector<16xf32>,
        %broadcast_in_dim3A_247 = arith.constant 22 : i32
        %broadcast_in_dim3A_248 = vector.broadcast %broadcast_in_dim3A_247 : i32 to vector<16xi32>
        %gather3A_249 = tpu.vector_load_idx %arg6[%add3A_95, %broadcast_in_dim3A_248] : memref<128x64xf32, #tpu.memory_space<vmem>>[vector<16xi32>, vector<16xi32>], vector<16xf32>,
        %swap3A_250 = arith.constant 22 : i32
        %swap3A_251 = arith.index_cast %swap3A_250 : i32 to index
        %swap3A_252 = arith.index_cast %add3A_93 : i32 to index
        %swap3A_253 = tpu.vector_load %arg8[%swap3A_251, %swap3A_252] {strides = array<i32>} : memref<64x128xf32, #tpu.memory_space<vmem>>, vector<16xf32>,
        tpu.vector_store %arg8[%swap3A_251, %swap3A_252], %gather3A_249 {strides = array<i32>} : memref<64x128xf32, #tpu.memory_space<vmem>>, vector<16xf32>,
        %broadcast_in_dim3A_254 = arith.constant 23 : i32
        %broadcast_in_dim3A_255 = vector.broadcast %broadcast_in_dim3A_254 : i32 to vector<16xi32>
        %gather3A_256 = tpu.vector_load_idx %arg6[%add3A_95, %broadcast_in_dim3A_255] : memref<128x64xf32, #tpu.memory_space<vmem>>[vector<16xi32>, vector<16xi32>], vector<16xf32>,
        %swap3A_257 = arith.constant 23 : i32
        %swap3A_258 = arith.index_cast %swap3A_257 : i32 to index
        %swap3A_259 = arith.index_cast %add3A_93 : i32 to index
        %swap3A_260 = tpu.vector_load %arg8[%swap3A_258, %swap3A_259] {strides = array<i32>} : memref<64x128xf32, #tpu.memory_space<vmem>>, vector<16xf32>,
        tpu.vector_store %arg8[%swap3A_258, %swap3A_259], %gather3A_256 {strides = array<i32>} : memref<64x128xf32, #tpu.memory_space<vmem>>, vector<16xf32>,
        %broadcast_in_dim3A_261 = arith.constant 24 : i32
        %broadcast_in_dim3A_262 = vector.broadcast %broadcast_in_dim3A_261 : i32 to vector<16xi32>
        %gather3A_263 = tpu.vector_load_idx %arg6[%add3A_95, %broadcast_in_dim3A_262] : memref<128x64xf32, #tpu.memory_space<vmem>>[vector<16xi32>, vector<16xi32>], vector<16xf32>,
        %swap3A_264 = arith.constant 24 : i32
        %swap3A_265 = arith.index_cast %swap3A_264 : i32 to index
        %swap3A_266 = arith.index_cast %add3A_93 : i32 to index
        %swap3A_267 = tpu.vector_load %arg8[%swap3A_265, %swap3A_266] {strides = array<i32>} : memref<64x128xf32, #tpu.memory_space<vmem>>, vector<16xf32>,
        tpu.vector_store %arg8[%swap3A_265, %swap3A_266], %gather3A_263 {strides = array<i32>} : memref<64x128xf32, #tpu.memory_space<vmem>>, vector<16xf32>,
        %broadcast_in_dim3A_268 = arith.constant 25 : i32
        %broadcast_in_dim3A_269 = vector.broadcast %broadcast_in_dim3A_268 : i32 to vector<16xi32>
        %gather3A_270 = tpu.vector_load_idx %arg6[%add3A_95, %broadcast_in_dim3A_269] : memref<128x64xf32, #tpu.memory_space<vmem>>[vector<16xi32>, vector<16xi32>], vector<16xf32>,
        %swap3A_271 = arith.constant 25 : i32
        %swap3A_272 = arith.index_cast %swap3A_271 : i32 to index
        %swap3A_273 = arith.index_cast %add3A_93 : i32 to index
        %swap3A_274 = tpu.vector_load %arg8[%swap3A_272, %swap3A_273] {strides = array<i32>} : memref<64x128xf32, #tpu.memory_space<vmem>>, vector<16xf32>,
        tpu.vector_store %arg8[%swap3A_272, %swap3A_273], %gather3A_270 {strides = array<i32>} : memref<64x128xf32, #tpu.memory_space<vmem>>, vector<16xf32>,
        %broadcast_in_dim3A_275 = arith.constant 26 : i32
        %broadcast_in_dim3A_276 = vector.broadcast %broadcast_in_dim3A_275 : i32 to vector<16xi32>
        %gather3A_277 = tpu.vector_load_idx %arg6[%add3A_95, %broadcast_in_dim3A_276] : memref<128x64xf32, #tpu.memory_space<vmem>>[vector<16xi32>, vector<16xi32>], vector<16xf32>,
        %swap3A_278 = arith.constant 26 : i32
        %swap3A_279 = arith.index_cast %swap3A_278 : i32 to index
        %swap3A_280 = arith.index_cast %add3A_93 : i32 to index
        %swap3A_281 = tpu.vector_load %arg8[%swap3A_279, %swap3A_280] {strides = array<i32>} : memref<64x128xf32, #tpu.memory_space<vmem>>, vector<16xf32>,
        tpu.vector_store %arg8[%swap3A_279, %swap3A_280], %gather3A_277 {strides = array<i32>} : memref<64x128xf32, #tpu.memory_space<vmem>>, vector<16xf32>,
        %broadcast_in_dim3A_282 = arith.constant 27 : i32
        %broadcast_in_dim3A_283 = vector.broadcast %broadcast_in_dim3A_282 : i32 to vector<16xi32>
        %gather3A_284 = tpu.vector_load_idx %arg6[%add3A_95, %broadcast_in_dim3A_283] : memref<128x64xf32, #tpu.memory_space<vmem>>[vector<16xi32>, vector<16xi32>], vector<16xf32>,
        %swap3A_285 = arith.constant 27 : i32
        %swap3A_286 = arith.index_cast %swap3A_285 : i32 to index
        %swap3A_287 = arith.index_cast %add3A_93 : i32 to index
        %swap3A_288 = tpu.vector_load %arg8[%swap3A_286, %swap3A_287] {strides = array<i32>} : memref<64x128xf32, #tpu.memory_space<vmem>>, vector<16xf32>,
        tpu.vector_store %arg8[%swap3A_286, %swap3A_287], %gather3A_284 {strides = array<i32>} : memref<64x128xf32, #tpu.memory_space<vmem>>, vector<16xf32>,
        %broadcast_in_dim3A_289 = arith.constant 28 : i32
        %broadcast_in_dim3A_290 = vector.broadcast %broadcast_in_dim3A_289 : i32 to vector<16xi32>
        %gather3A_291 = tpu.vector_load_idx %arg6[%add3A_95, %broadcast_in_dim3A_290] : memref<128x64xf32, #tpu.memory_space<vmem>>[vector<16xi32>, vector<16xi32>], vector<16xf32>,
        %swap3A_292 = arith.constant 28 : i32
        %swap3A_293 = arith.index_cast %swap3A_292 : i32 to index
        %swap3A_294 = arith.index_cast %add3A_93 : i32 to index
        %swap3A_295 = tpu.vector_load %arg8[%swap3A_293, %swap3A_294] {strides = array<i32>} : memref<64x128xf32, #tpu.memory_space<vmem>>, vector<16xf32>,
        tpu.vector_store %arg8[%swap3A_293, %swap3A_294], %gather3A_291 {strides = array<i32>} : memref<64x128xf32, #tpu.memory_space<vmem>>, vector<16xf32>,
        %broadcast_in_dim3A_296 = arith.constant 29 : i32
        %broadcast_in_dim3A_297 = vector.broadcast %broadcast_in_dim3A_296 : i32 to vector<16xi32>
        %gather3A_298 = tpu.vector_load_idx %arg6[%add3A_95, %broadcast_in_dim3A_297] : memref<128x64xf32, #tpu.memory_space<vmem>>[vector<16xi32>, vector<16xi32>], vector<16xf32>,
        %swap3A_299 = arith.constant 29 : i32
        %swap3A_300 = arith.index_cast %swap3A_299 : i32 to index
        %swap3A_301 = arith.index_cast %add3A_93 : i32 to index
        %swap3A_302 = tpu.vector_load %arg8[%swap3A_300, %swap3A_301] {strides = array<i32>} : memref<64x128xf32, #tpu.memory_space<vmem>>, vector<16xf32>,
        tpu.vector_store %arg8[%swap3A_300, %swap3A_301], %gather3A_298 {strides = array<i32>} : memref<64x128xf32, #tpu.memory_space<vmem>>, vector<16xf32>,
        %broadcast_in_dim3A_303 = arith.constant 30 : i32
        %broadcast_in_dim3A_304 = vector.broadcast %broadcast_in_dim3A_303 : i32 to vector<16xi32>
        %gather3A_305 = tpu.vector_load_idx %arg6[%add3A_95, %broadcast_in_dim3A_304] : memref<128x64xf32, #tpu.memory_space<vmem>>[vector<16xi32>, vector<16xi32>], vector<16xf32>,
        %swap3A_306 = arith.constant 30 : i32
        %swap3A_307 = arith.index_cast %swap3A_306 : i32 to index
        %swap3A_308 = arith.index_cast %add3A_93 : i32 to index
        %swap3A_309 = tpu.vector_load %arg8[%swap3A_307, %swap3A_308] {strides = array<i32>} : memref<64x128xf32, #tpu.memory_space<vmem>>, vector<16xf32>,
        tpu.vector_store %arg8[%swap3A_307, %swap3A_308], %gather3A_305 {strides = array<i32>} : memref<64x128xf32, #tpu.memory_space<vmem>>, vector<16xf32>,
        %broadcast_in_dim3A_310 = arith.constant 31 : i32
        %broadcast_in_dim3A_311 = vector.broadcast %broadcast_in_dim3A_310 : i32 to vector<16xi32>
        %gather3A_312 = tpu.vector_load_idx %arg6[%add3A_95, %broadcast_in_dim3A_311] : memref<128x64xf32, #tpu.memory_space<vmem>>[vector<16xi32>, vector<16xi32>], vector<16xf32>,
        %swap3A_313 = arith.constant 31 : i32
        %swap3A_314 = arith.index_cast %swap3A_313 : i32 to index
        %swap3A_315 = arith.index_cast %add3A_93 : i32 to index
        %swap3A_316 = tpu.vector_load %arg8[%swap3A_314, %swap3A_315] {strides = array<i32>} : memref<64x128xf32, #tpu.memory_space<vmem>>, vector<16xf32>,
        tpu.vector_store %arg8[%swap3A_314, %swap3A_315], %gather3A_312 {strides = array<i32>} : memref<64x128xf32, #tpu.memory_space<vmem>>, vector<16xf32>,
        %broadcast_in_dim3A_317 = arith.constant 32 : i32
        %broadcast_in_dim3A_318 = vector.broadcast %broadcast_in_dim3A_317 : i32 to vector<16xi32>
        %gather3A_319 = tpu.vector_load_idx %arg6[%add3A_95, %broadcast_in_dim3A_318] : memref<128x64xf32, #tpu.memory_space<vmem>>[vector<16xi32>, vector<16xi32>], vector<16xf32>,
        %swap3A_320 = arith.constant 32 : i32
        %swap3A_321 = arith.index_cast %swap3A_320 : i32 to index
        %swap3A_322 = arith.index_cast %add3A_93 : i32 to index
        %swap3A_323 = tpu.vector_load %arg8[%swap3A_321, %swap3A_322] {strides = array<i32>} : memref<64x128xf32, #tpu.memory_space<vmem>>, vector<16xf32>,
        tpu.vector_store %arg8[%swap3A_321, %swap3A_322], %gather3A_319 {strides = array<i32>} : memref<64x128xf32, #tpu.memory_space<vmem>>, vector<16xf32>,
        %broadcast_in_dim3A_324 = arith.constant 33 : i32
        %broadcast_in_dim3A_325 = vector.broadcast %broadcast_in_dim3A_324 : i32 to vector<16xi32>
        %gather3A_326 = tpu.vector_load_idx %arg6[%add3A_95, %broadcast_in_dim3A_325] : memref<128x64xf32, #tpu.memory_space<vmem>>[vector<16xi32>, vector<16xi32>], vector<16xf32>,
        %swap3A_327 = arith.constant 33 : i32
        %swap3A_328 = arith.index_cast %swap3A_327 : i32 to index
        %swap3A_329 = arith.index_cast %add3A_93 : i32 to index
        %swap3A_330 = tpu.vector_load %arg8[%swap3A_328, %swap3A_329] {strides = array<i32>} : memref<64x128xf32, #tpu.memory_space<vmem>>, vector<16xf32>,
        tpu.vector_store %arg8[%swap3A_328, %swap3A_329], %gather3A_326 {strides = array<i32>} : memref<64x128xf32, #tpu.memory_space<vmem>>, vector<16xf32>,
        %broadcast_in_dim3A_331 = arith.constant 34 : i32
        %broadcast_in_dim3A_332 = vector.broadcast %broadcast_in_dim3A_331 : i32 to vector<16xi32>
        %gather3A_333 = tpu.vector_load_idx %arg6[%add3A_95, %broadcast_in_dim3A_332] : memref<128x64xf32, #tpu.memory_space<vmem>>[vector<16xi32>, vector<16xi32>], vector<16xf32>,
        %swap3A_334 = arith.constant 34 : i32
        %swap3A_335 = arith.index_cast %swap3A_334 : i32 to index
        %swap3A_336 = arith.index_cast %add3A_93 : i32 to index
        %swap3A_337 = tpu.vector_load %arg8[%swap3A_335, %swap3A_336] {strides = array<i32>} : memref<64x128xf32, #tpu.memory_space<vmem>>, vector<16xf32>,
        tpu.vector_store %arg8[%swap3A_335, %swap3A_336], %gather3A_333 {strides = array<i32>} : memref<64x128xf32, #tpu.memory_space<vmem>>, vector<16xf32>,
        %broadcast_in_dim3A_338 = arith.constant 35 : i32
        %broadcast_in_dim3A_339 = vector.broadcast %broadcast_in_dim3A_338 : i32 to vector<16xi32>
        %gather3A_340 = tpu.vector_load_idx %arg6[%add3A_95, %broadcast_in_dim3A_339] : memref<128x64xf32, #tpu.memory_space<vmem>>[vector<16xi32>, vector<16xi32>], vector<16xf32>,
        %swap3A_341 = arith.constant 35 : i32
        %swap3A_342 = arith.index_cast %swap3A_341 : i32 to index
        %swap3A_343 = arith.index_cast %add3A_93 : i32 to index
        %swap3A_344 = tpu.vector_load %arg8[%swap3A_342, %swap3A_343] {strides = array<i32>} : memref<64x128xf32, #tpu.memory_space<vmem>>, vector<16xf32>,
        tpu.vector_store %arg8[%swap3A_342, %swap3A_343], %gather3A_340 {strides = array<i32>} : memref<64x128xf32, #tpu.memory_space<vmem>>, vector<16xf32>,
        %broadcast_in_dim3A_345 = arith.constant 36 : i32
        %broadcast_in_dim3A_346 = vector.broadcast %broadcast_in_dim3A_345 : i32 to vector<16xi32>
        %gather3A_347 = tpu.vector_load_idx %arg6[%add3A_95, %broadcast_in_dim3A_346] : memref<128x64xf32, #tpu.memory_space<vmem>>[vector<16xi32>, vector<16xi32>], vector<16xf32>,
        %swap3A_348 = arith.constant 36 : i32
        %swap3A_349 = arith.index_cast %swap3A_348 : i32 to index
        %swap3A_350 = arith.index_cast %add3A_93 : i32 to index
        %swap3A_351 = tpu.vector_load %arg8[%swap3A_349, %swap3A_350] {strides = array<i32>} : memref<64x128xf32, #tpu.memory_space<vmem>>, vector<16xf32>,
        tpu.vector_store %arg8[%swap3A_349, %swap3A_350], %gather3A_347 {strides = array<i32>} : memref<64x128xf32, #tpu.memory_space<vmem>>, vector<16xf32>,
        %broadcast_in_dim3A_352 = arith.constant 37 : i32
        %broadcast_in_dim3A_353 = vector.broadcast %broadcast_in_dim3A_352 : i32 to vector<16xi32>
        %gather3A_354 = tpu.vector_load_idx %arg6[%add3A_95, %broadcast_in_dim3A_353] : memref<128x64xf32, #tpu.memory_space<vmem>>[vector<16xi32>, vector<16xi32>], vector<16xf32>,
        %swap3A_355 = arith.constant 37 : i32
        %swap3A_356 = arith.index_cast %swap3A_355 : i32 to index
        %swap3A_357 = arith.index_cast %add3A_93 : i32 to index
        %swap3A_358 = tpu.vector_load %arg8[%swap3A_356, %swap3A_357] {strides = array<i32>} : memref<64x128xf32, #tpu.memory_space<vmem>>, vector<16xf32>,
        tpu.vector_store %arg8[%swap3A_356, %swap3A_357], %gather3A_354 {strides = array<i32>} : memref<64x128xf32, #tpu.memory_space<vmem>>, vector<16xf32>,
        %broadcast_in_dim3A_359 = arith.constant 38 : i32
        %broadcast_in_dim3A_360 = vector.broadcast %broadcast_in_dim3A_359 : i32 to vector<16xi32>
        %gather3A_361 = tpu.vector_load_idx %arg6[%add3A_95, %broadcast_in_dim3A_360] : memref<128x64xf32, #tpu.memory_space<vmem>>[vector<16xi32>, vector<16xi32>], vector<16xf32>,
        %swap3A_362 = arith.constant 38 : i32
        %swap3A_363 = arith.index_cast %swap3A_362 : i32 to index
        %swap3A_364 = arith.index_cast %add3A_93 : i32 to index
        %swap3A_365 = tpu.vector_load %arg8[%swap3A_363, %swap3A_364] {strides = array<i32>} : memref<64x128xf32, #tpu.memory_space<vmem>>, vector<16xf32>,
        tpu.vector_store %arg8[%swap3A_363, %swap3A_364], %gather3A_361 {strides = array<i32>} : memref<64x128xf32, #tpu.memory_space<vmem>>, vector<16xf32>,
        %broadcast_in_dim3A_366 = arith.constant 39 : i32
        %broadcast_in_dim3A_367 = vector.broadcast %broadcast_in_dim3A_366 : i32 to vector<16xi32>
        %gather3A_368 = tpu.vector_load_idx %arg6[%add3A_95, %broadcast_in_dim3A_367] : memref<128x64xf32, #tpu.memory_space<vmem>>[vector<16xi32>, vector<16xi32>], vector<16xf32>,
        %swap3A_369 = arith.constant 39 : i32
        %swap3A_370 = arith.index_cast %swap3A_369 : i32 to index
        %swap3A_371 = arith.index_cast %add3A_93 : i32 to index
        %swap3A_372 = tpu.vector_load %arg8[%swap3A_370, %swap3A_371] {strides = array<i32>} : memref<64x128xf32, #tpu.memory_space<vmem>>, vector<16xf32>,
        tpu.vector_store %arg8[%swap3A_370, %swap3A_371], %gather3A_368 {strides = array<i32>} : memref<64x128xf32, #tpu.memory_space<vmem>>, vector<16xf32>,
        %broadcast_in_dim3A_373 = arith.constant 40 : i32
        %broadcast_in_dim3A_374 = vector.broadcast %broadcast_in_dim3A_373 : i32 to vector<16xi32>
        %gather3A_375 = tpu.vector_load_idx %arg6[%add3A_95, %broadcast_in_dim3A_374] : memref<128x64xf32, #tpu.memory_space<vmem>>[vector<16xi32>, vector<16xi32>], vector<16xf32>,
        %swap3A_376 = arith.constant 40 : i32
        %swap3A_377 = arith.index_cast %swap3A_376 : i32 to index
        %swap3A_378 = arith.index_cast %add3A_93 : i32 to index
        %swap3A_379 = tpu.vector_load %arg8[%swap3A_377, %swap3A_378] {strides = array<i32>} : memref<64x128xf32, #tpu.memory_space<vmem>>, vector<16xf32>,
        tpu.vector_store %arg8[%swap3A_377, %swap3A_378], %gather3A_375 {strides = array<i32>} : memref<64x128xf32, #tpu.memory_space<vmem>>, vector<16xf32>,
        %broadcast_in_dim3A_380 = arith.constant 41 : i32
        %broadcast_in_dim3A_381 = vector.broadcast %broadcast_in_dim3A_380 : i32 to vector<16xi32>
        %gather3A_382 = tpu.vector_load_idx %arg6[%add3A_95, %broadcast_in_dim3A_381] : memref<128x64xf32, #tpu.memory_space<vmem>>[vector<16xi32>, vector<16xi32>], vector<16xf32>,
        %swap3A_383 = arith.constant 41 : i32
        %swap3A_384 = arith.index_cast %swap3A_383 : i32 to index
        %swap3A_385 = arith.index_cast %add3A_93 : i32 to index
        %swap3A_386 = tpu.vector_load %arg8[%swap3A_384, %swap3A_385] {strides = array<i32>} : memref<64x128xf32, #tpu.memory_space<vmem>>, vector<16xf32>,
        tpu.vector_store %arg8[%swap3A_384, %swap3A_385], %gather3A_382 {strides = array<i32>} : memref<64x128xf32, #tpu.memory_space<vmem>>, vector<16xf32>,
        %broadcast_in_dim3A_387 = arith.constant 42 : i32
        %broadcast_in_dim3A_388 = vector.broadcast %broadcast_in_dim3A_387 : i32 to vector<16xi32>
        %gather3A_389 = tpu.vector_load_idx %arg6[%add3A_95, %broadcast_in_dim3A_388] : memref<128x64xf32, #tpu.memory_space<vmem>>[vector<16xi32>, vector<16xi32>], vector<16xf32>,
        %swap3A_390 = arith.constant 42 : i32
        %swap3A_391 = arith.index_cast %swap3A_390 : i32 to index
        %swap3A_392 = arith.index_cast %add3A_93 : i32 to index
        %swap3A_393 = tpu.vector_load %arg8[%swap3A_391, %swap3A_392] {strides = array<i32>} : memref<64x128xf32, #tpu.memory_space<vmem>>, vector<16xf32>,
        tpu.vector_store %arg8[%swap3A_391, %swap3A_392], %gather3A_389 {strides = array<i32>} : memref<64x128xf32, #tpu.memory_space<vmem>>, vector<16xf32>,
        %broadcast_in_dim3A_394 = arith.constant 43 : i32
        %broadcast_in_dim3A_395 = vector.broadcast %broadcast_in_dim3A_394 : i32 to vector<16xi32>
        %gather3A_396 = tpu.vector_load_idx %arg6[%add3A_95, %broadcast_in_dim3A_395] : memref<128x64xf32, #tpu.memory_space<vmem>>[vector<16xi32>, vector<16xi32>], vector<16xf32>,
        %swap3A_397 = arith.constant 43 : i32
        %swap3A_398 = arith.index_cast %swap3A_397 : i32 to index
        %swap3A_399 = arith.index_cast %add3A_93 : i32 to index
        %swap3A_400 = tpu.vector_load %arg8[%swap3A_398, %swap3A_399] {strides = array<i32>} : memref<64x128xf32, #tpu.memory_space<vmem>>, vector<16xf32>,
        tpu.vector_store %arg8[%swap3A_398, %swap3A_399], %gather3A_396 {strides = array<i32>} : memref<64x128xf32, #tpu.memory_space<vmem>>, vector<16xf32>,
        %broadcast_in_dim3A_401 = arith.constant 44 : i32
        %broadcast_in_dim3A_402 = vector.broadcast %broadcast_in_dim3A_401 : i32 to vector<16xi32>
        %gather3A_403 = tpu.vector_load_idx %arg6[%add3A_95, %broadcast_in_dim3A_402] : memref<128x64xf32, #tpu.memory_space<vmem>>[vector<16xi32>, vector<16xi32>], vector<16xf32>,
        %swap3A_404 = arith.constant 44 : i32
        %swap3A_405 = arith.index_cast %swap3A_404 : i32 to index
        %swap3A_406 = arith.index_cast %add3A_93 : i32 to index
        %swap3A_407 = tpu.vector_load %arg8[%swap3A_405, %swap3A_406] {strides = array<i32>} : memref<64x128xf32, #tpu.memory_space<vmem>>, vector<16xf32>,
        tpu.vector_store %arg8[%swap3A_405, %swap3A_406], %gather3A_403 {strides = array<i32>} : memref<64x128xf32, #tpu.memory_space<vmem>>, vector<16xf32>,
        %broadcast_in_dim3A_408 = arith.constant 45 : i32
        %broadcast_in_dim3A_409 = vector.broadcast %broadcast_in_dim3A_408 : i32 to vector<16xi32>
        %gather3A_410 = tpu.vector_load_idx %arg6[%add3A_95, %broadcast_in_dim3A_409] : memref<128x64xf32, #tpu.memory_space<vmem>>[vector<16xi32>, vector<16xi32>], vector<16xf32>,
        %swap3A_411 = arith.constant 45 : i32
        %swap3A_412 = arith.index_cast %swap3A_411 : i32 to index
        %swap3A_413 = arith.index_cast %add3A_93 : i32 to index
        %swap3A_414 = tpu.vector_load %arg8[%swap3A_412, %swap3A_413] {strides = array<i32>} : memref<64x128xf32, #tpu.memory_space<vmem>>, vector<16xf32>,
        tpu.vector_store %arg8[%swap3A_412, %swap3A_413], %gather3A_410 {strides = array<i32>} : memref<64x128xf32, #tpu.memory_space<vmem>>, vector<16xf32>,
        %broadcast_in_dim3A_415 = arith.constant 46 : i32
        %broadcast_in_dim3A_416 = vector.broadcast %broadcast_in_dim3A_415 : i32 to vector<16xi32>
        %gather3A_417 = tpu.vector_load_idx %arg6[%add3A_95, %broadcast_in_dim3A_416] : memref<128x64xf32, #tpu.memory_space<vmem>>[vector<16xi32>, vector<16xi32>], vector<16xf32>,
        %swap3A_418 = arith.constant 46 : i32
        %swap3A_419 = arith.index_cast %swap3A_418 : i32 to index
        %swap3A_420 = arith.index_cast %add3A_93 : i32 to index
        %swap3A_421 = tpu.vector_load %arg8[%swap3A_419, %swap3A_420] {strides = array<i32>} : memref<64x128xf32, #tpu.memory_space<vmem>>, vector<16xf32>,
        tpu.vector_store %arg8[%swap3A_419, %swap3A_420], %gather3A_417 {strides = array<i32>} : memref<64x128xf32, #tpu.memory_space<vmem>>, vector<16xf32>,
        %broadcast_in_dim3A_422 = arith.constant 47 : i32
        %broadcast_in_dim3A_423 = vector.broadcast %broadcast_in_dim3A_422 : i32 to vector<16xi32>
        %gather3A_424 = tpu.vector_load_idx %arg6[%add3A_95, %broadcast_in_dim3A_423] : memref<128x64xf32, #tpu.memory_space<vmem>>[vector<16xi32>, vector<16xi32>], vector<16xf32>,
        %swap3A_425 = arith.constant 47 : i32
        %swap3A_426 = arith.index_cast %swap3A_425 : i32 to index
        %swap3A_427 = arith.index_cast %add3A_93 : i32 to index
        %swap3A_428 = tpu.vector_load %arg8[%swap3A_426, %swap3A_427] {strides = array<i32>} : memref<64x128xf32, #tpu.memory_space<vmem>>, vector<16xf32>,
        tpu.vector_store %arg8[%swap3A_426, %swap3A_427], %gather3A_424 {strides = array<i32>} : memref<64x128xf32, #tpu.memory_space<vmem>>, vector<16xf32>,
        %broadcast_in_dim3A_429 = arith.constant 48 : i32
        %broadcast_in_dim3A_430 = vector.broadcast %broadcast_in_dim3A_429 : i32 to vector<16xi32>
        %gather3A_431 = tpu.vector_load_idx %arg6[%add3A_95, %broadcast_in_dim3A_430] : memref<128x64xf32, #tpu.memory_space<vmem>>[vector<16xi32>, vector<16xi32>], vector<16xf32>,
        %swap3A_432 = arith.constant 48 : i32
        %swap3A_433 = arith.index_cast %swap3A_432 : i32 to index
        %swap3A_434 = arith.index_cast %add3A_93 : i32 to index
        %swap3A_435 = tpu.vector_load %arg8[%swap3A_433, %swap3A_434] {strides = array<i32>} : memref<64x128xf32, #tpu.memory_space<vmem>>, vector<16xf32>,
        tpu.vector_store %arg8[%swap3A_433, %swap3A_434], %gather3A_431 {strides = array<i32>} : memref<64x128xf32, #tpu.memory_space<vmem>>, vector<16xf32>,
        %broadcast_in_dim3A_436 = arith.constant 49 : i32
        %broadcast_in_dim3A_437 = vector.broadcast %broadcast_in_dim3A_436 : i32 to vector<16xi32>
        %gather3A_438 = tpu.vector_load_idx %arg6[%add3A_95, %broadcast_in_dim3A_437] : memref<128x64xf32, #tpu.memory_space<vmem>>[vector<16xi32>, vector<16xi32>], vector<16xf32>,
        %swap3A_439 = arith.constant 49 : i32
        %swap3A_440 = arith.index_cast %swap3A_439 : i32 to index
        %swap3A_441 = arith.index_cast %add3A_93 : i32 to index
        %swap3A_442 = tpu.vector_load %arg8[%swap3A_440, %swap3A_441] {strides = array<i32>} : memref<64x128xf32, #tpu.memory_space<vmem>>, vector<16xf32>,
        tpu.vector_store %arg8[%swap3A_440, %swap3A_441], %gather3A_438 {strides = array<i32>} : memref<64x128xf32, #tpu.memory_space<vmem>>, vector<16xf32>,
        %broadcast_in_dim3A_443 = arith.constant 50 : i32
        %broadcast_in_dim3A_444 = vector.broadcast %broadcast_in_dim3A_443 : i32 to vector<16xi32>
        %gather3A_445 = tpu.vector_load_idx %arg6[%add3A_95, %broadcast_in_dim3A_444] : memref<128x64xf32, #tpu.memory_space<vmem>>[vector<16xi32>, vector<16xi32>], vector<16xf32>,
        %swap3A_446 = arith.constant 50 : i32
        %swap3A_447 = arith.index_cast %swap3A_446 : i32 to index
        %swap3A_448 = arith.index_cast %add3A_93 : i32 to index
        %swap3A_449 = tpu.vector_load %arg8[%swap3A_447, %swap3A_448] {strides = array<i32>} : memref<64x128xf32, #tpu.memory_space<vmem>>, vector<16xf32>,
        tpu.vector_store %arg8[%swap3A_447, %swap3A_448], %gather3A_445 {strides = array<i32>} : memref<64x128xf32, #tpu.memory_space<vmem>>, vector<16xf32>,
        %broadcast_in_dim3A_450 = arith.constant 51 : i32
        %broadcast_in_dim3A_451 = vector.broadcast %broadcast_in_dim3A_450 : i32 to vector<16xi32>
        %gather3A_452 = tpu.vector_load_idx %arg6[%add3A_95, %broadcast_in_dim3A_451] : memref<128x64xf32, #tpu.memory_space<vmem>>[vector<16xi32>, vector<16xi32>], vector<16xf32>,
        %swap3A_453 = arith.constant 51 : i32
        %swap3A_454 = arith.index_cast %swap3A_453 : i32 to index
        %swap3A_455 = arith.index_cast %add3A_93 : i32 to index
        %swap3A_456 = tpu.vector_load %arg8[%swap3A_454, %swap3A_455] {strides = array<i32>} : memref<64x128xf32, #tpu.memory_space<vmem>>, vector<16xf32>,
        tpu.vector_store %arg8[%swap3A_454, %swap3A_455], %gather3A_452 {strides = array<i32>} : memref<64x128xf32, #tpu.memory_space<vmem>>, vector<16xf32>,
        %broadcast_in_dim3A_457 = arith.constant 52 : i32
        %broadcast_in_dim3A_458 = vector.broadcast %broadcast_in_dim3A_457 : i32 to vector<16xi32>
        %gather3A_459 = tpu.vector_load_idx %arg6[%add3A_95, %broadcast_in_dim3A_458] : memref<128x64xf32, #tpu.memory_space<vmem>>[vector<16xi32>, vector<16xi32>], vector<16xf32>,
        %swap3A_460 = arith.constant 52 : i32
        %swap3A_461 = arith.index_cast %swap3A_460 : i32 to index
        %swap3A_462 = arith.index_cast %add3A_93 : i32 to index
        %swap3A_463 = tpu.vector_load %arg8[%swap3A_461, %swap3A_462] {strides = array<i32>} : memref<64x128xf32, #tpu.memory_space<vmem>>, vector<16xf32>,
        tpu.vector_store %arg8[%swap3A_461, %swap3A_462], %gather3A_459 {strides = array<i32>} : memref<64x128xf32, #tpu.memory_space<vmem>>, vector<16xf32>,
        %broadcast_in_dim3A_464 = arith.constant 53 : i32
        %broadcast_in_dim3A_465 = vector.broadcast %broadcast_in_dim3A_464 : i32 to vector<16xi32>
        %gather3A_466 = tpu.vector_load_idx %arg6[%add3A_95, %broadcast_in_dim3A_465] : memref<128x64xf32, #tpu.memory_space<vmem>>[vector<16xi32>, vector<16xi32>], vector<16xf32>,
        %swap3A_467 = arith.constant 53 : i32
        %swap3A_468 = arith.index_cast %swap3A_467 : i32 to index
        %swap3A_469 = arith.index_cast %add3A_93 : i32 to index
        %swap3A_470 = tpu.vector_load %arg8[%swap3A_468, %swap3A_469] {strides = array<i32>} : memref<64x128xf32, #tpu.memory_space<vmem>>, vector<16xf32>,
        tpu.vector_store %arg8[%swap3A_468, %swap3A_469], %gather3A_466 {strides = array<i32>} : memref<64x128xf32, #tpu.memory_space<vmem>>, vector<16xf32>,
        %broadcast_in_dim3A_471 = arith.constant 54 : i32
        %broadcast_in_dim3A_472 = vector.broadcast %broadcast_in_dim3A_471 : i32 to vector<16xi32>
        %gather3A_473 = tpu.vector_load_idx %arg6[%add3A_95, %broadcast_in_dim3A_472] : memref<128x64xf32, #tpu.memory_space<vmem>>[vector<16xi32>, vector<16xi32>], vector<16xf32>,
        %swap3A_474 = arith.constant 54 : i32
        %swap3A_475 = arith.index_cast %swap3A_474 : i32 to index
        %swap3A_476 = arith.index_cast %add3A_93 : i32 to index
        %swap3A_477 = tpu.vector_load %arg8[%swap3A_475, %swap3A_476] {strides = array<i32>} : memref<64x128xf32, #tpu.memory_space<vmem>>, vector<16xf32>,
        tpu.vector_store %arg8[%swap3A_475, %swap3A_476], %gather3A_473 {strides = array<i32>} : memref<64x128xf32, #tpu.memory_space<vmem>>, vector<16xf32>,
        %broadcast_in_dim3A_478 = arith.constant 55 : i32
        %broadcast_in_dim3A_479 = vector.broadcast %broadcast_in_dim3A_478 : i32 to vector<16xi32>
        %gather3A_480 = tpu.vector_load_idx %arg6[%add3A_95, %broadcast_in_dim3A_479] : memref<128x64xf32, #tpu.memory_space<vmem>>[vector<16xi32>, vector<16xi32>], vector<16xf32>,
        %swap3A_481 = arith.constant 55 : i32
        %swap3A_482 = arith.index_cast %swap3A_481 : i32 to index
        %swap3A_483 = arith.index_cast %add3A_93 : i32 to index
        %swap3A_484 = tpu.vector_load %arg8[%swap3A_482, %swap3A_483] {strides = array<i32>} : memref<64x128xf32, #tpu.memory_space<vmem>>, vector<16xf32>,
        tpu.vector_store %arg8[%swap3A_482, %swap3A_483], %gather3A_480 {strides = array<i32>} : memref<64x128xf32, #tpu.memory_space<vmem>>, vector<16xf32>,
        %broadcast_in_dim3A_485 = arith.constant 56 : i32
        %broadcast_in_dim3A_486 = vector.broadcast %broadcast_in_dim3A_485 : i32 to vector<16xi32>
        %gather3A_487 = tpu.vector_load_idx %arg6[%add3A_95, %broadcast_in_dim3A_486] : memref<128x64xf32, #tpu.memory_space<vmem>>[vector<16xi32>, vector<16xi32>], vector<16xf32>,
        %swap3A_488 = arith.constant 56 : i32
        %swap3A_489 = arith.index_cast %swap3A_488 : i32 to index
        %swap3A_490 = arith.index_cast %add3A_93 : i32 to index
        %swap3A_491 = tpu.vector_load %arg8[%swap3A_489, %swap3A_490] {strides = array<i32>} : memref<64x128xf32, #tpu.memory_space<vmem>>, vector<16xf32>,
        tpu.vector_store %arg8[%swap3A_489, %swap3A_490], %gather3A_487 {strides = array<i32>} : memref<64x128xf32, #tpu.memory_space<vmem>>, vector<16xf32>,
        %broadcast_in_dim3A_492 = arith.constant 57 : i32
        %broadcast_in_dim3A_493 = vector.broadcast %broadcast_in_dim3A_492 : i32 to vector<16xi32>
        %gather3A_494 = tpu.vector_load_idx %arg6[%add3A_95, %broadcast_in_dim3A_493] : memref<128x64xf32, #tpu.memory_space<vmem>>[vector<16xi32>, vector<16xi32>], vector<16xf32>,
        %swap3A_495 = arith.constant 57 : i32
        %swap3A_496 = arith.index_cast %swap3A_495 : i32 to index
        %swap3A_497 = arith.index_cast %add3A_93 : i32 to index
        %swap3A_498 = tpu.vector_load %arg8[%swap3A_496, %swap3A_497] {strides = array<i32>} : memref<64x128xf32, #tpu.memory_space<vmem>>, vector<16xf32>,
        tpu.vector_store %arg8[%swap3A_496, %swap3A_497], %gather3A_494 {strides = array<i32>} : memref<64x128xf32, #tpu.memory_space<vmem>>, vector<16xf32>,
        %broadcast_in_dim3A_499 = arith.constant 58 : i32
        %broadcast_in_dim3A_500 = vector.broadcast %broadcast_in_dim3A_499 : i32 to vector<16xi32>
        %gather3A_501 = tpu.vector_load_idx %arg6[%add3A_95, %broadcast_in_dim3A_500] : memref<128x64xf32, #tpu.memory_space<vmem>>[vector<16xi32>, vector<16xi32>], vector<16xf32>,
        %swap3A_502 = arith.constant 58 : i32
        %swap3A_503 = arith.index_cast %swap3A_502 : i32 to index
        %swap3A_504 = arith.index_cast %add3A_93 : i32 to index
        %swap3A_505 = tpu.vector_load %arg8[%swap3A_503, %swap3A_504] {strides = array<i32>} : memref<64x128xf32, #tpu.memory_space<vmem>>, vector<16xf32>,
        tpu.vector_store %arg8[%swap3A_503, %swap3A_504], %gather3A_501 {strides = array<i32>} : memref<64x128xf32, #tpu.memory_space<vmem>>, vector<16xf32>,
        %broadcast_in_dim3A_506 = arith.constant 59 : i32
        %broadcast_in_dim3A_507 = vector.broadcast %broadcast_in_dim3A_506 : i32 to vector<16xi32>
        %gather3A_508 = tpu.vector_load_idx %arg6[%add3A_95, %broadcast_in_dim3A_507] : memref<128x64xf32, #tpu.memory_space<vmem>>[vector<16xi32>, vector<16xi32>], vector<16xf32>,
        %swap3A_509 = arith.constant 59 : i32
        %swap3A_510 = arith.index_cast %swap3A_509 : i32 to index
        %swap3A_511 = arith.index_cast %add3A_93 : i32 to index
        %swap3A_512 = tpu.vector_load %arg8[%swap3A_510, %swap3A_511] {strides = array<i32>} : memref<64x128xf32, #tpu.memory_space<vmem>>, vector<16xf32>,
        tpu.vector_store %arg8[%swap3A_510, %swap3A_511], %gather3A_508 {strides = array<i32>} : memref<64x128xf32, #tpu.memory_space<vmem>>, vector<16xf32>,
        %broadcast_in_dim3A_513 = arith.constant 60 : i32
        %broadcast_in_dim3A_514 = vector.broadcast %broadcast_in_dim3A_513 : i32 to vector<16xi32>
        %gather3A_515 = tpu.vector_load_idx %arg6[%add3A_95, %broadcast_in_dim3A_514] : memref<128x64xf32, #tpu.memory_space<vmem>>[vector<16xi32>, vector<16xi32>], vector<16xf32>,
        %swap3A_516 = arith.constant 60 : i32
        %swap3A_517 = arith.index_cast %swap3A_516 : i32 to index
        %swap3A_518 = arith.index_cast %add3A_93 : i32 to index
        %swap3A_519 = tpu.vector_load %arg8[%swap3A_517, %swap3A_518] {strides = array<i32>} : memref<64x128xf32, #tpu.memory_space<vmem>>, vector<16xf32>,
        tpu.vector_store %arg8[%swap3A_517, %swap3A_518], %gather3A_515 {strides = array<i32>} : memref<64x128xf32, #tpu.memory_space<vmem>>, vector<16xf32>,
        %broadcast_in_dim3A_520 = arith.constant 61 : i32
        %broadcast_in_dim3A_521 = vector.broadcast %broadcast_in_dim3A_520 : i32 to vector<16xi32>
        %gather3A_522 = tpu.vector_load_idx %arg6[%add3A_95, %broadcast_in_dim3A_521] : memref<128x64xf32, #tpu.memory_space<vmem>>[vector<16xi32>, vector<16xi32>], vector<16xf32>,
        %swap3A_523 = arith.constant 61 : i32
        %swap3A_524 = arith.index_cast %swap3A_523 : i32 to index
        %swap3A_525 = arith.index_cast %add3A_93 : i32 to index
        %swap3A_526 = tpu.vector_load %arg8[%swap3A_524, %swap3A_525] {strides = array<i32>} : memref<64x128xf32, #tpu.memory_space<vmem>>, vector<16xf32>,
        tpu.vector_store %arg8[%swap3A_524, %swap3A_525], %gather3A_522 {strides = array<i32>} : memref<64x128xf32, #tpu.memory_space<vmem>>, vector<16xf32>,
        %broadcast_in_dim3A_527 = arith.constant 62 : i32
        %broadcast_in_dim3A_528 = vector.broadcast %broadcast_in_dim3A_527 : i32 to vector<16xi32>
        %gather3A_529 = tpu.vector_load_idx %arg6[%add3A_95, %broadcast_in_dim3A_528] : memref<128x64xf32, #tpu.memory_space<vmem>>[vector<16xi32>, vector<16xi32>], vector<16xf32>,
        %swap3A_530 = arith.constant 62 : i32
        %swap3A_531 = arith.index_cast %swap3A_530 : i32 to index
        %swap3A_532 = arith.index_cast %add3A_93 : i32 to index
        %swap3A_533 = tpu.vector_load %arg8[%swap3A_531, %swap3A_532] {strides = array<i32>} : memref<64x128xf32, #tpu.memory_space<vmem>>, vector<16xf32>,
        tpu.vector_store %arg8[%swap3A_531, %swap3A_532], %gather3A_529 {strides = array<i32>} : memref<64x128xf32, #tpu.memory_space<vmem>>, vector<16xf32>,
        %broadcast_in_dim3A_534 = arith.constant 63 : i32
        %broadcast_in_dim3A_535 = vector.broadcast %broadcast_in_dim3A_534 : i32 to vector<16xi32>
        %gather3A_536 = tpu.vector_load_idx %arg6[%add3A_95, %broadcast_in_dim3A_535] : memref<128x64xf32, #tpu.memory_space<vmem>>[vector<16xi32>, vector<16xi32>], vector<16xf32>,
        %swap3A_537 = arith.constant 63 : i32
        %swap3A_538 = arith.index_cast %swap3A_537 : i32 to index
        %swap3A_539 = arith.index_cast %add3A_93 : i32 to index
        %swap3A_540 = tpu.vector_load %arg8[%swap3A_538, %swap3A_539] {strides = array<i32>} : memref<64x128xf32, #tpu.memory_space<vmem>>, vector<16xf32>,
        tpu.vector_store %arg8[%swap3A_538, %swap3A_539], %gather3A_536 {strides = array<i32>} : memref<64x128xf32, #tpu.memory_space<vmem>>, vector<16xf32>,
      }
      %scan3A_37 = arith.constant 8 : i32
      %dma_start3A_38 = arith.constant 0 : i32
      %dma_start3A_39 = tpu.memref_slice %arg4[%add3A_26, %dma_start3A_38, %mul3A_2] : memref<200x64x4096xf32, #tpu.memory_space<hbm>> -> memref<1x64x128xf32, #tpu.memory_space<hbm>>
      %dma_start3A_40 = tpu.memref_squeeze %dma_start3A_39 : memref<1x64x128xf32, #tpu.memory_space<hbm>> -> memref<64x128xf32, #tpu.memory_space<hbm>>
      %dma_start3A_41 = arith.constant 0 : i32
      %dma_start3A_42 = tpu.memref_slice %arg4[%add3A_26, %dma_start3A_41, %mul3A_2] : memref<200x64x4096xf32, #tpu.memory_space<hbm>> -> memref<1x64x128xf32, #tpu.memory_space<hbm>>
      %dma_start3A_43 = tpu.memref_squeeze %dma_start3A_42 : memref<1x64x128xf32, #tpu.memory_space<hbm>> -> memref<64x128xf32, #tpu.memory_space<hbm>>
      tpu.enqueue_dma source(%arg8 : memref<64x128xf32, #tpu.memory_space<vmem>>) target(%dma_start3A_43 : memref<64x128xf32, #tpu.memory_space<hbm>>) target_semaphore(%arg12 : memref<!tpu.dma_semaphore, #tpu.memory_space<semaphore_mem>>)
      %dma_wait3A_44 = arith.constant 0 : i32
      %dma_wait3A_45 = arith.constant 0 : i32
      %dma_wait3A_46 = tpu.memref_slice %arg4[%dma_wait3A_44, %dma_wait3A_45, %mul3A_2] : memref<200x64x4096xf32, #tpu.memory_space<hbm>> -> memref<1x64x128xf32, #tpu.memory_space<hbm>>
      %dma_wait3A_47 = tpu.memref_squeeze %dma_wait3A_46 : memref<1x64x128xf32, #tpu.memory_space<hbm>> -> memref<64x128xf32, #tpu.memory_space<hbm>>
      %dma_wait3A_48 = arith.constant 0 : i32
      %dma_wait3A_49 = tpu.memref_slice %arg4[%dma_wait3A_44, %dma_wait3A_48, %mul3A_2] : memref<200x64x4096xf32, #tpu.memory_space<hbm>> -> memref<1x64x128xf32, #tpu.memory_space<hbm>>
      %dma_wait3A_50 = tpu.memref_squeeze %dma_wait3A_49 : memref<1x64x128xf32, #tpu.memory_space<hbm>> -> memref<64x128xf32, #tpu.memory_space<hbm>>
      tpu.wait_dma2 semaphore(%arg12 : memref<!tpu.dma_semaphore, #tpu.memory_space<semaphore_mem>>) src(%arg8 : memref<64x128xf32, #tpu.memory_space<vmem>>) dst(%dma_wait3A_50 : memref<64x128xf32, #tpu.memory_space<hbm>>)
      %add3A_51 = arith.constant 2 : i32
      %add3A_52 = arith.addi %add3A_26, %add3A_51 : i32
      %lt3A = arith.constant 200 : i32
      %lt3A_53 = arith.cmpi slt, %add3A_52, %lt3A : i32
      %convert_element_type3A = arith.extui %lt3A_53 : i1 to i32
      %cond3A = arith.constant 0 : i32
      %cond3A_54 = arith.cmpi ne, %convert_element_type3A, %cond3A : i32
      scf.if %cond3A_54 {
        %add3A_89 = arith.constant 2 : i32
        %add3A_90 = arith.addi %add3A_26, %add3A_89 : i32
        %dma_start3A_91 = arith.constant 0 : i32
        %dma_start3A_92 = tpu.memref_slice %arg5[%add3A_90, %dma_start3A_91] : memref<200x128xi32, #tpu.memory_space<vmem>> -> memref<1x128xi32, #tpu.memory_space<vmem>>
        %dma_start3A_93 = tpu.memref_squeeze %dma_start3A_92 : memref<1x128xi32, #tpu.memory_space<vmem>> -> memref<128xi32, #tpu.memory_space<vmem>>
        %dma_start3A_94 = arith.constant 0 : i32
        %dma_start3A_95 = arith.constant 0 : i32
        %dma_start3A_96 = tpu.memref_slice %arg2[%dma_start3A_94, %dma_start3A_95] : memref<1000000x64xf32, #tpu.memory_space<hbm>> -> memref<1000000x64xf32, #tpu.memory_space<hbm>>
        tpu.enqueue_indirect_dma source(%dma_start3A_96 : memref<1000000x64xf32, #tpu.memory_space<hbm>>) target(%arg6 : memref<128x64xf32, #tpu.memory_space<vmem>>) offsets(%dma_start3A_93 : memref<128xi32, #tpu.memory_space<vmem>>) semaphore(%arg10 : memref<!tpu.dma_semaphore, #tpu.memory_space<semaphore_mem>>)
      } else {
      }
      %add3A_55 = arith.constant 1 : i32
      %add3A_56 = arith.addi %add3A_24, %add3A_55 : i32
      %dma_wait3A_57 = arith.constant 0 : i32
      %dma_wait3A_58 = arith.constant 0 : i32
      %dma_wait3A_59 = tpu.memref_slice %arg5[%dma_wait3A_57, %dma_wait3A_58] : memref<200x128xi32, #tpu.memory_space<vmem>> -> memref<1x128xi32, #tpu.memory_space<vmem>>
      %dma_wait3A_60 = tpu.memref_squeeze %dma_wait3A_59 : memref<1x128xi32, #tpu.memory_space<vmem>> -> memref<128xi32, #tpu.memory_space<vmem>>
      %dma_wait3A_61 = arith.constant 0 : i32
      %dma_wait3A_62 = arith.constant 0 : i32
      %dma_wait3A_63 = tpu.memref_slice %arg2[%dma_wait3A_61, %dma_wait3A_62] : memref<1000000x64xf32, #tpu.memory_space<hbm>> -> memref<1000000x64xf32, #tpu.memory_space<hbm>>
      tpu.wait_indirect_dma semaphore(%arg11 : memref<!tpu.dma_semaphore, #tpu.memory_space<semaphore_mem>>) src(%dma_wait3A_63 : memref<1000000x64xf32, #tpu.memory_space<hbm>>) dst(%arg7 : memref<128x64xf32, #tpu.memory_space<vmem>>)
      %scan3A_64 = arith.constant 0 : i32
      %scan3A_65 = arith.constant 8 : i32
      %scan3A_66 = arith.addi %scan3A_64, %scan3A_65 : i32
      %scan3A_67 = arith.constant 1 : i32
      scf.for %scan3A_89 = %scan3A_64 to %scan3A_66 step %scan3A_67  : i32 {
        %mul3A_90 = arith.constant 16 : i32
        %mul3A_91 = arith.muli %scan3A_89, %mul3A_90 : i32
        %add3A_92 = arith.constant 0 : i32
        %add3A_93 = arith.addi %add3A_92, %mul3A_91 : i32
        %iota3A = tpu.iota {dimensions = array<i32: 0>} : vector<16xi32>
        %add3A_94 = vector.broadcast %add3A_93 : i32 to vector<16xi32>
        %add3A_95 = arith.addi %iota3A, %add3A_94 : vector<16xi32>
        %broadcast_in_dim3A = arith.constant 0 : i32
        %broadcast_in_dim3A_96 = vector.broadcast %broadcast_in_dim3A : i32 to vector<16xi32>
        %gather3A = tpu.vector_load_idx %arg7[%add3A_95, %broadcast_in_dim3A_96] : memref<128x64xf32, #tpu.memory_space<vmem>>[vector<16xi32>, vector<16xi32>], vector<16xf32>,
        %swap3A = arith.constant 0 : i32
        %swap3A_97 = arith.index_cast %swap3A : i32 to index
        %swap3A_98 = arith.index_cast %add3A_93 : i32 to index
        %swap3A_99 = tpu.vector_load %arg9[%swap3A_97, %swap3A_98] {strides = array<i32>} : memref<64x128xf32, #tpu.memory_space<vmem>>, vector<16xf32>,
        tpu.vector_store %arg9[%swap3A_97, %swap3A_98], %gather3A {strides = array<i32>} : memref<64x128xf32, #tpu.memory_space<vmem>>, vector<16xf32>,
        %broadcast_in_dim3A_100 = arith.constant 1 : i32
        %broadcast_in_dim3A_101 = vector.broadcast %broadcast_in_dim3A_100 : i32 to vector<16xi32>
        %gather3A_102 = tpu.vector_load_idx %arg7[%add3A_95, %broadcast_in_dim3A_101] : memref<128x64xf32, #tpu.memory_space<vmem>>[vector<16xi32>, vector<16xi32>], vector<16xf32>,
        %swap3A_103 = arith.constant 1 : i32
        %swap3A_104 = arith.index_cast %swap3A_103 : i32 to index
        %swap3A_105 = arith.index_cast %add3A_93 : i32 to index
        %swap3A_106 = tpu.vector_load %arg9[%swap3A_104, %swap3A_105] {strides = array<i32>} : memref<64x128xf32, #tpu.memory_space<vmem>>, vector<16xf32>,
        tpu.vector_store %arg9[%swap3A_104, %swap3A_105], %gather3A_102 {strides = array<i32>} : memref<64x128xf32, #tpu.memory_space<vmem>>, vector<16xf32>,
        %broadcast_in_dim3A_107 = arith.constant 2 : i32
        %broadcast_in_dim3A_108 = vector.broadcast %broadcast_in_dim3A_107 : i32 to vector<16xi32>
        %gather3A_109 = tpu.vector_load_idx %arg7[%add3A_95, %broadcast_in_dim3A_108] : memref<128x64xf32, #tpu.memory_space<vmem>>[vector<16xi32>, vector<16xi32>], vector<16xf32>,
        %swap3A_110 = arith.constant 2 : i32
        %swap3A_111 = arith.index_cast %swap3A_110 : i32 to index
        %swap3A_112 = arith.index_cast %add3A_93 : i32 to index
        %swap3A_113 = tpu.vector_load %arg9[%swap3A_111, %swap3A_112] {strides = array<i32>} : memref<64x128xf32, #tpu.memory_space<vmem>>, vector<16xf32>,
        tpu.vector_store %arg9[%swap3A_111, %swap3A_112], %gather3A_109 {strides = array<i32>} : memref<64x128xf32, #tpu.memory_space<vmem>>, vector<16xf32>,
        %broadcast_in_dim3A_114 = arith.constant 3 : i32
        %broadcast_in_dim3A_115 = vector.broadcast %broadcast_in_dim3A_114 : i32 to vector<16xi32>
        %gather3A_116 = tpu.vector_load_idx %arg7[%add3A_95, %broadcast_in_dim3A_115] : memref<128x64xf32, #tpu.memory_space<vmem>>[vector<16xi32>, vector<16xi32>], vector<16xf32>,
        %swap3A_117 = arith.constant 3 : i32
        %swap3A_118 = arith.index_cast %swap3A_117 : i32 to index
        %swap3A_119 = arith.index_cast %add3A_93 : i32 to index
        %swap3A_120 = tpu.vector_load %arg9[%swap3A_118, %swap3A_119] {strides = array<i32>} : memref<64x128xf32, #tpu.memory_space<vmem>>, vector<16xf32>,
        tpu.vector_store %arg9[%swap3A_118, %swap3A_119], %gather3A_116 {strides = array<i32>} : memref<64x128xf32, #tpu.memory_space<vmem>>, vector<16xf32>,
        %broadcast_in_dim3A_121 = arith.constant 4 : i32
        %broadcast_in_dim3A_122 = vector.broadcast %broadcast_in_dim3A_121 : i32 to vector<16xi32>
        %gather3A_123 = tpu.vector_load_idx %arg7[%add3A_95, %broadcast_in_dim3A_122] : memref<128x64xf32, #tpu.memory_space<vmem>>[vector<16xi32>, vector<16xi32>], vector<16xf32>,
        %swap3A_124 = arith.constant 4 : i32
        %swap3A_125 = arith.index_cast %swap3A_124 : i32 to index
        %swap3A_126 = arith.index_cast %add3A_93 : i32 to index
        %swap3A_127 = tpu.vector_load %arg9[%swap3A_125, %swap3A_126] {strides = array<i32>} : memref<64x128xf32, #tpu.memory_space<vmem>>, vector<16xf32>,
        tpu.vector_store %arg9[%swap3A_125, %swap3A_126], %gather3A_123 {strides = array<i32>} : memref<64x128xf32, #tpu.memory_space<vmem>>, vector<16xf32>,
        %broadcast_in_dim3A_128 = arith.constant 5 : i32
        %broadcast_in_dim3A_129 = vector.broadcast %broadcast_in_dim3A_128 : i32 to vector<16xi32>
        %gather3A_130 = tpu.vector_load_idx %arg7[%add3A_95, %broadcast_in_dim3A_129] : memref<128x64xf32, #tpu.memory_space<vmem>>[vector<16xi32>, vector<16xi32>], vector<16xf32>,
        %swap3A_131 = arith.constant 5 : i32
        %swap3A_132 = arith.index_cast %swap3A_131 : i32 to index
        %swap3A_133 = arith.index_cast %add3A_93 : i32 to index
        %swap3A_134 = tpu.vector_load %arg9[%swap3A_132, %swap3A_133] {strides = array<i32>} : memref<64x128xf32, #tpu.memory_space<vmem>>, vector<16xf32>,
        tpu.vector_store %arg9[%swap3A_132, %swap3A_133], %gather3A_130 {strides = array<i32>} : memref<64x128xf32, #tpu.memory_space<vmem>>, vector<16xf32>,
        %broadcast_in_dim3A_135 = arith.constant 6 : i32
        %broadcast_in_dim3A_136 = vector.broadcast %broadcast_in_dim3A_135 : i32 to vector<16xi32>
        %gather3A_137 = tpu.vector_load_idx %arg7[%add3A_95, %broadcast_in_dim3A_136] : memref<128x64xf32, #tpu.memory_space<vmem>>[vector<16xi32>, vector<16xi32>], vector<16xf32>,
        %swap3A_138 = arith.constant 6 : i32
        %swap3A_139 = arith.index_cast %swap3A_138 : i32 to index
        %swap3A_140 = arith.index_cast %add3A_93 : i32 to index
        %swap3A_141 = tpu.vector_load %arg9[%swap3A_139, %swap3A_140] {strides = array<i32>} : memref<64x128xf32, #tpu.memory_space<vmem>>, vector<16xf32>,
        tpu.vector_store %arg9[%swap3A_139, %swap3A_140], %gather3A_137 {strides = array<i32>} : memref<64x128xf32, #tpu.memory_space<vmem>>, vector<16xf32>,
        %broadcast_in_dim3A_142 = arith.constant 7 : i32
        %broadcast_in_dim3A_143 = vector.broadcast %broadcast_in_dim3A_142 : i32 to vector<16xi32>
        %gather3A_144 = tpu.vector_load_idx %arg7[%add3A_95, %broadcast_in_dim3A_143] : memref<128x64xf32, #tpu.memory_space<vmem>>[vector<16xi32>, vector<16xi32>], vector<16xf32>,
        %swap3A_145 = arith.constant 7 : i32
        %swap3A_146 = arith.index_cast %swap3A_145 : i32 to index
        %swap3A_147 = arith.index_cast %add3A_93 : i32 to index
        %swap3A_148 = tpu.vector_load %arg9[%swap3A_146, %swap3A_147] {strides = array<i32>} : memref<64x128xf32, #tpu.memory_space<vmem>>, vector<16xf32>,
        tpu.vector_store %arg9[%swap3A_146, %swap3A_147], %gather3A_144 {strides = array<i32>} : memref<64x128xf32, #tpu.memory_space<vmem>>, vector<16xf32>,
        %broadcast_in_dim3A_149 = arith.constant 8 : i32
        %broadcast_in_dim3A_150 = vector.broadcast %broadcast_in_dim3A_149 : i32 to vector<16xi32>
        %gather3A_151 = tpu.vector_load_idx %arg7[%add3A_95, %broadcast_in_dim3A_150] : memref<128x64xf32, #tpu.memory_space<vmem>>[vector<16xi32>, vector<16xi32>], vector<16xf32>,
        %swap3A_152 = arith.constant 8 : i32
        %swap3A_153 = arith.index_cast %swap3A_152 : i32 to index
        %swap3A_154 = arith.index_cast %add3A_93 : i32 to index
        %swap3A_155 = tpu.vector_load %arg9[%swap3A_153, %swap3A_154] {strides = array<i32>} : memref<64x128xf32, #tpu.memory_space<vmem>>, vector<16xf32>,
        tpu.vector_store %arg9[%swap3A_153, %swap3A_154], %gather3A_151 {strides = array<i32>} : memref<64x128xf32, #tpu.memory_space<vmem>>, vector<16xf32>,
        %broadcast_in_dim3A_156 = arith.constant 9 : i32
        %broadcast_in_dim3A_157 = vector.broadcast %broadcast_in_dim3A_156 : i32 to vector<16xi32>
        %gather3A_158 = tpu.vector_load_idx %arg7[%add3A_95, %broadcast_in_dim3A_157] : memref<128x64xf32, #tpu.memory_space<vmem>>[vector<16xi32>, vector<16xi32>], vector<16xf32>,
        %swap3A_159 = arith.constant 9 : i32
        %swap3A_160 = arith.index_cast %swap3A_159 : i32 to index
        %swap3A_161 = arith.index_cast %add3A_93 : i32 to index
        %swap3A_162 = tpu.vector_load %arg9[%swap3A_160, %swap3A_161] {strides = array<i32>} : memref<64x128xf32, #tpu.memory_space<vmem>>, vector<16xf32>,
        tpu.vector_store %arg9[%swap3A_160, %swap3A_161], %gather3A_158 {strides = array<i32>} : memref<64x128xf32, #tpu.memory_space<vmem>>, vector<16xf32>,
        %broadcast_in_dim3A_163 = arith.constant 10 : i32
        %broadcast_in_dim3A_164 = vector.broadcast %broadcast_in_dim3A_163 : i32 to vector<16xi32>
        %gather3A_165 = tpu.vector_load_idx %arg7[%add3A_95, %broadcast_in_dim3A_164] : memref<128x64xf32, #tpu.memory_space<vmem>>[vector<16xi32>, vector<16xi32>], vector<16xf32>,
        %swap3A_166 = arith.constant 10 : i32
        %swap3A_167 = arith.index_cast %swap3A_166 : i32 to index
        %swap3A_168 = arith.index_cast %add3A_93 : i32 to index
        %swap3A_169 = tpu.vector_load %arg9[%swap3A_167, %swap3A_168] {strides = array<i32>} : memref<64x128xf32, #tpu.memory_space<vmem>>, vector<16xf32>,
        tpu.vector_store %arg9[%swap3A_167, %swap3A_168], %gather3A_165 {strides = array<i32>} : memref<64x128xf32, #tpu.memory_space<vmem>>, vector<16xf32>,
        %broadcast_in_dim3A_170 = arith.constant 11 : i32
        %broadcast_in_dim3A_171 = vector.broadcast %broadcast_in_dim3A_170 : i32 to vector<16xi32>
        %gather3A_172 = tpu.vector_load_idx %arg7[%add3A_95, %broadcast_in_dim3A_171] : memref<128x64xf32, #tpu.memory_space<vmem>>[vector<16xi32>, vector<16xi32>], vector<16xf32>,
        %swap3A_173 = arith.constant 11 : i32
        %swap3A_174 = arith.index_cast %swap3A_173 : i32 to index
        %swap3A_175 = arith.index_cast %add3A_93 : i32 to index
        %swap3A_176 = tpu.vector_load %arg9[%swap3A_174, %swap3A_175] {strides = array<i32>} : memref<64x128xf32, #tpu.memory_space<vmem>>, vector<16xf32>,
        tpu.vector_store %arg9[%swap3A_174, %swap3A_175], %gather3A_172 {strides = array<i32>} : memref<64x128xf32, #tpu.memory_space<vmem>>, vector<16xf32>,
        %broadcast_in_dim3A_177 = arith.constant 12 : i32
        %broadcast_in_dim3A_178 = vector.broadcast %broadcast_in_dim3A_177 : i32 to vector<16xi32>
        %gather3A_179 = tpu.vector_load_idx %arg7[%add3A_95, %broadcast_in_dim3A_178] : memref<128x64xf32, #tpu.memory_space<vmem>>[vector<16xi32>, vector<16xi32>], vector<16xf32>,
        %swap3A_180 = arith.constant 12 : i32
        %swap3A_181 = arith.index_cast %swap3A_180 : i32 to index
        %swap3A_182 = arith.index_cast %add3A_93 : i32 to index
        %swap3A_183 = tpu.vector_load %arg9[%swap3A_181, %swap3A_182] {strides = array<i32>} : memref<64x128xf32, #tpu.memory_space<vmem>>, vector<16xf32>,
        tpu.vector_store %arg9[%swap3A_181, %swap3A_182], %gather3A_179 {strides = array<i32>} : memref<64x128xf32, #tpu.memory_space<vmem>>, vector<16xf32>,
        %broadcast_in_dim3A_184 = arith.constant 13 : i32
        %broadcast_in_dim3A_185 = vector.broadcast %broadcast_in_dim3A_184 : i32 to vector<16xi32>
        %gather3A_186 = tpu.vector_load_idx %arg7[%add3A_95, %broadcast_in_dim3A_185] : memref<128x64xf32, #tpu.memory_space<vmem>>[vector<16xi32>, vector<16xi32>], vector<16xf32>,
        %swap3A_187 = arith.constant 13 : i32
        %swap3A_188 = arith.index_cast %swap3A_187 : i32 to index
        %swap3A_189 = arith.index_cast %add3A_93 : i32 to index
        %swap3A_190 = tpu.vector_load %arg9[%swap3A_188, %swap3A_189] {strides = array<i32>} : memref<64x128xf32, #tpu.memory_space<vmem>>, vector<16xf32>,
        tpu.vector_store %arg9[%swap3A_188, %swap3A_189], %gather3A_186 {strides = array<i32>} : memref<64x128xf32, #tpu.memory_space<vmem>>, vector<16xf32>,
        %broadcast_in_dim3A_191 = arith.constant 14 : i32
        %broadcast_in_dim3A_192 = vector.broadcast %broadcast_in_dim3A_191 : i32 to vector<16xi32>
        %gather3A_193 = tpu.vector_load_idx %arg7[%add3A_95, %broadcast_in_dim3A_192] : memref<128x64xf32, #tpu.memory_space<vmem>>[vector<16xi32>, vector<16xi32>], vector<16xf32>,
        %swap3A_194 = arith.constant 14 : i32
        %swap3A_195 = arith.index_cast %swap3A_194 : i32 to index
        %swap3A_196 = arith.index_cast %add3A_93 : i32 to index
        %swap3A_197 = tpu.vector_load %arg9[%swap3A_195, %swap3A_196] {strides = array<i32>} : memref<64x128xf32, #tpu.memory_space<vmem>>, vector<16xf32>,
        tpu.vector_store %arg9[%swap3A_195, %swap3A_196], %gather3A_193 {strides = array<i32>} : memref<64x128xf32, #tpu.memory_space<vmem>>, vector<16xf32>,
        %broadcast_in_dim3A_198 = arith.constant 15 : i32
        %broadcast_in_dim3A_199 = vector.broadcast %broadcast_in_dim3A_198 : i32 to vector<16xi32>
        %gather3A_200 = tpu.vector_load_idx %arg7[%add3A_95, %broadcast_in_dim3A_199] : memref<128x64xf32, #tpu.memory_space<vmem>>[vector<16xi32>, vector<16xi32>], vector<16xf32>,
        %swap3A_201 = arith.constant 15 : i32
        %swap3A_202 = arith.index_cast %swap3A_201 : i32 to index
        %swap3A_203 = arith.index_cast %add3A_93 : i32 to index
        %swap3A_204 = tpu.vector_load %arg9[%swap3A_202, %swap3A_203] {strides = array<i32>} : memref<64x128xf32, #tpu.memory_space<vmem>>, vector<16xf32>,
        tpu.vector_store %arg9[%swap3A_202, %swap3A_203], %gather3A_200 {strides = array<i32>} : memref<64x128xf32, #tpu.memory_space<vmem>>, vector<16xf32>,
        %broadcast_in_dim3A_205 = arith.constant 16 : i32
        %broadcast_in_dim3A_206 = vector.broadcast %broadcast_in_dim3A_205 : i32 to vector<16xi32>
        %gather3A_207 = tpu.vector_load_idx %arg7[%add3A_95, %broadcast_in_dim3A_206] : memref<128x64xf32, #tpu.memory_space<vmem>>[vector<16xi32>, vector<16xi32>], vector<16xf32>,
        %swap3A_208 = arith.constant 16 : i32
        %swap3A_209 = arith.index_cast %swap3A_208 : i32 to index
        %swap3A_210 = arith.index_cast %add3A_93 : i32 to index
        %swap3A_211 = tpu.vector_load %arg9[%swap3A_209, %swap3A_210] {strides = array<i32>} : memref<64x128xf32, #tpu.memory_space<vmem>>, vector<16xf32>,
        tpu.vector_store %arg9[%swap3A_209, %swap3A_210], %gather3A_207 {strides = array<i32>} : memref<64x128xf32, #tpu.memory_space<vmem>>, vector<16xf32>,
        %broadcast_in_dim3A_212 = arith.constant 17 : i32
        %broadcast_in_dim3A_213 = vector.broadcast %broadcast_in_dim3A_212 : i32 to vector<16xi32>
        %gather3A_214 = tpu.vector_load_idx %arg7[%add3A_95, %broadcast_in_dim3A_213] : memref<128x64xf32, #tpu.memory_space<vmem>>[vector<16xi32>, vector<16xi32>], vector<16xf32>,
        %swap3A_215 = arith.constant 17 : i32
        %swap3A_216 = arith.index_cast %swap3A_215 : i32 to index
        %swap3A_217 = arith.index_cast %add3A_93 : i32 to index
        %swap3A_218 = tpu.vector_load %arg9[%swap3A_216, %swap3A_217] {strides = array<i32>} : memref<64x128xf32, #tpu.memory_space<vmem>>, vector<16xf32>,
        tpu.vector_store %arg9[%swap3A_216, %swap3A_217], %gather3A_214 {strides = array<i32>} : memref<64x128xf32, #tpu.memory_space<vmem>>, vector<16xf32>,
        %broadcast_in_dim3A_219 = arith.constant 18 : i32
        %broadcast_in_dim3A_220 = vector.broadcast %broadcast_in_dim3A_219 : i32 to vector<16xi32>
        %gather3A_221 = tpu.vector_load_idx %arg7[%add3A_95, %broadcast_in_dim3A_220] : memref<128x64xf32, #tpu.memory_space<vmem>>[vector<16xi32>, vector<16xi32>], vector<16xf32>,
        %swap3A_222 = arith.constant 18 : i32
        %swap3A_223 = arith.index_cast %swap3A_222 : i32 to index
        %swap3A_224 = arith.index_cast %add3A_93 : i32 to index
        %swap3A_225 = tpu.vector_load %arg9[%swap3A_223, %swap3A_224] {strides = array<i32>} : memref<64x128xf32, #tpu.memory_space<vmem>>, vector<16xf32>,
        tpu.vector_store %arg9[%swap3A_223, %swap3A_224], %gather3A_221 {strides = array<i32>} : memref<64x128xf32, #tpu.memory_space<vmem>>, vector<16xf32>,
        %broadcast_in_dim3A_226 = arith.constant 19 : i32
        %broadcast_in_dim3A_227 = vector.broadcast %broadcast_in_dim3A_226 : i32 to vector<16xi32>
        %gather3A_228 = tpu.vector_load_idx %arg7[%add3A_95, %broadcast_in_dim3A_227] : memref<128x64xf32, #tpu.memory_space<vmem>>[vector<16xi32>, vector<16xi32>], vector<16xf32>,
        %swap3A_229 = arith.constant 19 : i32
        %swap3A_230 = arith.index_cast %swap3A_229 : i32 to index
        %swap3A_231 = arith.index_cast %add3A_93 : i32 to index
        %swap3A_232 = tpu.vector_load %arg9[%swap3A_230, %swap3A_231] {strides = array<i32>} : memref<64x128xf32, #tpu.memory_space<vmem>>, vector<16xf32>,
        tpu.vector_store %arg9[%swap3A_230, %swap3A_231], %gather3A_228 {strides = array<i32>} : memref<64x128xf32, #tpu.memory_space<vmem>>, vector<16xf32>,
        %broadcast_in_dim3A_233 = arith.constant 20 : i32
        %broadcast_in_dim3A_234 = vector.broadcast %broadcast_in_dim3A_233 : i32 to vector<16xi32>
        %gather3A_235 = tpu.vector_load_idx %arg7[%add3A_95, %broadcast_in_dim3A_234] : memref<128x64xf32, #tpu.memory_space<vmem>>[vector<16xi32>, vector<16xi32>], vector<16xf32>,
        %swap3A_236 = arith.constant 20 : i32
        %swap3A_237 = arith.index_cast %swap3A_236 : i32 to index
        %swap3A_238 = arith.index_cast %add3A_93 : i32 to index
        %swap3A_239 = tpu.vector_load %arg9[%swap3A_237, %swap3A_238] {strides = array<i32>} : memref<64x128xf32, #tpu.memory_space<vmem>>, vector<16xf32>,
        tpu.vector_store %arg9[%swap3A_237, %swap3A_238], %gather3A_235 {strides = array<i32>} : memref<64x128xf32, #tpu.memory_space<vmem>>, vector<16xf32>,
        %broadcast_in_dim3A_240 = arith.constant 21 : i32
        %broadcast_in_dim3A_241 = vector.broadcast %broadcast_in_dim3A_240 : i32 to vector<16xi32>
        %gather3A_242 = tpu.vector_load_idx %arg7[%add3A_95, %broadcast_in_dim3A_241] : memref<128x64xf32, #tpu.memory_space<vmem>>[vector<16xi32>, vector<16xi32>], vector<16xf32>,
        %swap3A_243 = arith.constant 21 : i32
        %swap3A_244 = arith.index_cast %swap3A_243 : i32 to index
        %swap3A_245 = arith.index_cast %add3A_93 : i32 to index
        %swap3A_246 = tpu.vector_load %arg9[%swap3A_244, %swap3A_245] {strides = array<i32>} : memref<64x128xf32, #tpu.memory_space<vmem>>, vector<16xf32>,
        tpu.vector_store %arg9[%swap3A_244, %swap3A_245], %gather3A_242 {strides = array<i32>} : memref<64x128xf32, #tpu.memory_space<vmem>>, vector<16xf32>,
        %broadcast_in_dim3A_247 = arith.constant 22 : i32
        %broadcast_in_dim3A_248 = vector.broadcast %broadcast_in_dim3A_247 : i32 to vector<16xi32>
        %gather3A_249 = tpu.vector_load_idx %arg7[%add3A_95, %broadcast_in_dim3A_248] : memref<128x64xf32, #tpu.memory_space<vmem>>[vector<16xi32>, vector<16xi32>], vector<16xf32>,
        %swap3A_250 = arith.constant 22 : i32
        %swap3A_251 = arith.index_cast %swap3A_250 : i32 to index
        %swap3A_252 = arith.index_cast %add3A_93 : i32 to index
        %swap3A_253 = tpu.vector_load %arg9[%swap3A_251, %swap3A_252] {strides = array<i32>} : memref<64x128xf32, #tpu.memory_space<vmem>>, vector<16xf32>,
        tpu.vector_store %arg9[%swap3A_251, %swap3A_252], %gather3A_249 {strides = array<i32>} : memref<64x128xf32, #tpu.memory_space<vmem>>, vector<16xf32>,
        %broadcast_in_dim3A_254 = arith.constant 23 : i32
        %broadcast_in_dim3A_255 = vector.broadcast %broadcast_in_dim3A_254 : i32 to vector<16xi32>
        %gather3A_256 = tpu.vector_load_idx %arg7[%add3A_95, %broadcast_in_dim3A_255] : memref<128x64xf32, #tpu.memory_space<vmem>>[vector<16xi32>, vector<16xi32>], vector<16xf32>,
        %swap3A_257 = arith.constant 23 : i32
        %swap3A_258 = arith.index_cast %swap3A_257 : i32 to index
        %swap3A_259 = arith.index_cast %add3A_93 : i32 to index
        %swap3A_260 = tpu.vector_load %arg9[%swap3A_258, %swap3A_259] {strides = array<i32>} : memref<64x128xf32, #tpu.memory_space<vmem>>, vector<16xf32>,
        tpu.vector_store %arg9[%swap3A_258, %swap3A_259], %gather3A_256 {strides = array<i32>} : memref<64x128xf32, #tpu.memory_space<vmem>>, vector<16xf32>,
        %broadcast_in_dim3A_261 = arith.constant 24 : i32
        %broadcast_in_dim3A_262 = vector.broadcast %broadcast_in_dim3A_261 : i32 to vector<16xi32>
        %gather3A_263 = tpu.vector_load_idx %arg7[%add3A_95, %broadcast_in_dim3A_262] : memref<128x64xf32, #tpu.memory_space<vmem>>[vector<16xi32>, vector<16xi32>], vector<16xf32>,
        %swap3A_264 = arith.constant 24 : i32
        %swap3A_265 = arith.index_cast %swap3A_264 : i32 to index
        %swap3A_266 = arith.index_cast %add3A_93 : i32 to index
        %swap3A_267 = tpu.vector_load %arg9[%swap3A_265, %swap3A_266] {strides = array<i32>} : memref<64x128xf32, #tpu.memory_space<vmem>>, vector<16xf32>,
        tpu.vector_store %arg9[%swap3A_265, %swap3A_266], %gather3A_263 {strides = array<i32>} : memref<64x128xf32, #tpu.memory_space<vmem>>, vector<16xf32>,
        %broadcast_in_dim3A_268 = arith.constant 25 : i32
        %broadcast_in_dim3A_269 = vector.broadcast %broadcast_in_dim3A_268 : i32 to vector<16xi32>
        %gather3A_270 = tpu.vector_load_idx %arg7[%add3A_95, %broadcast_in_dim3A_269] : memref<128x64xf32, #tpu.memory_space<vmem>>[vector<16xi32>, vector<16xi32>], vector<16xf32>,
        %swap3A_271 = arith.constant 25 : i32
        %swap3A_272 = arith.index_cast %swap3A_271 : i32 to index
        %swap3A_273 = arith.index_cast %add3A_93 : i32 to index
        %swap3A_274 = tpu.vector_load %arg9[%swap3A_272, %swap3A_273] {strides = array<i32>} : memref<64x128xf32, #tpu.memory_space<vmem>>, vector<16xf32>,
        tpu.vector_store %arg9[%swap3A_272, %swap3A_273], %gather3A_270 {strides = array<i32>} : memref<64x128xf32, #tpu.memory_space<vmem>>, vector<16xf32>,
        %broadcast_in_dim3A_275 = arith.constant 26 : i32
        %broadcast_in_dim3A_276 = vector.broadcast %broadcast_in_dim3A_275 : i32 to vector<16xi32>
        %gather3A_277 = tpu.vector_load_idx %arg7[%add3A_95, %broadcast_in_dim3A_276] : memref<128x64xf32, #tpu.memory_space<vmem>>[vector<16xi32>, vector<16xi32>], vector<16xf32>,
        %swap3A_278 = arith.constant 26 : i32
        %swap3A_279 = arith.index_cast %swap3A_278 : i32 to index
        %swap3A_280 = arith.index_cast %add3A_93 : i32 to index
        %swap3A_281 = tpu.vector_load %arg9[%swap3A_279, %swap3A_280] {strides = array<i32>} : memref<64x128xf32, #tpu.memory_space<vmem>>, vector<16xf32>,
        tpu.vector_store %arg9[%swap3A_279, %swap3A_280], %gather3A_277 {strides = array<i32>} : memref<64x128xf32, #tpu.memory_space<vmem>>, vector<16xf32>,
        %broadcast_in_dim3A_282 = arith.constant 27 : i32
        %broadcast_in_dim3A_283 = vector.broadcast %broadcast_in_dim3A_282 : i32 to vector<16xi32>
        %gather3A_284 = tpu.vector_load_idx %arg7[%add3A_95, %broadcast_in_dim3A_283] : memref<128x64xf32, #tpu.memory_space<vmem>>[vector<16xi32>, vector<16xi32>], vector<16xf32>,
        %swap3A_285 = arith.constant 27 : i32
        %swap3A_286 = arith.index_cast %swap3A_285 : i32 to index
        %swap3A_287 = arith.index_cast %add3A_93 : i32 to index
        %swap3A_288 = tpu.vector_load %arg9[%swap3A_286, %swap3A_287] {strides = array<i32>} : memref<64x128xf32, #tpu.memory_space<vmem>>, vector<16xf32>,
        tpu.vector_store %arg9[%swap3A_286, %swap3A_287], %gather3A_284 {strides = array<i32>} : memref<64x128xf32, #tpu.memory_space<vmem>>, vector<16xf32>,
        %broadcast_in_dim3A_289 = arith.constant 28 : i32
        %broadcast_in_dim3A_290 = vector.broadcast %broadcast_in_dim3A_289 : i32 to vector<16xi32>
        %gather3A_291 = tpu.vector_load_idx %arg7[%add3A_95, %broadcast_in_dim3A_290] : memref<128x64xf32, #tpu.memory_space<vmem>>[vector<16xi32>, vector<16xi32>], vector<16xf32>,
        %swap3A_292 = arith.constant 28 : i32
        %swap3A_293 = arith.index_cast %swap3A_292 : i32 to index
        %swap3A_294 = arith.index_cast %add3A_93 : i32 to index
        %swap3A_295 = tpu.vector_load %arg9[%swap3A_293, %swap3A_294] {strides = array<i32>} : memref<64x128xf32, #tpu.memory_space<vmem>>, vector<16xf32>,
        tpu.vector_store %arg9[%swap3A_293, %swap3A_294], %gather3A_291 {strides = array<i32>} : memref<64x128xf32, #tpu.memory_space<vmem>>, vector<16xf32>,
        %broadcast_in_dim3A_296 = arith.constant 29 : i32
        %broadcast_in_dim3A_297 = vector.broadcast %broadcast_in_dim3A_296 : i32 to vector<16xi32>
        %gather3A_298 = tpu.vector_load_idx %arg7[%add3A_95, %broadcast_in_dim3A_297] : memref<128x64xf32, #tpu.memory_space<vmem>>[vector<16xi32>, vector<16xi32>], vector<16xf32>,
        %swap3A_299 = arith.constant 29 : i32
        %swap3A_300 = arith.index_cast %swap3A_299 : i32 to index
        %swap3A_301 = arith.index_cast %add3A_93 : i32 to index
        %swap3A_302 = tpu.vector_load %arg9[%swap3A_300, %swap3A_301] {strides = array<i32>} : memref<64x128xf32, #tpu.memory_space<vmem>>, vector<16xf32>,
        tpu.vector_store %arg9[%swap3A_300, %swap3A_301], %gather3A_298 {strides = array<i32>} : memref<64x128xf32, #tpu.memory_space<vmem>>, vector<16xf32>,
        %broadcast_in_dim3A_303 = arith.constant 30 : i32
        %broadcast_in_dim3A_304 = vector.broadcast %broadcast_in_dim3A_303 : i32 to vector<16xi32>
        %gather3A_305 = tpu.vector_load_idx %arg7[%add3A_95, %broadcast_in_dim3A_304] : memref<128x64xf32, #tpu.memory_space<vmem>>[vector<16xi32>, vector<16xi32>], vector<16xf32>,
        %swap3A_306 = arith.constant 30 : i32
        %swap3A_307 = arith.index_cast %swap3A_306 : i32 to index
        %swap3A_308 = arith.index_cast %add3A_93 : i32 to index
        %swap3A_309 = tpu.vector_load %arg9[%swap3A_307, %swap3A_308] {strides = array<i32>} : memref<64x128xf32, #tpu.memory_space<vmem>>, vector<16xf32>,
        tpu.vector_store %arg9[%swap3A_307, %swap3A_308], %gather3A_305 {strides = array<i32>} : memref<64x128xf32, #tpu.memory_space<vmem>>, vector<16xf32>,
        %broadcast_in_dim3A_310 = arith.constant 31 : i32
        %broadcast_in_dim3A_311 = vector.broadcast %broadcast_in_dim3A_310 : i32 to vector<16xi32>
        %gather3A_312 = tpu.vector_load_idx %arg7[%add3A_95, %broadcast_in_dim3A_311] : memref<128x64xf32, #tpu.memory_space<vmem>>[vector<16xi32>, vector<16xi32>], vector<16xf32>,
        %swap3A_313 = arith.constant 31 : i32
        %swap3A_314 = arith.index_cast %swap3A_313 : i32 to index
        %swap3A_315 = arith.index_cast %add3A_93 : i32 to index
        %swap3A_316 = tpu.vector_load %arg9[%swap3A_314, %swap3A_315] {strides = array<i32>} : memref<64x128xf32, #tpu.memory_space<vmem>>, vector<16xf32>,
        tpu.vector_store %arg9[%swap3A_314, %swap3A_315], %gather3A_312 {strides = array<i32>} : memref<64x128xf32, #tpu.memory_space<vmem>>, vector<16xf32>,
        %broadcast_in_dim3A_317 = arith.constant 32 : i32
        %broadcast_in_dim3A_318 = vector.broadcast %broadcast_in_dim3A_317 : i32 to vector<16xi32>
        %gather3A_319 = tpu.vector_load_idx %arg7[%add3A_95, %broadcast_in_dim3A_318] : memref<128x64xf32, #tpu.memory_space<vmem>>[vector<16xi32>, vector<16xi32>], vector<16xf32>,
        %swap3A_320 = arith.constant 32 : i32
        %swap3A_321 = arith.index_cast %swap3A_320 : i32 to index
        %swap3A_322 = arith.index_cast %add3A_93 : i32 to index
        %swap3A_323 = tpu.vector_load %arg9[%swap3A_321, %swap3A_322] {strides = array<i32>} : memref<64x128xf32, #tpu.memory_space<vmem>>, vector<16xf32>,
        tpu.vector_store %arg9[%swap3A_321, %swap3A_322], %gather3A_319 {strides = array<i32>} : memref<64x128xf32, #tpu.memory_space<vmem>>, vector<16xf32>,
        %broadcast_in_dim3A_324 = arith.constant 33 : i32
        %broadcast_in_dim3A_325 = vector.broadcast %broadcast_in_dim3A_324 : i32 to vector<16xi32>
        %gather3A_326 = tpu.vector_load_idx %arg7[%add3A_95, %broadcast_in_dim3A_325] : memref<128x64xf32, #tpu.memory_space<vmem>>[vector<16xi32>, vector<16xi32>], vector<16xf32>,
        %swap3A_327 = arith.constant 33 : i32
        %swap3A_328 = arith.index_cast %swap3A_327 : i32 to index
        %swap3A_329 = arith.index_cast %add3A_93 : i32 to index
        %swap3A_330 = tpu.vector_load %arg9[%swap3A_328, %swap3A_329] {strides = array<i32>} : memref<64x128xf32, #tpu.memory_space<vmem>>, vector<16xf32>,
        tpu.vector_store %arg9[%swap3A_328, %swap3A_329], %gather3A_326 {strides = array<i32>} : memref<64x128xf32, #tpu.memory_space<vmem>>, vector<16xf32>,
        %broadcast_in_dim3A_331 = arith.constant 34 : i32
        %broadcast_in_dim3A_332 = vector.broadcast %broadcast_in_dim3A_331 : i32 to vector<16xi32>
        %gather3A_333 = tpu.vector_load_idx %arg7[%add3A_95, %broadcast_in_dim3A_332] : memref<128x64xf32, #tpu.memory_space<vmem>>[vector<16xi32>, vector<16xi32>], vector<16xf32>,
        %swap3A_334 = arith.constant 34 : i32
        %swap3A_335 = arith.index_cast %swap3A_334 : i32 to index
        %swap3A_336 = arith.index_cast %add3A_93 : i32 to index
        %swap3A_337 = tpu.vector_load %arg9[%swap3A_335, %swap3A_336] {strides = array<i32>} : memref<64x128xf32, #tpu.memory_space<vmem>>, vector<16xf32>,
        tpu.vector_store %arg9[%swap3A_335, %swap3A_336], %gather3A_333 {strides = array<i32>} : memref<64x128xf32, #tpu.memory_space<vmem>>, vector<16xf32>,
        %broadcast_in_dim3A_338 = arith.constant 35 : i32
        %broadcast_in_dim3A_339 = vector.broadcast %broadcast_in_dim3A_338 : i32 to vector<16xi32>
        %gather3A_340 = tpu.vector_load_idx %arg7[%add3A_95, %broadcast_in_dim3A_339] : memref<128x64xf32, #tpu.memory_space<vmem>>[vector<16xi32>, vector<16xi32>], vector<16xf32>,
        %swap3A_341 = arith.constant 35 : i32
        %swap3A_342 = arith.index_cast %swap3A_341 : i32 to index
        %swap3A_343 = arith.index_cast %add3A_93 : i32 to index
        %swap3A_344 = tpu.vector_load %arg9[%swap3A_342, %swap3A_343] {strides = array<i32>} : memref<64x128xf32, #tpu.memory_space<vmem>>, vector<16xf32>,
        tpu.vector_store %arg9[%swap3A_342, %swap3A_343], %gather3A_340 {strides = array<i32>} : memref<64x128xf32, #tpu.memory_space<vmem>>, vector<16xf32>,
        %broadcast_in_dim3A_345 = arith.constant 36 : i32
        %broadcast_in_dim3A_346 = vector.broadcast %broadcast_in_dim3A_345 : i32 to vector<16xi32>
        %gather3A_347 = tpu.vector_load_idx %arg7[%add3A_95, %broadcast_in_dim3A_346] : memref<128x64xf32, #tpu.memory_space<vmem>>[vector<16xi32>, vector<16xi32>], vector<16xf32>,
        %swap3A_348 = arith.constant 36 : i32
        %swap3A_349 = arith.index_cast %swap3A_348 : i32 to index
        %swap3A_350 = arith.index_cast %add3A_93 : i32 to index
        %swap3A_351 = tpu.vector_load %arg9[%swap3A_349, %swap3A_350] {strides = array<i32>} : memref<64x128xf32, #tpu.memory_space<vmem>>, vector<16xf32>,
        tpu.vector_store %arg9[%swap3A_349, %swap3A_350], %gather3A_347 {strides = array<i32>} : memref<64x128xf32, #tpu.memory_space<vmem>>, vector<16xf32>,
        %broadcast_in_dim3A_352 = arith.constant 37 : i32
        %broadcast_in_dim3A_353 = vector.broadcast %broadcast_in_dim3A_352 : i32 to vector<16xi32>
        %gather3A_354 = tpu.vector_load_idx %arg7[%add3A_95, %broadcast_in_dim3A_353] : memref<128x64xf32, #tpu.memory_space<vmem>>[vector<16xi32>, vector<16xi32>], vector<16xf32>,
        %swap3A_355 = arith.constant 37 : i32
        %swap3A_356 = arith.index_cast %swap3A_355 : i32 to index
        %swap3A_357 = arith.index_cast %add3A_93 : i32 to index
        %swap3A_358 = tpu.vector_load %arg9[%swap3A_356, %swap3A_357] {strides = array<i32>} : memref<64x128xf32, #tpu.memory_space<vmem>>, vector<16xf32>,
        tpu.vector_store %arg9[%swap3A_356, %swap3A_357], %gather3A_354 {strides = array<i32>} : memref<64x128xf32, #tpu.memory_space<vmem>>, vector<16xf32>,
        %broadcast_in_dim3A_359 = arith.constant 38 : i32
        %broadcast_in_dim3A_360 = vector.broadcast %broadcast_in_dim3A_359 : i32 to vector<16xi32>
        %gather3A_361 = tpu.vector_load_idx %arg7[%add3A_95, %broadcast_in_dim3A_360] : memref<128x64xf32, #tpu.memory_space<vmem>>[vector<16xi32>, vector<16xi32>], vector<16xf32>,
        %swap3A_362 = arith.constant 38 : i32
        %swap3A_363 = arith.index_cast %swap3A_362 : i32 to index
        %swap3A_364 = arith.index_cast %add3A_93 : i32 to index
        %swap3A_365 = tpu.vector_load %arg9[%swap3A_363, %swap3A_364] {strides = array<i32>} : memref<64x128xf32, #tpu.memory_space<vmem>>, vector<16xf32>,
        tpu.vector_store %arg9[%swap3A_363, %swap3A_364], %gather3A_361 {strides = array<i32>} : memref<64x128xf32, #tpu.memory_space<vmem>>, vector<16xf32>,
        %broadcast_in_dim3A_366 = arith.constant 39 : i32
        %broadcast_in_dim3A_367 = vector.broadcast %broadcast_in_dim3A_366 : i32 to vector<16xi32>
        %gather3A_368 = tpu.vector_load_idx %arg7[%add3A_95, %broadcast_in_dim3A_367] : memref<128x64xf32, #tpu.memory_space<vmem>>[vector<16xi32>, vector<16xi32>], vector<16xf32>,
        %swap3A_369 = arith.constant 39 : i32
        %swap3A_370 = arith.index_cast %swap3A_369 : i32 to index
        %swap3A_371 = arith.index_cast %add3A_93 : i32 to index
        %swap3A_372 = tpu.vector_load %arg9[%swap3A_370, %swap3A_371] {strides = array<i32>} : memref<64x128xf32, #tpu.memory_space<vmem>>, vector<16xf32>,
        tpu.vector_store %arg9[%swap3A_370, %swap3A_371], %gather3A_368 {strides = array<i32>} : memref<64x128xf32, #tpu.memory_space<vmem>>, vector<16xf32>,
        %broadcast_in_dim3A_373 = arith.constant 40 : i32
        %broadcast_in_dim3A_374 = vector.broadcast %broadcast_in_dim3A_373 : i32 to vector<16xi32>
        %gather3A_375 = tpu.vector_load_idx %arg7[%add3A_95, %broadcast_in_dim3A_374] : memref<128x64xf32, #tpu.memory_space<vmem>>[vector<16xi32>, vector<16xi32>], vector<16xf32>,
        %swap3A_376 = arith.constant 40 : i32
        %swap3A_377 = arith.index_cast %swap3A_376 : i32 to index
        %swap3A_378 = arith.index_cast %add3A_93 : i32 to index
        %swap3A_379 = tpu.vector_load %arg9[%swap3A_377, %swap3A_378] {strides = array<i32>} : memref<64x128xf32, #tpu.memory_space<vmem>>, vector<16xf32>,
        tpu.vector_store %arg9[%swap3A_377, %swap3A_378], %gather3A_375 {strides = array<i32>} : memref<64x128xf32, #tpu.memory_space<vmem>>, vector<16xf32>,
        %broadcast_in_dim3A_380 = arith.constant 41 : i32
        %broadcast_in_dim3A_381 = vector.broadcast %broadcast_in_dim3A_380 : i32 to vector<16xi32>
        %gather3A_382 = tpu.vector_load_idx %arg7[%add3A_95, %broadcast_in_dim3A_381] : memref<128x64xf32, #tpu.memory_space<vmem>>[vector<16xi32>, vector<16xi32>], vector<16xf32>,
        %swap3A_383 = arith.constant 41 : i32
        %swap3A_384 = arith.index_cast %swap3A_383 : i32 to index
        %swap3A_385 = arith.index_cast %add3A_93 : i32 to index
        %swap3A_386 = tpu.vector_load %arg9[%swap3A_384, %swap3A_385] {strides = array<i32>} : memref<64x128xf32, #tpu.memory_space<vmem>>, vector<16xf32>,
        tpu.vector_store %arg9[%swap3A_384, %swap3A_385], %gather3A_382 {strides = array<i32>} : memref<64x128xf32, #tpu.memory_space<vmem>>, vector<16xf32>,
        %broadcast_in_dim3A_387 = arith.constant 42 : i32
        %broadcast_in_dim3A_388 = vector.broadcast %broadcast_in_dim3A_387 : i32 to vector<16xi32>
        %gather3A_389 = tpu.vector_load_idx %arg7[%add3A_95, %broadcast_in_dim3A_388] : memref<128x64xf32, #tpu.memory_space<vmem>>[vector<16xi32>, vector<16xi32>], vector<16xf32>,
        %swap3A_390 = arith.constant 42 : i32
        %swap3A_391 = arith.index_cast %swap3A_390 : i32 to index
        %swap3A_392 = arith.index_cast %add3A_93 : i32 to index
        %swap3A_393 = tpu.vector_load %arg9[%swap3A_391, %swap3A_392] {strides = array<i32>} : memref<64x128xf32, #tpu.memory_space<vmem>>, vector<16xf32>,
        tpu.vector_store %arg9[%swap3A_391, %swap3A_392], %gather3A_389 {strides = array<i32>} : memref<64x128xf32, #tpu.memory_space<vmem>>, vector<16xf32>,
        %broadcast_in_dim3A_394 = arith.constant 43 : i32
        %broadcast_in_dim3A_395 = vector.broadcast %broadcast_in_dim3A_394 : i32 to vector<16xi32>
        %gather3A_396 = tpu.vector_load_idx %arg7[%add3A_95, %broadcast_in_dim3A_395] : memref<128x64xf32, #tpu.memory_space<vmem>>[vector<16xi32>, vector<16xi32>], vector<16xf32>,
        %swap3A_397 = arith.constant 43 : i32
        %swap3A_398 = arith.index_cast %swap3A_397 : i32 to index
        %swap3A_399 = arith.index_cast %add3A_93 : i32 to index
        %swap3A_400 = tpu.vector_load %arg9[%swap3A_398, %swap3A_399] {strides = array<i32>} : memref<64x128xf32, #tpu.memory_space<vmem>>, vector<16xf32>,
        tpu.vector_store %arg9[%swap3A_398, %swap3A_399], %gather3A_396 {strides = array<i32>} : memref<64x128xf32, #tpu.memory_space<vmem>>, vector<16xf32>,
        %broadcast_in_dim3A_401 = arith.constant 44 : i32
        %broadcast_in_dim3A_402 = vector.broadcast %broadcast_in_dim3A_401 : i32 to vector<16xi32>
        %gather3A_403 = tpu.vector_load_idx %arg7[%add3A_95, %broadcast_in_dim3A_402] : memref<128x64xf32, #tpu.memory_space<vmem>>[vector<16xi32>, vector<16xi32>], vector<16xf32>,
        %swap3A_404 = arith.constant 44 : i32
        %swap3A_405 = arith.index_cast %swap3A_404 : i32 to index
        %swap3A_406 = arith.index_cast %add3A_93 : i32 to index
        %swap3A_407 = tpu.vector_load %arg9[%swap3A_405, %swap3A_406] {strides = array<i32>} : memref<64x128xf32, #tpu.memory_space<vmem>>, vector<16xf32>,
        tpu.vector_store %arg9[%swap3A_405, %swap3A_406], %gather3A_403 {strides = array<i32>} : memref<64x128xf32, #tpu.memory_space<vmem>>, vector<16xf32>,
        %broadcast_in_dim3A_408 = arith.constant 45 : i32
        %broadcast_in_dim3A_409 = vector.broadcast %broadcast_in_dim3A_408 : i32 to vector<16xi32>
        %gather3A_410 = tpu.vector_load_idx %arg7[%add3A_95, %broadcast_in_dim3A_409] : memref<128x64xf32, #tpu.memory_space<vmem>>[vector<16xi32>, vector<16xi32>], vector<16xf32>,
        %swap3A_411 = arith.constant 45 : i32
        %swap3A_412 = arith.index_cast %swap3A_411 : i32 to index
        %swap3A_413 = arith.index_cast %add3A_93 : i32 to index
        %swap3A_414 = tpu.vector_load %arg9[%swap3A_412, %swap3A_413] {strides = array<i32>} : memref<64x128xf32, #tpu.memory_space<vmem>>, vector<16xf32>,
        tpu.vector_store %arg9[%swap3A_412, %swap3A_413], %gather3A_410 {strides = array<i32>} : memref<64x128xf32, #tpu.memory_space<vmem>>, vector<16xf32>,
        %broadcast_in_dim3A_415 = arith.constant 46 : i32
        %broadcast_in_dim3A_416 = vector.broadcast %broadcast_in_dim3A_415 : i32 to vector<16xi32>
        %gather3A_417 = tpu.vector_load_idx %arg7[%add3A_95, %broadcast_in_dim3A_416] : memref<128x64xf32, #tpu.memory_space<vmem>>[vector<16xi32>, vector<16xi32>], vector<16xf32>,
        %swap3A_418 = arith.constant 46 : i32
        %swap3A_419 = arith.index_cast %swap3A_418 : i32 to index
        %swap3A_420 = arith.index_cast %add3A_93 : i32 to index
        %swap3A_421 = tpu.vector_load %arg9[%swap3A_419, %swap3A_420] {strides = array<i32>} : memref<64x128xf32, #tpu.memory_space<vmem>>, vector<16xf32>,
        tpu.vector_store %arg9[%swap3A_419, %swap3A_420], %gather3A_417 {strides = array<i32>} : memref<64x128xf32, #tpu.memory_space<vmem>>, vector<16xf32>,
        %broadcast_in_dim3A_422 = arith.constant 47 : i32
        %broadcast_in_dim3A_423 = vector.broadcast %broadcast_in_dim3A_422 : i32 to vector<16xi32>
        %gather3A_424 = tpu.vector_load_idx %arg7[%add3A_95, %broadcast_in_dim3A_423] : memref<128x64xf32, #tpu.memory_space<vmem>>[vector<16xi32>, vector<16xi32>], vector<16xf32>,
        %swap3A_425 = arith.constant 47 : i32
        %swap3A_426 = arith.index_cast %swap3A_425 : i32 to index
        %swap3A_427 = arith.index_cast %add3A_93 : i32 to index
        %swap3A_428 = tpu.vector_load %arg9[%swap3A_426, %swap3A_427] {strides = array<i32>} : memref<64x128xf32, #tpu.memory_space<vmem>>, vector<16xf32>,
        tpu.vector_store %arg9[%swap3A_426, %swap3A_427], %gather3A_424 {strides = array<i32>} : memref<64x128xf32, #tpu.memory_space<vmem>>, vector<16xf32>,
        %broadcast_in_dim3A_429 = arith.constant 48 : i32
        %broadcast_in_dim3A_430 = vector.broadcast %broadcast_in_dim3A_429 : i32 to vector<16xi32>
        %gather3A_431 = tpu.vector_load_idx %arg7[%add3A_95, %broadcast_in_dim3A_430] : memref<128x64xf32, #tpu.memory_space<vmem>>[vector<16xi32>, vector<16xi32>], vector<16xf32>,
        %swap3A_432 = arith.constant 48 : i32
        %swap3A_433 = arith.index_cast %swap3A_432 : i32 to index
        %swap3A_434 = arith.index_cast %add3A_93 : i32 to index
        %swap3A_435 = tpu.vector_load %arg9[%swap3A_433, %swap3A_434] {strides = array<i32>} : memref<64x128xf32, #tpu.memory_space<vmem>>, vector<16xf32>,
        tpu.vector_store %arg9[%swap3A_433, %swap3A_434], %gather3A_431 {strides = array<i32>} : memref<64x128xf32, #tpu.memory_space<vmem>>, vector<16xf32>,
        %broadcast_in_dim3A_436 = arith.constant 49 : i32
        %broadcast_in_dim3A_437 = vector.broadcast %broadcast_in_dim3A_436 : i32 to vector<16xi32>
        %gather3A_438 = tpu.vector_load_idx %arg7[%add3A_95, %broadcast_in_dim3A_437] : memref<128x64xf32, #tpu.memory_space<vmem>>[vector<16xi32>, vector<16xi32>], vector<16xf32>,
        %swap3A_439 = arith.constant 49 : i32
        %swap3A_440 = arith.index_cast %swap3A_439 : i32 to index
        %swap3A_441 = arith.index_cast %add3A_93 : i32 to index
        %swap3A_442 = tpu.vector_load %arg9[%swap3A_440, %swap3A_441] {strides = array<i32>} : memref<64x128xf32, #tpu.memory_space<vmem>>, vector<16xf32>,
        tpu.vector_store %arg9[%swap3A_440, %swap3A_441], %gather3A_438 {strides = array<i32>} : memref<64x128xf32, #tpu.memory_space<vmem>>, vector<16xf32>,
        %broadcast_in_dim3A_443 = arith.constant 50 : i32
        %broadcast_in_dim3A_444 = vector.broadcast %broadcast_in_dim3A_443 : i32 to vector<16xi32>
        %gather3A_445 = tpu.vector_load_idx %arg7[%add3A_95, %broadcast_in_dim3A_444] : memref<128x64xf32, #tpu.memory_space<vmem>>[vector<16xi32>, vector<16xi32>], vector<16xf32>,
        %swap3A_446 = arith.constant 50 : i32
        %swap3A_447 = arith.index_cast %swap3A_446 : i32 to index
        %swap3A_448 = arith.index_cast %add3A_93 : i32 to index
        %swap3A_449 = tpu.vector_load %arg9[%swap3A_447, %swap3A_448] {strides = array<i32>} : memref<64x128xf32, #tpu.memory_space<vmem>>, vector<16xf32>,
        tpu.vector_store %arg9[%swap3A_447, %swap3A_448], %gather3A_445 {strides = array<i32>} : memref<64x128xf32, #tpu.memory_space<vmem>>, vector<16xf32>,
        %broadcast_in_dim3A_450 = arith.constant 51 : i32
        %broadcast_in_dim3A_451 = vector.broadcast %broadcast_in_dim3A_450 : i32 to vector<16xi32>
        %gather3A_452 = tpu.vector_load_idx %arg7[%add3A_95, %broadcast_in_dim3A_451] : memref<128x64xf32, #tpu.memory_space<vmem>>[vector<16xi32>, vector<16xi32>], vector<16xf32>,
        %swap3A_453 = arith.constant 51 : i32
        %swap3A_454 = arith.index_cast %swap3A_453 : i32 to index
        %swap3A_455 = arith.index_cast %add3A_93 : i32 to index
        %swap3A_456 = tpu.vector_load %arg9[%swap3A_454, %swap3A_455] {strides = array<i32>} : memref<64x128xf32, #tpu.memory_space<vmem>>, vector<16xf32>,
        tpu.vector_store %arg9[%swap3A_454, %swap3A_455], %gather3A_452 {strides = array<i32>} : memref<64x128xf32, #tpu.memory_space<vmem>>, vector<16xf32>,
        %broadcast_in_dim3A_457 = arith.constant 52 : i32
        %broadcast_in_dim3A_458 = vector.broadcast %broadcast_in_dim3A_457 : i32 to vector<16xi32>
        %gather3A_459 = tpu.vector_load_idx %arg7[%add3A_95, %broadcast_in_dim3A_458] : memref<128x64xf32, #tpu.memory_space<vmem>>[vector<16xi32>, vector<16xi32>], vector<16xf32>,
        %swap3A_460 = arith.constant 52 : i32
        %swap3A_461 = arith.index_cast %swap3A_460 : i32 to index
        %swap3A_462 = arith.index_cast %add3A_93 : i32 to index
        %swap3A_463 = tpu.vector_load %arg9[%swap3A_461, %swap3A_462] {strides = array<i32>} : memref<64x128xf32, #tpu.memory_space<vmem>>, vector<16xf32>,
        tpu.vector_store %arg9[%swap3A_461, %swap3A_462], %gather3A_459 {strides = array<i32>} : memref<64x128xf32, #tpu.memory_space<vmem>>, vector<16xf32>,
        %broadcast_in_dim3A_464 = arith.constant 53 : i32
        %broadcast_in_dim3A_465 = vector.broadcast %broadcast_in_dim3A_464 : i32 to vector<16xi32>
        %gather3A_466 = tpu.vector_load_idx %arg7[%add3A_95, %broadcast_in_dim3A_465] : memref<128x64xf32, #tpu.memory_space<vmem>>[vector<16xi32>, vector<16xi32>], vector<16xf32>,
        %swap3A_467 = arith.constant 53 : i32
        %swap3A_468 = arith.index_cast %swap3A_467 : i32 to index
        %swap3A_469 = arith.index_cast %add3A_93 : i32 to index
        %swap3A_470 = tpu.vector_load %arg9[%swap3A_468, %swap3A_469] {strides = array<i32>} : memref<64x128xf32, #tpu.memory_space<vmem>>, vector<16xf32>,
        tpu.vector_store %arg9[%swap3A_468, %swap3A_469], %gather3A_466 {strides = array<i32>} : memref<64x128xf32, #tpu.memory_space<vmem>>, vector<16xf32>,
        %broadcast_in_dim3A_471 = arith.constant 54 : i32
        %broadcast_in_dim3A_472 = vector.broadcast %broadcast_in_dim3A_471 : i32 to vector<16xi32>
        %gather3A_473 = tpu.vector_load_idx %arg7[%add3A_95, %broadcast_in_dim3A_472] : memref<128x64xf32, #tpu.memory_space<vmem>>[vector<16xi32>, vector<16xi32>], vector<16xf32>,
        %swap3A_474 = arith.constant 54 : i32
        %swap3A_475 = arith.index_cast %swap3A_474 : i32 to index
        %swap3A_476 = arith.index_cast %add3A_93 : i32 to index
        %swap3A_477 = tpu.vector_load %arg9[%swap3A_475, %swap3A_476] {strides = array<i32>} : memref<64x128xf32, #tpu.memory_space<vmem>>, vector<16xf32>,
        tpu.vector_store %arg9[%swap3A_475, %swap3A_476], %gather3A_473 {strides = array<i32>} : memref<64x128xf32, #tpu.memory_space<vmem>>, vector<16xf32>,
        %broadcast_in_dim3A_478 = arith.constant 55 : i32
        %broadcast_in_dim3A_479 = vector.broadcast %broadcast_in_dim3A_478 : i32 to vector<16xi32>
        %gather3A_480 = tpu.vector_load_idx %arg7[%add3A_95, %broadcast_in_dim3A_479] : memref<128x64xf32, #tpu.memory_space<vmem>>[vector<16xi32>, vector<16xi32>], vector<16xf32>,
        %swap3A_481 = arith.constant 55 : i32
        %swap3A_482 = arith.index_cast %swap3A_481 : i32 to index
        %swap3A_483 = arith.index_cast %add3A_93 : i32 to index
        %swap3A_484 = tpu.vector_load %arg9[%swap3A_482, %swap3A_483] {strides = array<i32>} : memref<64x128xf32, #tpu.memory_space<vmem>>, vector<16xf32>,
        tpu.vector_store %arg9[%swap3A_482, %swap3A_483], %gather3A_480 {strides = array<i32>} : memref<64x128xf32, #tpu.memory_space<vmem>>, vector<16xf32>,
        %broadcast_in_dim3A_485 = arith.constant 56 : i32
        %broadcast_in_dim3A_486 = vector.broadcast %broadcast_in_dim3A_485 : i32 to vector<16xi32>
        %gather3A_487 = tpu.vector_load_idx %arg7[%add3A_95, %broadcast_in_dim3A_486] : memref<128x64xf32, #tpu.memory_space<vmem>>[vector<16xi32>, vector<16xi32>], vector<16xf32>,
        %swap3A_488 = arith.constant 56 : i32
        %swap3A_489 = arith.index_cast %swap3A_488 : i32 to index
        %swap3A_490 = arith.index_cast %add3A_93 : i32 to index
        %swap3A_491 = tpu.vector_load %arg9[%swap3A_489, %swap3A_490] {strides = array<i32>} : memref<64x128xf32, #tpu.memory_space<vmem>>, vector<16xf32>,
        tpu.vector_store %arg9[%swap3A_489, %swap3A_490], %gather3A_487 {strides = array<i32>} : memref<64x128xf32, #tpu.memory_space<vmem>>, vector<16xf32>,
        %broadcast_in_dim3A_492 = arith.constant 57 : i32
        %broadcast_in_dim3A_493 = vector.broadcast %broadcast_in_dim3A_492 : i32 to vector<16xi32>
        %gather3A_494 = tpu.vector_load_idx %arg7[%add3A_95, %broadcast_in_dim3A_493] : memref<128x64xf32, #tpu.memory_space<vmem>>[vector<16xi32>, vector<16xi32>], vector<16xf32>,
        %swap3A_495 = arith.constant 57 : i32
        %swap3A_496 = arith.index_cast %swap3A_495 : i32 to index
        %swap3A_497 = arith.index_cast %add3A_93 : i32 to index
        %swap3A_498 = tpu.vector_load %arg9[%swap3A_496, %swap3A_497] {strides = array<i32>} : memref<64x128xf32, #tpu.memory_space<vmem>>, vector<16xf32>,
        tpu.vector_store %arg9[%swap3A_496, %swap3A_497], %gather3A_494 {strides = array<i32>} : memref<64x128xf32, #tpu.memory_space<vmem>>, vector<16xf32>,
        %broadcast_in_dim3A_499 = arith.constant 58 : i32
        %broadcast_in_dim3A_500 = vector.broadcast %broadcast_in_dim3A_499 : i32 to vector<16xi32>
        %gather3A_501 = tpu.vector_load_idx %arg7[%add3A_95, %broadcast_in_dim3A_500] : memref<128x64xf32, #tpu.memory_space<vmem>>[vector<16xi32>, vector<16xi32>], vector<16xf32>,
        %swap3A_502 = arith.constant 58 : i32
        %swap3A_503 = arith.index_cast %swap3A_502 : i32 to index
        %swap3A_504 = arith.index_cast %add3A_93 : i32 to index
        %swap3A_505 = tpu.vector_load %arg9[%swap3A_503, %swap3A_504] {strides = array<i32>} : memref<64x128xf32, #tpu.memory_space<vmem>>, vector<16xf32>,
        tpu.vector_store %arg9[%swap3A_503, %swap3A_504], %gather3A_501 {strides = array<i32>} : memref<64x128xf32, #tpu.memory_space<vmem>>, vector<16xf32>,
        %broadcast_in_dim3A_506 = arith.constant 59 : i32
        %broadcast_in_dim3A_507 = vector.broadcast %broadcast_in_dim3A_506 : i32 to vector<16xi32>
        %gather3A_508 = tpu.vector_load_idx %arg7[%add3A_95, %broadcast_in_dim3A_507] : memref<128x64xf32, #tpu.memory_space<vmem>>[vector<16xi32>, vector<16xi32>], vector<16xf32>,
        %swap3A_509 = arith.constant 59 : i32
        %swap3A_510 = arith.index_cast %swap3A_509 : i32 to index
        %swap3A_511 = arith.index_cast %add3A_93 : i32 to index
        %swap3A_512 = tpu.vector_load %arg9[%swap3A_510, %swap3A_511] {strides = array<i32>} : memref<64x128xf32, #tpu.memory_space<vmem>>, vector<16xf32>,
        tpu.vector_store %arg9[%swap3A_510, %swap3A_511], %gather3A_508 {strides = array<i32>} : memref<64x128xf32, #tpu.memory_space<vmem>>, vector<16xf32>,
        %broadcast_in_dim3A_513 = arith.constant 60 : i32
        %broadcast_in_dim3A_514 = vector.broadcast %broadcast_in_dim3A_513 : i32 to vector<16xi32>
        %gather3A_515 = tpu.vector_load_idx %arg7[%add3A_95, %broadcast_in_dim3A_514] : memref<128x64xf32, #tpu.memory_space<vmem>>[vector<16xi32>, vector<16xi32>], vector<16xf32>,
        %swap3A_516 = arith.constant 60 : i32
        %swap3A_517 = arith.index_cast %swap3A_516 : i32 to index
        %swap3A_518 = arith.index_cast %add3A_93 : i32 to index
        %swap3A_519 = tpu.vector_load %arg9[%swap3A_517, %swap3A_518] {strides = array<i32>} : memref<64x128xf32, #tpu.memory_space<vmem>>, vector<16xf32>,
        tpu.vector_store %arg9[%swap3A_517, %swap3A_518], %gather3A_515 {strides = array<i32>} : memref<64x128xf32, #tpu.memory_space<vmem>>, vector<16xf32>,
        %broadcast_in_dim3A_520 = arith.constant 61 : i32
        %broadcast_in_dim3A_521 = vector.broadcast %broadcast_in_dim3A_520 : i32 to vector<16xi32>
        %gather3A_522 = tpu.vector_load_idx %arg7[%add3A_95, %broadcast_in_dim3A_521] : memref<128x64xf32, #tpu.memory_space<vmem>>[vector<16xi32>, vector<16xi32>], vector<16xf32>,
        %swap3A_523 = arith.constant 61 : i32
        %swap3A_524 = arith.index_cast %swap3A_523 : i32 to index
        %swap3A_525 = arith.index_cast %add3A_93 : i32 to index
        %swap3A_526 = tpu.vector_load %arg9[%swap3A_524, %swap3A_525] {strides = array<i32>} : memref<64x128xf32, #tpu.memory_space<vmem>>, vector<16xf32>,
        tpu.vector_store %arg9[%swap3A_524, %swap3A_525], %gather3A_522 {strides = array<i32>} : memref<64x128xf32, #tpu.memory_space<vmem>>, vector<16xf32>,
        %broadcast_in_dim3A_527 = arith.constant 62 : i32
        %broadcast_in_dim3A_528 = vector.broadcast %broadcast_in_dim3A_527 : i32 to vector<16xi32>
        %gather3A_529 = tpu.vector_load_idx %arg7[%add3A_95, %broadcast_in_dim3A_528] : memref<128x64xf32, #tpu.memory_space<vmem>>[vector<16xi32>, vector<16xi32>], vector<16xf32>,
        %swap3A_530 = arith.constant 62 : i32
        %swap3A_531 = arith.index_cast %swap3A_530 : i32 to index
        %swap3A_532 = arith.index_cast %add3A_93 : i32 to index
        %swap3A_533 = tpu.vector_load %arg9[%swap3A_531, %swap3A_532] {strides = array<i32>} : memref<64x128xf32, #tpu.memory_space<vmem>>, vector<16xf32>,
        tpu.vector_store %arg9[%swap3A_531, %swap3A_532], %gather3A_529 {strides = array<i32>} : memref<64x128xf32, #tpu.memory_space<vmem>>, vector<16xf32>,
        %broadcast_in_dim3A_534 = arith.constant 63 : i32
        %broadcast_in_dim3A_535 = vector.broadcast %broadcast_in_dim3A_534 : i32 to vector<16xi32>
        %gather3A_536 = tpu.vector_load_idx %arg7[%add3A_95, %broadcast_in_dim3A_535] : memref<128x64xf32, #tpu.memory_space<vmem>>[vector<16xi32>, vector<16xi32>], vector<16xf32>,
        %swap3A_537 = arith.constant 63 : i32
        %swap3A_538 = arith.index_cast %swap3A_537 : i32 to index
        %swap3A_539 = arith.index_cast %add3A_93 : i32 to index
        %swap3A_540 = tpu.vector_load %arg9[%swap3A_538, %swap3A_539] {strides = array<i32>} : memref<64x128xf32, #tpu.memory_space<vmem>>, vector<16xf32>,
        tpu.vector_store %arg9[%swap3A_538, %swap3A_539], %gather3A_536 {strides = array<i32>} : memref<64x128xf32, #tpu.memory_space<vmem>>, vector<16xf32>,
      }
      %scan3A_68 = arith.constant 8 : i32
      %dma_start3A_69 = arith.constant 0 : i32
      %dma_start3A_70 = tpu.memref_slice %arg4[%add3A_56, %dma_start3A_69, %mul3A_2] : memref<200x64x4096xf32, #tpu.memory_space<hbm>> -> memref<1x64x128xf32, #tpu.memory_space<hbm>>
      %dma_start3A_71 = tpu.memref_squeeze %dma_start3A_70 : memref<1x64x128xf32, #tpu.memory_space<hbm>> -> memref<64x128xf32, #tpu.memory_space<hbm>>
      %dma_start3A_72 = arith.constant 0 : i32
      %dma_start3A_73 = tpu.memref_slice %arg4[%add3A_56, %dma_start3A_72, %mul3A_2] : memref<200x64x4096xf32, #tpu.memory_space<hbm>> -> memref<1x64x128xf32, #tpu.memory_space<hbm>>
      %dma_start3A_74 = tpu.memref_squeeze %dma_start3A_73 : memref<1x64x128xf32, #tpu.memory_space<hbm>> -> memref<64x128xf32, #tpu.memory_space<hbm>>
      tpu.enqueue_dma source(%arg9 : memref<64x128xf32, #tpu.memory_space<vmem>>) target(%dma_start3A_74 : memref<64x128xf32, #tpu.memory_space<hbm>>) target_semaphore(%arg13 : memref<!tpu.dma_semaphore, #tpu.memory_space<semaphore_mem>>)
      %dma_wait3A_75 = arith.constant 0 : i32
      %dma_wait3A_76 = arith.constant 0 : i32
      %dma_wait3A_77 = tpu.memref_slice %arg4[%dma_wait3A_75, %dma_wait3A_76, %mul3A_2] : memref<200x64x4096xf32, #tpu.memory_space<hbm>> -> memref<1x64x128xf32, #tpu.memory_space<hbm>>
      %dma_wait3A_78 = tpu.memref_squeeze %dma_wait3A_77 : memref<1x64x128xf32, #tpu.memory_space<hbm>> -> memref<64x128xf32, #tpu.memory_space<hbm>>
      %dma_wait3A_79 = arith.constant 0 : i32
      %dma_wait3A_80 = tpu.memref_slice %arg4[%dma_wait3A_75, %dma_wait3A_79, %mul3A_2] : memref<200x64x4096xf32, #tpu.memory_space<hbm>> -> memref<1x64x128xf32, #tpu.memory_space<hbm>>
      %dma_wait3A_81 = tpu.memref_squeeze %dma_wait3A_80 : memref<1x64x128xf32, #tpu.memory_space<hbm>> -> memref<64x128xf32, #tpu.memory_space<hbm>>
      tpu.wait_dma2 semaphore(%arg13 : memref<!tpu.dma_semaphore, #tpu.memory_space<semaphore_mem>>) src(%arg9 : memref<64x128xf32, #tpu.memory_space<vmem>>) dst(%dma_wait3A_81 : memref<64x128xf32, #tpu.memory_space<hbm>>)
      %add3A_82 = arith.constant 2 : i32
      %add3A_83 = arith.addi %add3A_56, %add3A_82 : i32
      %lt3A_84 = arith.constant 200 : i32
      %lt3A_85 = arith.cmpi slt, %add3A_83, %lt3A_84 : i32
      %convert_element_type3A_86 = arith.extui %lt3A_85 : i1 to i32
      %cond3A_87 = arith.constant 0 : i32
      %cond3A_88 = arith.cmpi ne, %convert_element_type3A_86, %cond3A_87 : i32
      scf.if %cond3A_88 {
        %add3A_89 = arith.constant 2 : i32
        %add3A_90 = arith.addi %add3A_56, %add3A_89 : i32
        %dma_start3A_91 = arith.constant 0 : i32
        %dma_start3A_92 = tpu.memref_slice %arg5[%add3A_90, %dma_start3A_91] : memref<200x128xi32, #tpu.memory_space<vmem>> -> memref<1x128xi32, #tpu.memory_space<vmem>>
        %dma_start3A_93 = tpu.memref_squeeze %dma_start3A_92 : memref<1x128xi32, #tpu.memory_space<vmem>> -> memref<128xi32, #tpu.memory_space<vmem>>
        %dma_start3A_94 = arith.constant 0 : i32
        %dma_start3A_95 = arith.constant 0 : i32
        %dma_start3A_96 = tpu.memref_slice %arg2[%dma_start3A_94, %dma_start3A_95] : memref<1000000x64xf32, #tpu.memory_space<hbm>> -> memref<1000000x64xf32, #tpu.memory_space<hbm>>
        tpu.enqueue_indirect_dma source(%dma_start3A_96 : memref<1000000x64xf32, #tpu.memory_space<hbm>>) target(%arg7 : memref<128x64xf32, #tpu.memory_space<vmem>>) offsets(%dma_start3A_93 : memref<128xi32, #tpu.memory_space<vmem>>) semaphore(%arg11 : memref<!tpu.dma_semaphore, #tpu.memory_space<semaphore_mem>>)
      } else {
      }
    }
    %scan3A_19 = arith.constant 100 : i32
    return
  }
}

</mosaic_0001>

<sc_bundles>
// kernel: kernel.3.cloned.1.call-start
scs
__scs_entry_jumppad:
0x0: {  	(pc) =	sbr.rel $0x88, $3  }
0x1: {  	(tag) =	ssettag $0x0;
	lr =	simm.s32 $0x1  }
0x2: {  	[smem:$0x3F9F] =	sst lr;
	_ =	strace $0xD0000000  }
0x3: {  	_ = 	snop  }
0x4: {  	_ = 	snop  }
0x5: {  	_ = 	snop  }
0x6: {  	_ = 	snop  }
0x7: {  	_ = 	snop  }
__scs_overlays_trampoline_lowered:
0x8: {  	[smem:$0x3FAE] =	sst s0  }
0x9: {  	[smem:$0x3FAF] =	sst s1  }
0xa: {  	[smem:$0x3FB0] =	sst s2  }
0xb: {  	[smem:$0x3FB1] =	sst s3  }
0xc: {  	[smem:$0x3FB2] =	sst s4  }
0xd: {  	[smem:$0x3FB3] =	sst s5  }
0xe: {  	[smem:$0x3FB4] =	sst s6  }
0xf: {  	[smem:$0x3FB5] =	sst s7  }
0x10: {  	[smem:$0x3FB6] =	sst s8  }
0x11: {  	[smem:$0x3FB7] =	sst s9;
	s0 =	simm.s32 @!p0 $0x0  }
0x12: {  	s1 =	sld [smem:$0x3F9D];
	s0 =	simm.s32 @p0 $0x1  }
0x13: {  	[smem:$0x3FB8] =	sst s0;
	s0 =	simm.s32 @!p1 $0x0  }
0x14: {  	s2 =	sld [smem:$0x3F9C];
	s0 =	simm.s32 @p1 $0x1  }
0x15: {  	[smem:$0x3FB9] =	sst s0;
	s0 =	simm.s32 @!p2 $0x0  }
0x16: {  	s3 =	sld [smem:$0x3FDB];
	s0 =	simm.s32 @p2 $0x1  }
0x17: {  	s4 =	simm.s32 $0x1BF5;
	[smem:$0x3FBB] =	sst s0  }
0x18: {  	s0 =	sld [smem:$0x3F9E];
	_ =	swait.ge [sflag:s4], $0x0  }
0x19: {  	s7 =	sld [smem:$0x3F9F]  }
0x1a: {  	s8 =	sadd.s32 $0xFFFFE003, lr  }
0x1b: {  	s9 =	sadd.s32 $0xFFFFFEF7, lr;
	s5 =	simm.s32 $0xFFFFFFFF;
	p2 =	slt.u32 s8, $0xFFFFF086  }
0x1c: {  	p1 =	slt.u32 s9, $0xF7A;
	s5 =	simm.s32 @!p2 $0x0  }
0x1d: {  	s5 =	simm.s32 @p1 $0x1;
	p0 =	seq.s32 s7, s2  }
0x1e: {  	s7 =	smul.u32 @!p0 $0xF7A, s2;
	p2 =	seq.s32 @!p0 s5, $0x0  }
0x1f: {  	s9 =	smul.u32 $0xF7A, s1;
	s8 =	simm.s32 @!p0 $0x1BF5;
	p2 =	por !p2, p0  }
0x20: {  	[sflag:s8] =	ssyncset.s32 @!p0 $0xFFFFF086;
	s6 =	sadd.s32 @!p0 s3, s7;
	s7 =	simm.s32 @!p0 $0x108  }
0x21: {  	s3 =	sadd.s32 s3, s9;
	s6 =	sadd.s32 @!p0 $0x88, s6;
	s7 =	simm.s32 @p2 $0x1082  }
0x22: {  	[simem:s7], [sflag:s8] =	dma.local @!p0 [hbm:s6], $0xF7A  }
0x23: {  	s9 =	sor.u32 $0xD0000000, s2;
	s6 =	simm.s32 $0x108;
	_ =	swait.ge @!p0 [sflag:s8], $0x0  }
0x24: {  	s3 =	sadd.s32 $0x88, s3;
	s6 =	simm.s32 @!p1 $0x1082;
	[sflag:s4] =	ssyncset.s32 $0xFFFFF086  }
0x25: {  	[simem:s6], [sflag:s4] =	dma.local [hbm:s3], $0xF7A  }
0x26: {  	[smem:$0x3F9F] =	sst s1;
	(tag) =	ssettag s2;
	_ =	strace s9  }
0x27: {  	s1 =	sld [smem:$0x3FAF]  }
0x28: {  	s2 =	sld [smem:$0x3FB0]  }
0x29: {  	s4 =	sld [smem:$0x3FB2]  }
0x2a: {  	p0 =	seq.s32 s5, $0x0;
	s5 =	sld [smem:$0x3FB3]  }
0x2b: {  	s6 =	sld [smem:$0x3FB4]  }
0x2c: {  	s7 =	sld [smem:$0x3FB5]  }
0x2d: {  	s3 =	simm.s32 $0x108;
	s8 =	sld [smem:$0x3FB6]  }
0x2e: {  	s3 =	simm.s32 @!p0 $0x1082;
	s9 =	sld [smem:$0x3FB7]  }
0x2f: {  	lr =	sadd.s32 s0, s3;
	s0 =	sld [smem:$0x3FAE]  }
0x30: {  	s3 =	sld [smem:$0x3FB1]  }
0x31: {  	[smem:$0x3FBA] =	sst s10  }
0x32: {  	s10 =	sld [smem:$0x3FB8];
	_ =	sdelay $0x3  }
0x33: {  	p0 =	seq.s32 s10, $0x1;
	s10 =	sld [smem:$0x3FBA];
	_ =	sdelay $0x3  }
0x34: {  	[smem:$0x3FBA] =	sst s10  }
0x35: {  	s10 =	sld [smem:$0x3FB9];
	_ =	sdelay $0x3  }
0x36: {  	p1 =	seq.s32 s10, $0x1;
	s10 =	sld [smem:$0x3FBA];
	_ =	sdelay $0x3  }
0x37: {  	[smem:$0x3FBA] =	sst s10  }
0x38: {  	s10 =	sld [smem:$0x3FBB]  }
0x39: {  	_ = 	snop;
	(pc) =	sbr.ind lr, $3  }
0x3a: {  	_ = 	snop  }
0x3b: {  	_ = 	snop  }
0x3c: {  	p2 =	seq.s32 s10, $0x1;
	s10 =	sld [smem:$0x3FBA]  }
0x3d: {  	_ =	shalt  }
0x3e: {  	_ =	shalt  }
0x3f: {  	_ =	shalt  }
0x40: {  	_ =	shalt  }
0x41: {  	_ =	shalt  }
0x42: {  	_ =	shalt  }
0x43: {  	_ =	shalt  }
0x44: {  	_ =	shalt  }
0x45: {  	_ =	shalt  }
0x46: {  	_ =	shalt  }
0x47: {  	_ =	shalt  }
0x48: {  	_ =	shalt  }
0x49: {  	_ =	shalt  }
0x4a: {  	_ =	shalt  }
0x4b: {  	_ =	shalt  }
0x4c: {  	_ =	shalt  }
0x4d: {  	_ =	shalt  }
0x4e: {  	_ =	shalt  }
0x4f: {  	_ =	shalt  }
0x50: {  	_ =	shalt  }
0x51: {  	_ =	shalt  }
0x52: {  	_ =	shalt  }
0x53: {  	_ =	shalt  }
0x54: {  	_ =	shalt  }
0x55: {  	_ =	shalt  }
0x56: {  	_ =	shalt  }
0x57: {  	_ =	shalt  }
0x58: {  	_ =	shalt  }
0x59: {  	_ =	shalt  }
0x5a: {  	_ =	shalt  }
0x5b: {  	_ =	shalt  }
0x5c: {  	_ =	shalt  }
0x5d: {  	_ =	shalt  }
0x5e: {  	_ =	shalt  }
0x5f: {  	_ =	shalt  }
0x60: {  	_ =	shalt  }
0x61: {  	_ =	shalt  }
0x62: {  	_ =	shalt  }
0x63: {  	_ =	shalt  }
0x64: {  	_ =	shalt  }
0x65: {  	_ =	shalt  }
0x66: {  	_ =	shalt  }
0x67: {  	_ =	shalt  }
0x68: {  	_ =	shalt  }
0x69: {  	_ =	shalt  }
0x6a: {  	_ =	shalt  }
0x6b: {  	_ =	shalt  }
0x6c: {  	_ =	shalt  }
0x6d: {  	_ =	shalt  }
0x6e: {  	_ =	shalt  }
0x6f: {  	_ =	shalt  }
0x70: {  	_ =	shalt  }
0x71: {  	_ =	shalt  }
0x72: {  	_ =	shalt  }
0x73: {  	_ =	shalt  }
0x74: {  	_ =	shalt  }
0x75: {  	_ =	shalt  }
0x76: {  	_ =	shalt  }
0x77: {  	_ =	shalt  }
0x78: {  	_ =	shalt  }
0x79: {  	_ =	shalt  }
0x7a: {  	_ =	shalt  }
0x7b: {  	_ =	shalt  }
0x7c: {  	_ =	shalt  }
0x7d: {  	_ =	shalt  }
0x7e: {  	_ =	shalt  }
0x7f: {  	_ =	shalt  }
0x80: {  	_ =	shalt  }
0x81: {  	_ =	shalt  }
0x82: {  	_ =	shalt  }
0x83: {  	_ =	shalt  }
0x84: {  	_ =	shalt  }
0x85: {  	_ =	shalt  }
0x86: {  	_ =	shalt  }
0x87: {  	_ =	shalt  }
.Lfunc_end0:
.L_simem_size_0:
called_computation_lowered:
.L_overlay_start_0:
0x88: {  	s2 =	sld [smem:$0x3FD9]  }
0x89: {  	s3 =	sld [smem:$0x3FFE];
	_ =	sdelay $0x1  }
0x8a: {  	s1 =	srdreg.scid  }
0x8b: {  	s0 =	sand.u32 $0x1, s1  }
0x8c: {  	s17 =	sshll.u32 s0, $0xA;
	s2 =	sadd.s32 s3, s2  }
0x8d: {  	s2 =	sadd.s32 s2, s17  }
0x8e: {  	[smem:$0x3FC6] =	sst s2  }
0x8f: {  	_ = 	snop  }
0x90: {  	s2 =	sld [smem:$0x3FD0];
	(tm) =	ssettm $0x1  }
0x91: {  	s18 =	sld [smem:$0x3FFB];
	_ =	sdelay $0x3  }
0x92: {  	_ =	strace s18  }
0x93: {  	s3 =	sld [smem:$0x3FFC];
	_ =	sdelay $0x3  }
0x94: {  	_ =	strace s3  }
0x95: {  	s3 =	sld [smem:$0x3FFD];
	_ =	sdelay $0x3  }
0x96: {  	_ =	strace s3  }
0x97: {  	_ =	strace $0x8FFFFFFF  }
0x98: {  	s19 =	sld [smem:$0x3FDB];
	_ =	sdelay $0x1  }
0x99: {  	s4 =	simm.s32 $_scs_section_size  }
0x9a: {  	s5 =	simm.s32 $_size__tile_overlayer_lowered;
	s6 =	simm.s32 $_tile_overlayer_lowered  }
0x9b: {  	s22 =	simm.s32 $0x1BFF;
	s21 =	sshll.u32 s6, $0x1;
	s3 =	sadd.s32 s4, s19  }
0x9c: {  	s7 =	simm.s32 $0x0;
	s20 =	sshll.u32 s5, $0x1;
	s5 =	sadd.s32 s21, s3  }
0x9d: {  	[timem:s7], [sflag:s22] =	dma.local [hbm:s5], s20  }
0x9e: {  	_ =	swait.ge [sflag:s22], s20  }
0x9f: {  	s4 =	ssub.s32 $0x0, s20;
	[sflag:s22] =	ssyncset.done $0x0  }
0xa0: {  	[sflag:s22] =	ssyncadd.s32 s4;
	_ =	sdelay $0x1  }
0xa1: {  	s23 =	simm.s32 $0x1B8B  }
0xa2: {  	_ =	swait.ge [sflag:s23], $0x1  }
0xa3: {  	[sflag:s23] =	ssyncset.done $0x0  }
0xa4: {  	s25 =	simm.s32 $0x1B8E;
	s24 =	sld [smem:$0x3FFE];
	[sflag:s23] =	ssyncadd.s32 $0xFFFFFFFF  }
0xa5: {  	s26 =	simm.s32 $execute0_lowered;
	[smem:$0x3FD2] =	sst s25  }
0xa6: {  	s5 =	sshll.u32 s26, $0x1;
	_ =	strace $0x80000046;
	[dreg:$0x1] =	wrdreg $0xFFFFFFFF  }
0xa7: {  	s28 =	simm.s32 $_size_execute0_lowered;
	s3 =	sadd.s32 s3, s5;
	[dreg:$0x0] =	wrdreg $0x0  }
0xa8: {  	s5 =	sshll.u32 s28, $0x1;
	[dreg:$0x2] =	wrdreg s3  }
0xa9: {  	[dreg:$0x3] =	wrdreg s5  }
0xaa: {  	[dreg:$0x4] =	wrdreg $0xC0  }
0xab: {  	_ =	task [dreg:s7], $0x5FFFF  }
0xac: {  	[dreg:$0x1] =	wrdreg $0xFFFFFFFF  }
0xad: {  	[dreg:$0x0] =	wrdreg $0x60  }
0xae: {  	[dreg:$0x2] =	wrdreg s24  }
0xaf: {  	[dreg:$0x3] =	wrdreg s2  }
0xb0: {  	[dreg:$0x4] =	wrdreg $0x9  }
0xb1: {  	_ =	task.clear_ibuf [dreg:s7], $0x5FFFF;
	_ =	strace $0x90000046  }
0xb2: {  	s29 =	simm.s32 $0x9;
	_ =	strace $0x80000048  }
0xb3: {  	_ =	swait.ge [sflag:s29], $0x1  }
0xb4: {  	[sflag:s29] =	ssyncadd.s32 $0xFFFFFFFF  }
0xb5: {  	_ =	strace $0x90000048  }
0xb6: {  	_ =	sfence  }
0xb7: {  	s30 =	sld [smem:$0x0];
	_ =	sdelay $0x2  }
0xb8: {  	s31 =	sshll.u32 s1, $0xD;
	s1 =	sshrl.u32 s1, $0x2  }
0xb9: {  	s3 =	sand.u32 $0x4000, s31;
	s1 =	sadd.s32 s1, s30  }
0xba: {  	s0 =	sor.u32 s3, s0;
	s1 =	sshll.u32 s1, $0x11  }
0xbb: {  	s0 =	sor.u32 s1, s0  }
0xbc: {  	s0 =	sadd.s32 $0x8F2B, s0  }
0xbd: {  	[sflag:s0] =	ssyncadd.remote.s32 $0x1  }
0xbe: {  	_ =	sfence.sel $0xFFFF  }
0xbf: {  	[dreg:$0x0] =	wrdreg $0xFFFFFFFF;
	(pc) =	sbr.abs _section_cstart, $3  }
0xc0: {  	[dreg:$0x1] =	wrdreg $0xFFFFFFFF  }
0xc1: {  	_ =	task.clear_ibuf [dreg:s7], $0x2FFFF;
	_ =	strace $0x9FFFFFFF  }
0xc2: {  	(tm) =	ssettm $0x7FFFFFFF  }
0xc3: {  	_ =	shalt  }
tec
execute0_lowered:
.L_overlay_start_1:
0x0: {  	(tag) =	ssettag $0x1  }
0x1: {  	s7 =	rddreg [dreg:$0x0]  }
0x2: {  	s6 =	rddreg [dreg:$0x1]  }
0x3: {  	s0 =	rddreg [dreg:$0x2];
	s2 =	simm.s32 $0x0  }
0x4: {  	s3 =	srdreg.scid;
	s1 =	stileid.u32;
	s10 =	simm.s32 $0x1000  }
0x5: {  	s11 =	simm.s32 $0x5;
	s12 =	simm.s32 $0x6400;
	s13 =	simm.s32 $0x8400  }
0x6: {  	s14 =	simm.s32 $0x1;
	s15 =	simm.s32 $0xA400;
	s16 =	simm.s32 $0x3  }
0x7: {  	s17 =	simm.s32 $0x2;
	s18 =	simm.s32 $0xC400;
	s19 =	simm.s32 $0x4  }
0x8: {  	s20 =	simm.s32 $0x0;
	[smem:$0x7FF] =	sst s2;
	s3 =	sand.u32 $0x1, s3  }
.Ltmp0:
0x9: {  	s4 =	sshll.u32 s1, $0x8;
	_ =	strace $0x80000047;
	(pc) =	sbr.rel .LBB2_1-.Ltmp0, $4  }
0xa: {  	s8 =	ssub.s32 $0x2, s3;
	s5 =	sshll.u32 s3, $0x7;
	s3 =	sadd.s32 $0xF42A00, s7  }
0xb: {  	s9 =	sshrl.u32 s8, $0x1;
	s4 =	sor.u32 s5, s4;
	s5 =	sadd.s32 $0x600, s7  }
0xc: {  	v0 =	vlaneseq.u32;
	s7 =	sadd.s32 $0x8600, s7;
	s8 =	ssub.s32 s8, s9;
	s31 =	sshrl.u32 s4, $0x3  }
0xd: {  	v0 =	vmul.u32 $0x40, v0;
	s9 =	simm.s32 $0x80;
	s6 =	sadd.s32 s6, s31;
	s8 =	smax.u32 s8, $0x1  }
.LBB2_8:
0xe: {  	s20 =	sadd.s32 $0x1, s20  }
0xf: {  	p0 =	sne.s32 s20, s8  }
.Ltmp1:
0x10: {  	_ = 	snop;
	(pc) =	sbr.rel @!p0 .LBB2_9-.Ltmp1, $1  }
0x11: {  	_ =	sdelay $0x3  }
.LBB2_1:
0x12: {  	[tilespmem:s2], [sflag:$0x5] =	stream.strided.gather [hbm4b:s6+s9], $0x6400, s10, s9, $0x38;
	[tilespmem:$0xE400] =	vst v63  }
0x13: {  	_ =	swait.ge [sflag:s11], $0x6400  }
0x14: {  	[sflag:s11] =	ssyncset.done $0x0  }
0x15: {  	[sflag:s11] =	ssyncadd.s32 $0xFFFF9C00  }
0x16: {  	[tilespmem:s12], [sflag:$0x1] =	stream.indirect.gather [hbm4b:s3+s9], $0x40, s2, s9, $0xb8;
	[tilespmem:$0xE400] =	vst v63  }
0x17: {  	s21 =	simm.s32 $0x0  }
0x18: {  	[tilespmem:s13], [sflag:$0x2] =	stream.indirect.gather [hbm4b:s3+s9], $0x40, s9, s9, $0xb8;
	[tilespmem:$0xE400] =	vst v63  }
.LBB2_2:
0x19: {  	s22 =	simm.s32 $0x0  }
0x1a: {  	v1 =	vmov s22  }
0x1b: {  	v1 =	vshll.u32 v1, $0x6  }
0x1c: {  	v1 =	vor.u32 v0, v1;
	_ =	sdelay $0x1  }
0x1d: {  	_ =	swait.ge [sflag:s14], $0x2000  }
0x1e: {  	[sflag:s14] =	ssyncset.done $0x0  }
0x1f: {  	[sflag:s14] =	ssyncadd.s32 $0xFFFFE000  }
0x20: {  	v2 =	vld.idx.msk [tilespmem:v1+s12+$0x0], $0xffff  }
0x21: {  	v3 =	vor.u32 $0x1, v1;
	_ =	sdelay $0x2  }
0x22: {  	s22 =	simm.s32 $0xB400  }
0x23: {  	[tilespmem:s22+$0xFFFFF000] =	vst v2  }
0x24: {  	v2 =	vld.idx.msk [tilespmem:v3+s12+$0x0], $0xffff  }
0x25: {  	v3 =	vor.u32 $0x2, v1;
	_ =	sdelay $0x3  }
0x26: {  	[tilespmem:s22+$0xFFFFF080] =	vst v2  }
0x27: {  	v2 =	vld.idx.msk [tilespmem:v3+s12+$0x0], $0xffff  }
0x28: {  	v3 =	vor.u32 $0x3, v1;
	_ =	sdelay $0x3  }
0x29: {  	[tilespmem:s22+$0xFFFFF100] =	vst v2  }
0x2a: {  	v2 =	vld.idx.msk [tilespmem:v3+s12+$0x0], $0xffff  }
0x2b: {  	v3 =	vor.u32 $0x4, v1;
	_ =	sdelay $0x3  }
0x2c: {  	[tilespmem:s22+$0xFFFFF180] =	vst v2  }
0x2d: {  	v2 =	vld.idx.msk [tilespmem:v3+s12+$0x0], $0xffff  }
0x2e: {  	v3 =	vor.u32 $0x5, v1;
	_ =	sdelay $0x3  }
0x2f: {  	[tilespmem:s22+$0xFFFFF200] =	vst v2  }
0x30: {  	v2 =	vld.idx.msk [tilespmem:v3+s12+$0x0], $0xffff  }
0x31: {  	v3 =	vor.u32 $0x6, v1;
	_ =	sdelay $0x3  }
0x32: {  	[tilespmem:s22+$0xFFFFF280] =	vst v2  }
0x33: {  	v2 =	vld.idx.msk [tilespmem:v3+s12+$0x0], $0xffff  }
0x34: {  	v3 =	vor.u32 $0x7, v1;
	_ =	sdelay $0x3  }
0x35: {  	[tilespmem:s22+$0xFFFFF300] =	vst v2  }
0x36: {  	v2 =	vld.idx.msk [tilespmem:v3+s12+$0x0], $0xffff  }
0x37: {  	v3 =	vor.u32 $0x8, v1;
	_ =	sdelay $0x3  }
0x38: {  	[tilespmem:s22+$0xFFFFF380] =	vst v2  }
0x39: {  	v2 =	vld.idx.msk [tilespmem:v3+s12+$0x0], $0xffff  }
0x3a: {  	v3 =	vor.u32 $0x9, v1;
	_ =	sdelay $0x3  }
0x3b: {  	[tilespmem:s22+$0xFFFFF400] =	vst v2  }
0x3c: {  	v2 =	vld.idx.msk [tilespmem:v3+s12+$0x0], $0xffff  }
0x3d: {  	v3 =	vor.u32 $0xA, v1;
	_ =	sdelay $0x3  }
0x3e: {  	[tilespmem:s22+$0xFFFFF480] =	vst v2  }
0x3f: {  	v2 =	vld.idx.msk [tilespmem:v3+s12+$0x0], $0xffff  }
0x40: {  	v3 =	vor.u32 $0xB, v1;
	_ =	sdelay $0x3  }
0x41: {  	[tilespmem:s22+$0xFFFFF500] =	vst v2  }
0x42: {  	v2 =	vld.idx.msk [tilespmem:v3+s12+$0x0], $0xffff  }
0x43: {  	v3 =	vor.u32 $0xC, v1;
	_ =	sdelay $0x3  }
0x44: {  	[tilespmem:s22+$0xFFFFF580] =	vst v2  }
0x45: {  	v2 =	vld.idx.msk [tilespmem:v3+s12+$0x0], $0xffff  }
0x46: {  	v3 =	vor.u32 $0xD, v1;
	_ =	sdelay $0x3  }
0x47: {  	[tilespmem:s22+$0xFFFFF600] =	vst v2  }
0x48: {  	v2 =	vld.idx.msk [tilespmem:v3+s12+$0x0], $0xffff  }
0x49: {  	v3 =	vor.u32 $0xE, v1;
	_ =	sdelay $0x3  }
0x4a: {  	[tilespmem:s22+$0xFFFFF680] =	vst v2  }
0x4b: {  	v2 =	vld.idx.msk [tilespmem:v3+s12+$0x0], $0xffff  }
0x4c: {  	v3 =	vor.u32 $0xF, v1;
	_ =	sdelay $0x3  }
0x4d: {  	[tilespmem:s22+$0xFFFFF700] =	vst v2  }
0x4e: {  	v2 =	vld.idx.msk [tilespmem:v3+s12+$0x0], $0xffff  }
0x4f: {  	v3 =	vor.u32 $0x10, v1;
	_ =	sdelay $0x3  }
0x50: {  	[tilespmem:s22+$0xFFFFF780] =	vst v2  }
0x51: {  	v2 =	vld.idx.msk [tilespmem:v3+s12+$0x0], $0xffff  }
0x52: {  	v3 =	vor.u32 $0x11, v1;
	_ =	sdelay $0x3  }
0x53: {  	[tilespmem:s22+$0xFFFFF800] =	vst v2  }
0x54: {  	v2 =	vld.idx.msk [tilespmem:v3+s12+$0x0], $0xffff  }
0x55: {  	v3 =	vor.u32 $0x12, v1;
	_ =	sdelay $0x3  }
0x56: {  	[tilespmem:s22+$0xFFFFF880] =	vst v2  }
0x57: {  	v2 =	vld.idx.msk [tilespmem:v3+s12+$0x0], $0xffff  }
0x58: {  	v3 =	vor.u32 $0x13, v1;
	_ =	sdelay $0x3  }
0x59: {  	[tilespmem:s22+$0xFFFFF900] =	vst v2  }
0x5a: {  	v2 =	vld.idx.msk [tilespmem:v3+s12+$0x0], $0xffff  }
0x5b: {  	v3 =	vor.u32 $0x14, v1;
	_ =	sdelay $0x3  }
0x5c: {  	[tilespmem:s22+$0xFFFFF980] =	vst v2  }
0x5d: {  	v2 =	vld.idx.msk [tilespmem:v3+s12+$0x0], $0xffff  }
0x5e: {  	v3 =	vor.u32 $0x15, v1;
	_ =	sdelay $0x3  }
0x5f: {  	[tilespmem:s22+$0xFFFFFA00] =	vst v2  }
0x60: {  	v2 =	vld.idx.msk [tilespmem:v3+s12+$0x0], $0xffff  }
0x61: {  	v3 =	vor.u32 $0x16, v1;
	_ =	sdelay $0x3  }
0x62: {  	[tilespmem:s22+$0xFFFFFA80] =	vst v2  }
0x63: {  	v2 =	vld.idx.msk [tilespmem:v3+s12+$0x0], $0xffff  }
0x64: {  	v3 =	vor.u32 $0x17, v1;
	_ =	sdelay $0x3  }
0x65: {  	[tilespmem:s22+$0xFFFFFB00] =	vst v2  }
0x66: {  	v2 =	vld.idx.msk [tilespmem:v3+s12+$0x0], $0xffff  }
0x67: {  	v3 =	vor.u32 $0x18, v1;
	_ =	sdelay $0x3  }
0x68: {  	[tilespmem:s22+$0xFFFFFB80] =	vst v2  }
0x69: {  	v2 =	vld.idx.msk [tilespmem:v3+s12+$0x0], $0xffff  }
0x6a: {  	v3 =	vor.u32 $0x19, v1;
	_ =	sdelay $0x3  }
0x6b: {  	[tilespmem:s22+$0xFFFFFC00] =	vst v2  }
0x6c: {  	v2 =	vld.idx.msk [tilespmem:v3+s12+$0x0], $0xffff  }
0x6d: {  	v3 =	vor.u32 $0x1A, v1;
	_ =	sdelay $0x3  }
0x6e: {  	[tilespmem:s22+$0xFFFFFC80] =	vst v2  }
0x6f: {  	v2 =	vld.idx.msk [tilespmem:v3+s12+$0x0], $0xffff  }
0x70: {  	v3 =	vor.u32 $0x1B, v1;
	_ =	sdelay $0x3  }
0x71: {  	[tilespmem:s22+$0xFFFFFD00] =	vst v2  }
0x72: {  	v2 =	vld.idx.msk [tilespmem:v3+s12+$0x0], $0xffff  }
0x73: {  	v3 =	vor.u32 $0x1C, v1;
	_ =	sdelay $0x3  }
0x74: {  	[tilespmem:s22+$0xFFFFFD80] =	vst v2  }
0x75: {  	v2 =	vld.idx.msk [tilespmem:v3+s12+$0x0], $0xffff  }
0x76: {  	v3 =	vor.u32 $0x1D, v1;
	_ =	sdelay $0x3  }
0x77: {  	[tilespmem:s22+$0xFFFFFE00] =	vst v2  }
0x78: {  	v2 =	vld.idx.msk [tilespmem:v3+s12+$0x0], $0xffff  }
0x79: {  	v3 =	vor.u32 $0x1E, v1;
	_ =	sdelay $0x3  }
0x7a: {  	[tilespmem:s22+$0xFFFFFE80] =	vst v2  }
0x7b: {  	v2 =	vld.idx.msk [tilespmem:v3+s12+$0x0], $0xffff  }
0x7c: {  	v3 =	vor.u32 $0x1F, v1;
	_ =	sdelay $0x3  }
0x7d: {  	[tilespmem:s22+$0xFFFFFF00] =	vst v2  }
0x7e: {  	v2 =	vld.idx.msk [tilespmem:v3+s12+$0x0], $0xffff  }
0x7f: {  	v3 =	vor.u32 $0x20, v1;
	_ =	sdelay $0x3  }
0x80: {  	[tilespmem:s22+$0xFFFFFF80] =	vst v2  }
0x81: {  	v2 =	vld.idx.msk [tilespmem:v3+s12+$0x0], $0xffff  }
0x82: {  	v3 =	vor.u32 $0x21, v1;
	_ =	sdelay $0x3  }
0x83: {  	[tilespmem:s22+$0x0] =	vst v2  }
0x84: {  	v2 =	vld.idx.msk [tilespmem:v3+s12+$0x0], $0xffff  }
0x85: {  	v3 =	vor.u32 $0x22, v1;
	_ =	sdelay $0x3  }
0x86: {  	[tilespmem:s22+$0x80] =	vst v2  }
0x87: {  	v2 =	vld.idx.msk [tilespmem:v3+s12+$0x0], $0xffff  }
0x88: {  	v3 =	vor.u32 $0x23, v1;
	_ =	sdelay $0x3  }
0x89: {  	[tilespmem:s22+$0x100] =	vst v2  }
0x8a: {  	v2 =	vld.idx.msk [tilespmem:v3+s12+$0x0], $0xffff  }
0x8b: {  	v3 =	vor.u32 $0x24, v1;
	_ =	sdelay $0x3  }
0x8c: {  	[tilespmem:s22+$0x180] =	vst v2  }
0x8d: {  	v2 =	vld.idx.msk [tilespmem:v3+s12+$0x0], $0xffff  }
0x8e: {  	v3 =	vor.u32 $0x25, v1;
	_ =	sdelay $0x3  }
0x8f: {  	[tilespmem:s22+$0x200] =	vst v2  }
0x90: {  	v2 =	vld.idx.msk [tilespmem:v3+s12+$0x0], $0xffff  }
0x91: {  	v3 =	vor.u32 $0x26, v1;
	_ =	sdelay $0x3  }
0x92: {  	[tilespmem:s22+$0x280] =	vst v2  }
0x93: {  	v2 =	vld.idx.msk [tilespmem:v3+s12+$0x0], $0xffff  }
0x94: {  	v3 =	vor.u32 $0x27, v1;
	_ =	sdelay $0x3  }
0x95: {  	[tilespmem:s22+$0x300] =	vst v2  }
0x96: {  	v2 =	vld.idx.msk [tilespmem:v3+s12+$0x0], $0xffff  }
0x97: {  	v3 =	vor.u32 $0x28, v1;
	_ =	sdelay $0x3  }
0x98: {  	[tilespmem:s22+$0x380] =	vst v2  }
0x99: {  	v2 =	vld.idx.msk [tilespmem:v3+s12+$0x0], $0xffff  }
0x9a: {  	v3 =	vor.u32 $0x29, v1;
	_ =	sdelay $0x3  }
0x9b: {  	[tilespmem:s22+$0x400] =	vst v2  }
0x9c: {  	v2 =	vld.idx.msk [tilespmem:v3+s12+$0x0], $0xffff  }
0x9d: {  	v3 =	vor.u32 $0x2A, v1;
	_ =	sdelay $0x3  }
0x9e: {  	[tilespmem:s22+$0x480] =	vst v2  }
0x9f: {  	v2 =	vld.idx.msk [tilespmem:v3+s12+$0x0], $0xffff  }
0xa0: {  	v3 =	vor.u32 $0x2B, v1;
	_ =	sdelay $0x3  }
0xa1: {  	[tilespmem:s22+$0x500] =	vst v2  }
0xa2: {  	v2 =	vld.idx.msk [tilespmem:v3+s12+$0x0], $0xffff  }
0xa3: {  	v3 =	vor.u32 $0x2C, v1;
	_ =	sdelay $0x3  }
0xa4: {  	[tilespmem:s22+$0x580] =	vst v2  }
0xa5: {  	v2 =	vld.idx.msk [tilespmem:v3+s12+$0x0], $0xffff  }
0xa6: {  	v3 =	vor.u32 $0x2D, v1;
	_ =	sdelay $0x3  }
0xa7: {  	[tilespmem:s22+$0x600] =	vst v2  }
0xa8: {  	v2 =	vld.idx.msk [tilespmem:v3+s12+$0x0], $0xffff  }
0xa9: {  	v3 =	vor.u32 $0x2E, v1;
	_ =	sdelay $0x3  }
0xaa: {  	[tilespmem:s22+$0x680] =	vst v2  }
0xab: {  	v2 =	vld.idx.msk [tilespmem:v3+s12+$0x0], $0xffff  }
0xac: {  	v3 =	vor.u32 $0x2F, v1;
	_ =	sdelay $0x3  }
0xad: {  	[tilespmem:s22+$0x700] =	vst v2  }
0xae: {  	v2 =	vld.idx.msk [tilespmem:v3+s12+$0x0], $0xffff  }
0xaf: {  	v3 =	vor.u32 $0x30, v1;
	_ =	sdelay $0x3  }
0xb0: {  	[tilespmem:s22+$0x780] =	vst v2  }
0xb1: {  	v2 =	vld.idx.msk [tilespmem:v3+s12+$0x0], $0xffff  }
0xb2: {  	v3 =	vor.u32 $0x31, v1;
	_ =	sdelay $0x3  }
0xb3: {  	[tilespmem:s22+$0x800] =	vst v2  }
0xb4: {  	v2 =	vld.idx.msk [tilespmem:v3+s12+$0x0], $0xffff  }
0xb5: {  	v3 =	vor.u32 $0x32, v1;
	_ =	sdelay $0x3  }
0xb6: {  	[tilespmem:s22+$0x880] =	vst v2  }
0xb7: {  	v2 =	vld.idx.msk [tilespmem:v3+s12+$0x0], $0xffff  }
0xb8: {  	v3 =	vor.u32 $0x33, v1;
	_ =	sdelay $0x3  }
0xb9: {  	[tilespmem:s22+$0x900] =	vst v2  }
0xba: {  	v2 =	vld.idx.msk [tilespmem:v3+s12+$0x0], $0xffff  }
0xbb: {  	v3 =	vor.u32 $0x34, v1;
	_ =	sdelay $0x3  }
0xbc: {  	[tilespmem:s22+$0x980] =	vst v2  }
0xbd: {  	v2 =	vld.idx.msk [tilespmem:v3+s12+$0x0], $0xffff  }
0xbe: {  	v3 =	vor.u32 $0x35, v1;
	_ =	sdelay $0x3  }
0xbf: {  	[tilespmem:s22+$0xA00] =	vst v2  }
0xc0: {  	v2 =	vld.idx.msk [tilespmem:v3+s12+$0x0], $0xffff  }
0xc1: {  	v3 =	vor.u32 $0x36, v1;
	_ =	sdelay $0x3  }
0xc2: {  	[tilespmem:s22+$0xA80] =	vst v2  }
0xc3: {  	v2 =	vld.idx.msk [tilespmem:v3+s12+$0x0], $0xffff  }
0xc4: {  	v3 =	vor.u32 $0x37, v1;
	_ =	sdelay $0x3  }
0xc5: {  	[tilespmem:s22+$0xB00] =	vst v2  }
0xc6: {  	v2 =	vld.idx.msk [tilespmem:v3+s12+$0x0], $0xffff  }
0xc7: {  	v3 =	vor.u32 $0x38, v1;
	_ =	sdelay $0x3  }
0xc8: {  	[tilespmem:s22+$0xB80] =	vst v2  }
0xc9: {  	v2 =	vld.idx.msk [tilespmem:v3+s12+$0x0], $0xffff  }
0xca: {  	v3 =	vor.u32 $0x39, v1;
	_ =	sdelay $0x3  }
0xcb: {  	[tilespmem:s22+$0xC00] =	vst v2  }
0xcc: {  	v2 =	vld.idx.msk [tilespmem:v3+s12+$0x0], $0xffff  }
0xcd: {  	v3 =	vor.u32 $0x3A, v1;
	_ =	sdelay $0x3  }
0xce: {  	[tilespmem:s22+$0xC80] =	vst v2  }
0xcf: {  	v2 =	vld.idx.msk [tilespmem:v3+s12+$0x0], $0xffff  }
0xd0: {  	v3 =	vor.u32 $0x3B, v1;
	_ =	sdelay $0x3  }
0xd1: {  	[tilespmem:s22+$0xD00] =	vst v2  }
0xd2: {  	v2 =	vld.idx.msk [tilespmem:v3+s12+$0x0], $0xffff  }
0xd3: {  	v3 =	vor.u32 $0x3C, v1;
	_ =	sdelay $0x3  }
0xd4: {  	[tilespmem:s22+$0xD80] =	vst v2  }
0xd5: {  	v2 =	vld.idx.msk [tilespmem:v3+s12+$0x0], $0xffff  }
0xd6: {  	v3 =	vor.u32 $0x3D, v1;
	_ =	sdelay $0x3  }
0xd7: {  	[tilespmem:s22+$0xE00] =	vst v2  }
0xd8: {  	v2 =	vld.idx.msk [tilespmem:v3+s12+$0x0], $0xffff  }
0xd9: {  	v3 =	vor.u32 $0x3E, v1;
	_ =	sdelay $0x3  }
0xda: {  	[tilespmem:s22+$0xE80] =	vst v2  }
0xdb: {  	v2 =	vld.idx.msk [tilespmem:v3+s12+$0x0], $0xffff  }
0xdc: {  	v3 =	vor.u32 $0x3F, v1;
	_ =	sdelay $0x3  }
0xdd: {  	s23 =	simm.s32 $0x10;
	[tilespmem:s22+$0xF00] =	vst v2  }
0xde: {  	v1 =	vmov s23;
	s23 =	simm.s32 $0x20;
	v2 =	vld.idx.msk [tilespmem:v3+s12+$0x0], $0xffff  }
.LBB2_3:
0xdf: {  	p0 =	sne.s32 s23, $0x70;
	v1 =	vshll.u32 v1, $0x6  }
0xe0: {  	v1 =	vor.u32 v0, v1;
	_ =	sdelay $0x3  }
0xe1: {  	[tilespmem:s22+$0xF80] =	vst v2  }
0xe2: {  	v2 =	vld.idx.msk [tilespmem:v1+s12+$0x0], $0xffff;
	_ =	sdelay $0x1  }
0xe3: {  	v3 =	vor.u32 $0x1, v1;
	_ =	sdelay $0x2  }
0xe4: {  	s22 =	sadd.s32 $0x10, s22  }
0xe5: {  	[tilespmem:s22+$0xFFFFF000] =	vst v2  }
0xe6: {  	v2 =	vld.idx.msk [tilespmem:v3+s12+$0x0], $0xffff;
	_ =	sdelay $0x1  }
0xe7: {  	v3 =	vor.u32 $0x2, v1;
	_ =	sdelay $0x3  }
0xe8: {  	[tilespmem:s22+$0xFFFFF080] =	vst v2  }
0xe9: {  	v2 =	vld.idx.msk [tilespmem:v3+s12+$0x0], $0xffff;
	_ =	sdelay $0x1  }
0xea: {  	v3 =	vor.u32 $0x3, v1;
	_ =	sdelay $0x3  }
0xeb: {  	[tilespmem:s22+$0xFFFFF100] =	vst v2  }
0xec: {  	v2 =	vld.idx.msk [tilespmem:v3+s12+$0x0], $0xffff;
	_ =	sdelay $0x1  }
0xed: {  	v3 =	vor.u32 $0x4, v1;
	_ =	sdelay $0x3  }
0xee: {  	[tilespmem:s22+$0xFFFFF180] =	vst v2  }
0xef: {  	v2 =	vld.idx.msk [tilespmem:v3+s12+$0x0], $0xffff;
	_ =	sdelay $0x1  }
0xf0: {  	v3 =	vor.u32 $0x5, v1;
	_ =	sdelay $0x3  }
0xf1: {  	[tilespmem:s22+$0xFFFFF200] =	vst v2  }
0xf2: {  	v2 =	vld.idx.msk [tilespmem:v3+s12+$0x0], $0xffff;
	_ =	sdelay $0x1  }
0xf3: {  	v3 =	vor.u32 $0x6, v1;
	_ =	sdelay $0x3  }
0xf4: {  	[tilespmem:s22+$0xFFFFF280] =	vst v2  }
0xf5: {  	v2 =	vld.idx.msk [tilespmem:v3+s12+$0x0], $0xffff;
	_ =	sdelay $0x1  }
0xf6: {  	v3 =	vor.u32 $0x7, v1;
	_ =	sdelay $0x3  }
0xf7: {  	[tilespmem:s22+$0xFFFFF300] =	vst v2  }
0xf8: {  	v2 =	vld.idx.msk [tilespmem:v3+s12+$0x0], $0xffff;
	_ =	sdelay $0x1  }
0xf9: {  	v3 =	vor.u32 $0x8, v1;
	_ =	sdelay $0x3  }
0xfa: {  	[tilespmem:s22+$0xFFFFF380] =	vst v2  }
0xfb: {  	v2 =	vld.idx.msk [tilespmem:v3+s12+$0x0], $0xffff;
	_ =	sdelay $0x1  }
0xfc: {  	v3 =	vor.u32 $0x9, v1;
	_ =	sdelay $0x3  }
0xfd: {  	[tilespmem:s22+$0xFFFFF400] =	vst v2  }
0xfe: {  	v2 =	vld.idx.msk [tilespmem:v3+s12+$0x0], $0xffff;
	_ =	sdelay $0x1  }
0xff: {  	v3 =	vor.u32 $0xA, v1;
	_ =	sdelay $0x3  }
0x100: {  	[tilespmem:s22+$0xFFFFF480] =	vst v2  }
0x101: {  	v2 =	vld.idx.msk [tilespmem:v3+s12+$0x0], $0xffff;
	_ =	sdelay $0x1  }
0x102: {  	v3 =	vor.u32 $0xB, v1;
	_ =	sdelay $0x3  }
0x103: {  	[tilespmem:s22+$0xFFFFF500] =	vst v2  }
0x104: {  	v2 =	vld.idx.msk [tilespmem:v3+s12+$0x0], $0xffff;
	_ =	sdelay $0x1  }
0x105: {  	v3 =	vor.u32 $0xC, v1;
	_ =	sdelay $0x3  }
0x106: {  	[tilespmem:s22+$0xFFFFF580] =	vst v2  }
0x107: {  	v2 =	vld.idx.msk [tilespmem:v3+s12+$0x0], $0xffff;
	_ =	sdelay $0x1  }
0x108: {  	v3 =	vor.u32 $0xD, v1;
	_ =	sdelay $0x3  }
0x109: {  	[tilespmem:s22+$0xFFFFF600] =	vst v2  }
0x10a: {  	v2 =	vld.idx.msk [tilespmem:v3+s12+$0x0], $0xffff;
	_ =	sdelay $0x1  }
0x10b: {  	v3 =	vor.u32 $0xE, v1;
	_ =	sdelay $0x3  }
0x10c: {  	[tilespmem:s22+$0xFFFFF680] =	vst v2  }
0x10d: {  	v2 =	vld.idx.msk [tilespmem:v3+s12+$0x0], $0xffff;
	_ =	sdelay $0x1  }
0x10e: {  	v3 =	vor.u32 $0xF, v1;
	_ =	sdelay $0x3  }
0x10f: {  	[tilespmem:s22+$0xFFFFF700] =	vst v2  }
0x110: {  	v2 =	vld.idx.msk [tilespmem:v3+s12+$0x0], $0xffff;
	_ =	sdelay $0x1  }
0x111: {  	v3 =	vor.u32 $0x10, v1;
	_ =	sdelay $0x3  }
0x112: {  	[tilespmem:s22+$0xFFFFF780] =	vst v2  }
0x113: {  	v2 =	vld.idx.msk [tilespmem:v3+s12+$0x0], $0xffff;
	_ =	sdelay $0x1  }
0x114: {  	v3 =	vor.u32 $0x11, v1;
	_ =	sdelay $0x3  }
0x115: {  	[tilespmem:s22+$0xFFFFF800] =	vst v2  }
0x116: {  	v2 =	vld.idx.msk [tilespmem:v3+s12+$0x0], $0xffff;
	_ =	sdelay $0x1  }
0x117: {  	v3 =	vor.u32 $0x12, v1;
	_ =	sdelay $0x3  }
0x118: {  	[tilespmem:s22+$0xFFFFF880] =	vst v2  }
0x119: {  	v2 =	vld.idx.msk [tilespmem:v3+s12+$0x0], $0xffff;
	_ =	sdelay $0x1  }
0x11a: {  	v3 =	vor.u32 $0x13, v1;
	_ =	sdelay $0x3  }
0x11b: {  	[tilespmem:s22+$0xFFFFF900] =	vst v2  }
0x11c: {  	v2 =	vld.idx.msk [tilespmem:v3+s12+$0x0], $0xffff;
	_ =	sdelay $0x1  }
0x11d: {  	v3 =	vor.u32 $0x14, v1;
	_ =	sdelay $0x3  }
0x11e: {  	[tilespmem:s22+$0xFFFFF980] =	vst v2  }
0x11f: {  	v2 =	vld.idx.msk [tilespmem:v3+s12+$0x0], $0xffff;
	_ =	sdelay $0x1  }
0x120: {  	v3 =	vor.u32 $0x15, v1;
	_ =	sdelay $0x3  }
0x121: {  	[tilespmem:s22+$0xFFFFFA00] =	vst v2  }
0x122: {  	v2 =	vld.idx.msk [tilespmem:v3+s12+$0x0], $0xffff;
	_ =	sdelay $0x1  }
0x123: {  	v3 =	vor.u32 $0x16, v1;
	_ =	sdelay $0x3  }
0x124: {  	[tilespmem:s22+$0xFFFFFA80] =	vst v2  }
0x125: {  	v2 =	vld.idx.msk [tilespmem:v3+s12+$0x0], $0xffff;
	_ =	sdelay $0x1  }
0x126: {  	v3 =	vor.u32 $0x17, v1;
	_ =	sdelay $0x3  }
0x127: {  	[tilespmem:s22+$0xFFFFFB00] =	vst v2  }
0x128: {  	v2 =	vld.idx.msk [tilespmem:v3+s12+$0x0], $0xffff;
	_ =	sdelay $0x1  }
0x129: {  	v3 =	vor.u32 $0x18, v1;
	_ =	sdelay $0x3  }
0x12a: {  	[tilespmem:s22+$0xFFFFFB80] =	vst v2  }
0x12b: {  	v2 =	vld.idx.msk [tilespmem:v3+s12+$0x0], $0xffff;
	_ =	sdelay $0x1  }
0x12c: {  	v3 =	vor.u32 $0x19, v1;
	_ =	sdelay $0x3  }
0x12d: {  	[tilespmem:s22+$0xFFFFFC00] =	vst v2  }
0x12e: {  	v2 =	vld.idx.msk [tilespmem:v3+s12+$0x0], $0xffff;
	_ =	sdelay $0x1  }
0x12f: {  	v3 =	vor.u32 $0x1A, v1;
	_ =	sdelay $0x3  }
0x130: {  	[tilespmem:s22+$0xFFFFFC80] =	vst v2  }
0x131: {  	v2 =	vld.idx.msk [tilespmem:v3+s12+$0x0], $0xffff;
	_ =	sdelay $0x1  }
0x132: {  	v3 =	vor.u32 $0x1B, v1;
	_ =	sdelay $0x3  }
0x133: {  	[tilespmem:s22+$0xFFFFFD00] =	vst v2  }
0x134: {  	v2 =	vld.idx.msk [tilespmem:v3+s12+$0x0], $0xffff;
	_ =	sdelay $0x1  }
0x135: {  	v3 =	vor.u32 $0x1C, v1;
	_ =	sdelay $0x3  }
0x136: {  	[tilespmem:s22+$0xFFFFFD80] =	vst v2  }
0x137: {  	v2 =	vld.idx.msk [tilespmem:v3+s12+$0x0], $0xffff;
	_ =	sdelay $0x1  }
0x138: {  	v3 =	vor.u32 $0x1D, v1;
	_ =	sdelay $0x3  }
0x139: {  	[tilespmem:s22+$0xFFFFFE00] =	vst v2  }
0x13a: {  	v2 =	vld.idx.msk [tilespmem:v3+s12+$0x0], $0xffff;
	_ =	sdelay $0x1  }
0x13b: {  	v3 =	vor.u32 $0x1E, v1;
	_ =	sdelay $0x3  }
0x13c: {  	[tilespmem:s22+$0xFFFFFE80] =	vst v2  }
0x13d: {  	v2 =	vld.idx.msk [tilespmem:v3+s12+$0x0], $0xffff;
	_ =	sdelay $0x1  }
0x13e: {  	v3 =	vor.u32 $0x1F, v1;
	_ =	sdelay $0x3  }
0x13f: {  	[tilespmem:s22+$0xFFFFFF00] =	vst v2  }
0x140: {  	v2 =	vld.idx.msk [tilespmem:v3+s12+$0x0], $0xffff;
	_ =	sdelay $0x1  }
0x141: {  	v3 =	vor.u32 $0x20, v1;
	_ =	sdelay $0x3  }
0x142: {  	[tilespmem:s22+$0xFFFFFF80] =	vst v2  }
0x143: {  	v2 =	vld.idx.msk [tilespmem:v3+s12+$0x0], $0xffff;
	_ =	sdelay $0x1  }
0x144: {  	v3 =	vor.u32 $0x21, v1;
	_ =	sdelay $0x3  }
0x145: {  	[tilespmem:s22+$0x0] =	vst v2  }
0x146: {  	v2 =	vld.idx.msk [tilespmem:v3+s12+$0x0], $0xffff;
	_ =	sdelay $0x1  }
0x147: {  	v3 =	vor.u32 $0x22, v1;
	_ =	sdelay $0x3  }
0x148: {  	[tilespmem:s22+$0x80] =	vst v2  }
0x149: {  	v2 =	vld.idx.msk [tilespmem:v3+s12+$0x0], $0xffff;
	_ =	sdelay $0x1  }
0x14a: {  	v3 =	vor.u32 $0x23, v1;
	_ =	sdelay $0x3  }
0x14b: {  	[tilespmem:s22+$0x100] =	vst v2  }
0x14c: {  	v2 =	vld.idx.msk [tilespmem:v3+s12+$0x0], $0xffff;
	_ =	sdelay $0x1  }
0x14d: {  	v3 =	vor.u32 $0x24, v1;
	_ =	sdelay $0x3  }
0x14e: {  	[tilespmem:s22+$0x180] =	vst v2  }
0x14f: {  	v2 =	vld.idx.msk [tilespmem:v3+s12+$0x0], $0xffff;
	_ =	sdelay $0x1  }
0x150: {  	v3 =	vor.u32 $0x25, v1;
	_ =	sdelay $0x3  }
0x151: {  	[tilespmem:s22+$0x200] =	vst v2  }
0x152: {  	v2 =	vld.idx.msk [tilespmem:v3+s12+$0x0], $0xffff;
	_ =	sdelay $0x1  }
0x153: {  	v3 =	vor.u32 $0x26, v1;
	_ =	sdelay $0x3  }
0x154: {  	[tilespmem:s22+$0x280] =	vst v2  }
0x155: {  	v2 =	vld.idx.msk [tilespmem:v3+s12+$0x0], $0xffff;
	_ =	sdelay $0x1  }
0x156: {  	v3 =	vor.u32 $0x27, v1;
	_ =	sdelay $0x3  }
0x157: {  	[tilespmem:s22+$0x300] =	vst v2  }
0x158: {  	v2 =	vld.idx.msk [tilespmem:v3+s12+$0x0], $0xffff;
	_ =	sdelay $0x1  }
0x159: {  	v3 =	vor.u32 $0x28, v1;
	_ =	sdelay $0x3  }
0x15a: {  	[tilespmem:s22+$0x380] =	vst v2  }
0x15b: {  	v2 =	vld.idx.msk [tilespmem:v3+s12+$0x0], $0xffff;
	_ =	sdelay $0x1  }
0x15c: {  	v3 =	vor.u32 $0x29, v1;
	_ =	sdelay $0x3  }
0x15d: {  	[tilespmem:s22+$0x400] =	vst v2  }
0x15e: {  	v2 =	vld.idx.msk [tilespmem:v3+s12+$0x0], $0xffff;
	_ =	sdelay $0x1  }
0x15f: {  	v3 =	vor.u32 $0x2A, v1;
	_ =	sdelay $0x3  }
0x160: {  	[tilespmem:s22+$0x480] =	vst v2  }
0x161: {  	v2 =	vld.idx.msk [tilespmem:v3+s12+$0x0], $0xffff;
	_ =	sdelay $0x1  }
0x162: {  	v3 =	vor.u32 $0x2B, v1;
	_ =	sdelay $0x3  }
0x163: {  	[tilespmem:s22+$0x500] =	vst v2  }
0x164: {  	v2 =	vld.idx.msk [tilespmem:v3+s12+$0x0], $0xffff;
	_ =	sdelay $0x1  }
0x165: {  	v3 =	vor.u32 $0x2C, v1;
	_ =	sdelay $0x3  }
0x166: {  	[tilespmem:s22+$0x580] =	vst v2  }
0x167: {  	v2 =	vld.idx.msk [tilespmem:v3+s12+$0x0], $0xffff;
	_ =	sdelay $0x1  }
0x168: {  	v3 =	vor.u32 $0x2D, v1;
	_ =	sdelay $0x3  }
0x169: {  	[tilespmem:s22+$0x600] =	vst v2  }
0x16a: {  	v2 =	vld.idx.msk [tilespmem:v3+s12+$0x0], $0xffff;
	_ =	sdelay $0x1  }
0x16b: {  	v3 =	vor.u32 $0x2E, v1;
	_ =	sdelay $0x3  }
0x16c: {  	[tilespmem:s22+$0x680] =	vst v2  }
0x16d: {  	v2 =	vld.idx.msk [tilespmem:v3+s12+$0x0], $0xffff;
	_ =	sdelay $0x1  }
0x16e: {  	v3 =	vor.u32 $0x2F, v1;
	_ =	sdelay $0x3  }
0x16f: {  	[tilespmem:s22+$0x700] =	vst v2  }
0x170: {  	v2 =	vld.idx.msk [tilespmem:v3+s12+$0x0], $0xffff;
	_ =	sdelay $0x1  }
0x171: {  	v3 =	vor.u32 $0x30, v1;
	_ =	sdelay $0x3  }
0x172: {  	[tilespmem:s22+$0x780] =	vst v2  }
0x173: {  	v2 =	vld.idx.msk [tilespmem:v3+s12+$0x0], $0xffff;
	_ =	sdelay $0x1  }
0x174: {  	v3 =	vor.u32 $0x31, v1;
	_ =	sdelay $0x3  }
0x175: {  	[tilespmem:s22+$0x800] =	vst v2  }
0x176: {  	v2 =	vld.idx.msk [tilespmem:v3+s12+$0x0], $0xffff;
	_ =	sdelay $0x1  }
0x177: {  	v3 =	vor.u32 $0x32, v1;
	_ =	sdelay $0x3  }
0x178: {  	[tilespmem:s22+$0x880] =	vst v2  }
0x179: {  	v2 =	vld.idx.msk [tilespmem:v3+s12+$0x0], $0xffff;
	_ =	sdelay $0x1  }
0x17a: {  	v3 =	vor.u32 $0x33, v1;
	_ =	sdelay $0x3  }
0x17b: {  	[tilespmem:s22+$0x900] =	vst v2  }
0x17c: {  	v2 =	vld.idx.msk [tilespmem:v3+s12+$0x0], $0xffff;
	_ =	sdelay $0x1  }
0x17d: {  	v3 =	vor.u32 $0x34, v1;
	_ =	sdelay $0x3  }
0x17e: {  	[tilespmem:s22+$0x980] =	vst v2  }
0x17f: {  	v2 =	vld.idx.msk [tilespmem:v3+s12+$0x0], $0xffff;
	_ =	sdelay $0x1  }
0x180: {  	v3 =	vor.u32 $0x35, v1;
	_ =	sdelay $0x3  }
0x181: {  	[tilespmem:s22+$0xA00] =	vst v2  }
0x182: {  	v2 =	vld.idx.msk [tilespmem:v3+s12+$0x0], $0xffff;
	_ =	sdelay $0x1  }
0x183: {  	v3 =	vor.u32 $0x36, v1;
	_ =	sdelay $0x3  }
0x184: {  	[tilespmem:s22+$0xA80] =	vst v2  }
0x185: {  	v2 =	vld.idx.msk [tilespmem:v3+s12+$0x0], $0xffff;
	_ =	sdelay $0x1  }
0x186: {  	v3 =	vor.u32 $0x37, v1;
	_ =	sdelay $0x3  }
0x187: {  	[tilespmem:s22+$0xB00] =	vst v2  }
0x188: {  	v2 =	vld.idx.msk [tilespmem:v3+s12+$0x0], $0xffff;
	_ =	sdelay $0x1  }
0x189: {  	v3 =	vor.u32 $0x38, v1;
	_ =	sdelay $0x3  }
0x18a: {  	[tilespmem:s22+$0xB80] =	vst v2  }
0x18b: {  	v2 =	vld.idx.msk [tilespmem:v3+s12+$0x0], $0xffff;
	_ =	sdelay $0x1  }
0x18c: {  	v3 =	vor.u32 $0x39, v1;
	_ =	sdelay $0x3  }
0x18d: {  	[tilespmem:s22+$0xC00] =	vst v2  }
0x18e: {  	v2 =	vld.idx.msk [tilespmem:v3+s12+$0x0], $0xffff;
	_ =	sdelay $0x1  }
0x18f: {  	v3 =	vor.u32 $0x3A, v1;
	_ =	sdelay $0x3  }
0x190: {  	[tilespmem:s22+$0xC80] =	vst v2  }
0x191: {  	v2 =	vld.idx.msk [tilespmem:v3+s12+$0x0], $0xffff;
	_ =	sdelay $0x1  }
0x192: {  	v3 =	vor.u32 $0x3B, v1;
	_ =	sdelay $0x3  }
0x193: {  	[tilespmem:s22+$0xD00] =	vst v2  }
0x194: {  	v2 =	vld.idx.msk [tilespmem:v3+s12+$0x0], $0xffff;
	_ =	sdelay $0x1  }
0x195: {  	v3 =	vor.u32 $0x3C, v1;
	_ =	sdelay $0x3  }
0x196: {  	[tilespmem:s22+$0xD80] =	vst v2  }
0x197: {  	v2 =	vld.idx.msk [tilespmem:v3+s12+$0x0], $0xffff;
	_ =	sdelay $0x1  }
0x198: {  	v3 =	vor.u32 $0x3D, v1;
	_ =	sdelay $0x3  }
0x199: {  	[tilespmem:s22+$0xE00] =	vst v2  }
0x19a: {  	v2 =	vld.idx.msk [tilespmem:v3+s12+$0x0], $0xffff;
	_ =	sdelay $0x1  }
0x19b: {  	v3 =	vor.u32 $0x3E, v1;
	_ =	sdelay $0x3  }
0x19c: {  	[tilespmem:s22+$0xE80] =	vst v2  }
0x19d: {  	v2 =	vld.idx.msk [tilespmem:v3+s12+$0x0], $0xffff;
	_ =	sdelay $0x1  }
0x19e: {  	v3 =	vor.u32 $0x3F, v1  }
.Ltmp2:
0x19f: {  	(pc) =	sbr.rel @p0 .LBB2_3-.Ltmp2, $3  }
0x1a0: {  	_ =	sdelay $0x1  }
0x1a1: {  	[tilespmem:s22+$0xF00] =	vst v2  }
0x1a2: {  	v1 =	vmov s23;
	s23 =	sadd.s32 $0x10, s23;
	v2 =	vld.idx.msk [tilespmem:v3+s12+$0x0], $0xffff  }
0x1a3: {  	v1 =	vshll.u32 v1, $0x6  }
0x1a4: {  	v1 =	vor.u32 v0, v1;
	_ =	sdelay $0x3  }
0x1a5: {  	[tilespmem:s22+$0xF80] =	vst v2  }
0x1a6: {  	v2 =	vld.idx.msk [tilespmem:v1+s12+$0x0], $0xffff  }
0x1a7: {  	v3 =	vor.u32 $0x1, v1;
	_ =	sdelay $0x2  }
0x1a8: {  	s29 =	sadd.s32 $0x10, s22  }
0x1a9: {  	[tilespmem:s29+$0xFFFFF000] =	vst v2  }
0x1aa: {  	v2 =	vld.idx.msk [tilespmem:v3+s12+$0x0], $0xffff  }
0x1ab: {  	v3 =	vor.u32 $0x2, v1;
	_ =	sdelay $0x3  }
0x1ac: {  	[tilespmem:s29+$0xFFFFF080] =	vst v2  }
0x1ad: {  	v2 =	vld.idx.msk [tilespmem:v3+s12+$0x0], $0xffff  }
0x1ae: {  	v3 =	vor.u32 $0x3, v1;
	_ =	sdelay $0x3  }
0x1af: {  	[tilespmem:s29+$0xFFFFF100] =	vst v2  }
0x1b0: {  	v2 =	vld.idx.msk [tilespmem:v3+s12+$0x0], $0xffff  }
0x1b1: {  	v3 =	vor.u32 $0x4, v1;
	_ =	sdelay $0x3  }
0x1b2: {  	[tilespmem:s29+$0xFFFFF180] =	vst v2  }
0x1b3: {  	v2 =	vld.idx.msk [tilespmem:v3+s12+$0x0], $0xffff  }
0x1b4: {  	v3 =	vor.u32 $0x5, v1;
	_ =	sdelay $0x3  }
0x1b5: {  	[tilespmem:s29+$0xFFFFF200] =	vst v2  }
0x1b6: {  	v2 =	vld.idx.msk [tilespmem:v3+s12+$0x0], $0xffff  }
0x1b7: {  	v3 =	vor.u32 $0x6, v1;
	_ =	sdelay $0x3  }
0x1b8: {  	[tilespmem:s29+$0xFFFFF280] =	vst v2  }
0x1b9: {  	v2 =	vld.idx.msk [tilespmem:v3+s12+$0x0], $0xffff  }
0x1ba: {  	v3 =	vor.u32 $0x7, v1;
	_ =	sdelay $0x3  }
0x1bb: {  	[tilespmem:s29+$0xFFFFF300] =	vst v2  }
0x1bc: {  	v2 =	vld.idx.msk [tilespmem:v3+s12+$0x0], $0xffff  }
0x1bd: {  	v3 =	vor.u32 $0x8, v1;
	_ =	sdelay $0x3  }
0x1be: {  	[tilespmem:s29+$0xFFFFF380] =	vst v2  }
0x1bf: {  	v2 =	vld.idx.msk [tilespmem:v3+s12+$0x0], $0xffff  }
0x1c0: {  	v3 =	vor.u32 $0x9, v1;
	_ =	sdelay $0x3  }
0x1c1: {  	[tilespmem:s29+$0xFFFFF400] =	vst v2  }
0x1c2: {  	v2 =	vld.idx.msk [tilespmem:v3+s12+$0x0], $0xffff  }
0x1c3: {  	v3 =	vor.u32 $0xA, v1;
	_ =	sdelay $0x3  }
0x1c4: {  	[tilespmem:s29+$0xFFFFF480] =	vst v2  }
0x1c5: {  	v2 =	vld.idx.msk [tilespmem:v3+s12+$0x0], $0xffff  }
0x1c6: {  	v3 =	vor.u32 $0xB, v1;
	_ =	sdelay $0x3  }
0x1c7: {  	[tilespmem:s29+$0xFFFFF500] =	vst v2  }
0x1c8: {  	v2 =	vld.idx.msk [tilespmem:v3+s12+$0x0], $0xffff  }
0x1c9: {  	v3 =	vor.u32 $0xC, v1;
	_ =	sdelay $0x3  }
0x1ca: {  	[tilespmem:s29+$0xFFFFF580] =	vst v2  }
0x1cb: {  	v2 =	vld.idx.msk [tilespmem:v3+s12+$0x0], $0xffff  }
0x1cc: {  	v3 =	vor.u32 $0xD, v1;
	_ =	sdelay $0x3  }
0x1cd: {  	[tilespmem:s29+$0xFFFFF600] =	vst v2  }
0x1ce: {  	v2 =	vld.idx.msk [tilespmem:v3+s12+$0x0], $0xffff  }
0x1cf: {  	v3 =	vor.u32 $0xE, v1;
	_ =	sdelay $0x3  }
0x1d0: {  	[tilespmem:s29+$0xFFFFF680] =	vst v2  }
0x1d1: {  	v2 =	vld.idx.msk [tilespmem:v3+s12+$0x0], $0xffff  }
0x1d2: {  	v3 =	vor.u32 $0xF, v1;
	_ =	sdelay $0x3  }
0x1d3: {  	[tilespmem:s29+$0xFFFFF700] =	vst v2  }
0x1d4: {  	v2 =	vld.idx.msk [tilespmem:v3+s12+$0x0], $0xffff  }
0x1d5: {  	v3 =	vor.u32 $0x10, v1;
	_ =	sdelay $0x3  }
0x1d6: {  	[tilespmem:s29+$0xFFFFF780] =	vst v2  }
0x1d7: {  	v2 =	vld.idx.msk [tilespmem:v3+s12+$0x0], $0xffff  }
0x1d8: {  	v3 =	vor.u32 $0x11, v1;
	_ =	sdelay $0x3  }
0x1d9: {  	[tilespmem:s29+$0xFFFFF800] =	vst v2  }
0x1da: {  	v2 =	vld.idx.msk [tilespmem:v3+s12+$0x0], $0xffff  }
0x1db: {  	v3 =	vor.u32 $0x12, v1;
	_ =	sdelay $0x3  }
0x1dc: {  	[tilespmem:s29+$0xFFFFF880] =	vst v2  }
0x1dd: {  	v2 =	vld.idx.msk [tilespmem:v3+s12+$0x0], $0xffff  }
0x1de: {  	v3 =	vor.u32 $0x13, v1;
	_ =	sdelay $0x3  }
0x1df: {  	[tilespmem:s29+$0xFFFFF900] =	vst v2  }
0x1e0: {  	v2 =	vld.idx.msk [tilespmem:v3+s12+$0x0], $0xffff  }
0x1e1: {  	v3 =	vor.u32 $0x14, v1;
	_ =	sdelay $0x3  }
0x1e2: {  	[tilespmem:s29+$0xFFFFF980] =	vst v2  }
0x1e3: {  	v2 =	vld.idx.msk [tilespmem:v3+s12+$0x0], $0xffff  }
0x1e4: {  	v3 =	vor.u32 $0x15, v1;
	_ =	sdelay $0x3  }
0x1e5: {  	[tilespmem:s29+$0xFFFFFA00] =	vst v2  }
0x1e6: {  	v2 =	vld.idx.msk [tilespmem:v3+s12+$0x0], $0xffff  }
0x1e7: {  	v3 =	vor.u32 $0x16, v1;
	_ =	sdelay $0x3  }
0x1e8: {  	[tilespmem:s29+$0xFFFFFA80] =	vst v2  }
0x1e9: {  	v2 =	vld.idx.msk [tilespmem:v3+s12+$0x0], $0xffff  }
0x1ea: {  	v3 =	vor.u32 $0x17, v1;
	_ =	sdelay $0x3  }
0x1eb: {  	[tilespmem:s29+$0xFFFFFB00] =	vst v2  }
0x1ec: {  	v2 =	vld.idx.msk [tilespmem:v3+s12+$0x0], $0xffff  }
0x1ed: {  	v3 =	vor.u32 $0x18, v1;
	_ =	sdelay $0x3  }
0x1ee: {  	[tilespmem:s29+$0xFFFFFB80] =	vst v2  }
0x1ef: {  	v2 =	vld.idx.msk [tilespmem:v3+s12+$0x0], $0xffff  }
0x1f0: {  	v3 =	vor.u32 $0x19, v1;
	_ =	sdelay $0x3  }
0x1f1: {  	[tilespmem:s29+$0xFFFFFC00] =	vst v2  }
0x1f2: {  	v2 =	vld.idx.msk [tilespmem:v3+s12+$0x0], $0xffff  }
0x1f3: {  	v3 =	vor.u32 $0x1A, v1;
	_ =	sdelay $0x3  }
0x1f4: {  	[tilespmem:s29+$0xFFFFFC80] =	vst v2  }
0x1f5: {  	v2 =	vld.idx.msk [tilespmem:v3+s12+$0x0], $0xffff  }
0x1f6: {  	v3 =	vor.u32 $0x1B, v1;
	_ =	sdelay $0x3  }
0x1f7: {  	[tilespmem:s29+$0xFFFFFD00] =	vst v2  }
0x1f8: {  	v2 =	vld.idx.msk [tilespmem:v3+s12+$0x0], $0xffff  }
0x1f9: {  	v3 =	vor.u32 $0x1C, v1;
	_ =	sdelay $0x3  }
0x1fa: {  	[tilespmem:s29+$0xFFFFFD80] =	vst v2  }
0x1fb: {  	v2 =	vld.idx.msk [tilespmem:v3+s12+$0x0], $0xffff  }
0x1fc: {  	v3 =	vor.u32 $0x1D, v1;
	_ =	sdelay $0x3  }
0x1fd: {  	[tilespmem:s29+$0xFFFFFE00] =	vst v2  }
0x1fe: {  	v2 =	vld.idx.msk [tilespmem:v3+s12+$0x0], $0xffff  }
0x1ff: {  	v3 =	vor.u32 $0x1E, v1;
	_ =	sdelay $0x3  }
0x200: {  	[tilespmem:s29+$0xFFFFFE80] =	vst v2  }
0x201: {  	v2 =	vld.idx.msk [tilespmem:v3+s12+$0x0], $0xffff  }
0x202: {  	v3 =	vor.u32 $0x1F, v1;
	_ =	sdelay $0x3  }
0x203: {  	[tilespmem:s29+$0xFFFFFF00] =	vst v2  }
0x204: {  	v2 =	vld.idx.msk [tilespmem:v3+s12+$0x0], $0xffff  }
0x205: {  	v3 =	vor.u32 $0x20, v1;
	_ =	sdelay $0x3  }
0x206: {  	[tilespmem:s29+$0xFFFFFF80] =	vst v2  }
0x207: {  	v2 =	vld.idx.msk [tilespmem:v3+s12+$0x0], $0xffff  }
0x208: {  	v3 =	vor.u32 $0x21, v1;
	_ =	sdelay $0x3  }
0x209: {  	[tilespmem:s29+$0x0] =	vst v2  }
0x20a: {  	v2 =	vld.idx.msk [tilespmem:v3+s12+$0x0], $0xffff  }
0x20b: {  	v3 =	vor.u32 $0x22, v1;
	_ =	sdelay $0x3  }
0x20c: {  	[tilespmem:s29+$0x80] =	vst v2  }
0x20d: {  	v2 =	vld.idx.msk [tilespmem:v3+s12+$0x0], $0xffff  }
0x20e: {  	v3 =	vor.u32 $0x23, v1;
	_ =	sdelay $0x3  }
0x20f: {  	[tilespmem:s29+$0x100] =	vst v2  }
0x210: {  	v2 =	vld.idx.msk [tilespmem:v3+s12+$0x0], $0xffff  }
0x211: {  	v3 =	vor.u32 $0x24, v1;
	_ =	sdelay $0x3  }
0x212: {  	[tilespmem:s29+$0x180] =	vst v2  }
0x213: {  	v2 =	vld.idx.msk [tilespmem:v3+s12+$0x0], $0xffff  }
0x214: {  	v3 =	vor.u32 $0x25, v1;
	_ =	sdelay $0x3  }
0x215: {  	[tilespmem:s29+$0x200] =	vst v2  }
0x216: {  	v2 =	vld.idx.msk [tilespmem:v3+s12+$0x0], $0xffff  }
0x217: {  	v3 =	vor.u32 $0x26, v1;
	_ =	sdelay $0x3  }
0x218: {  	[tilespmem:s29+$0x280] =	vst v2  }
0x219: {  	v2 =	vld.idx.msk [tilespmem:v3+s12+$0x0], $0xffff  }
0x21a: {  	v3 =	vor.u32 $0x27, v1;
	_ =	sdelay $0x3  }
0x21b: {  	[tilespmem:s29+$0x300] =	vst v2  }
0x21c: {  	v2 =	vld.idx.msk [tilespmem:v3+s12+$0x0], $0xffff  }
0x21d: {  	v3 =	vor.u32 $0x28, v1;
	_ =	sdelay $0x3  }
0x21e: {  	[tilespmem:s29+$0x380] =	vst v2  }
0x21f: {  	v2 =	vld.idx.msk [tilespmem:v3+s12+$0x0], $0xffff  }
0x220: {  	v3 =	vor.u32 $0x29, v1;
	_ =	sdelay $0x3  }
0x221: {  	[tilespmem:s29+$0x400] =	vst v2  }
0x222: {  	v2 =	vld.idx.msk [tilespmem:v3+s12+$0x0], $0xffff  }
0x223: {  	v3 =	vor.u32 $0x2A, v1;
	_ =	sdelay $0x3  }
0x224: {  	[tilespmem:s29+$0x480] =	vst v2  }
0x225: {  	v2 =	vld.idx.msk [tilespmem:v3+s12+$0x0], $0xffff  }
0x226: {  	v3 =	vor.u32 $0x2B, v1;
	_ =	sdelay $0x3  }
0x227: {  	[tilespmem:s29+$0x500] =	vst v2  }
0x228: {  	v2 =	vld.idx.msk [tilespmem:v3+s12+$0x0], $0xffff  }
0x229: {  	v3 =	vor.u32 $0x2C, v1;
	_ =	sdelay $0x3  }
0x22a: {  	[tilespmem:s29+$0x580] =	vst v2  }
0x22b: {  	v2 =	vld.idx.msk [tilespmem:v3+s12+$0x0], $0xffff  }
0x22c: {  	v3 =	vor.u32 $0x2D, v1;
	_ =	sdelay $0x3  }
0x22d: {  	[tilespmem:s29+$0x600] =	vst v2  }
0x22e: {  	v2 =	vld.idx.msk [tilespmem:v3+s12+$0x0], $0xffff  }
0x22f: {  	v3 =	vor.u32 $0x2E, v1;
	_ =	sdelay $0x3  }
0x230: {  	[tilespmem:s29+$0x680] =	vst v2  }
0x231: {  	v2 =	vld.idx.msk [tilespmem:v3+s12+$0x0], $0xffff  }
0x232: {  	v3 =	vor.u32 $0x2F, v1;
	_ =	sdelay $0x3  }
0x233: {  	[tilespmem:s29+$0x700] =	vst v2  }
0x234: {  	v2 =	vld.idx.msk [tilespmem:v3+s12+$0x0], $0xffff  }
0x235: {  	v3 =	vor.u32 $0x30, v1;
	_ =	sdelay $0x3  }
0x236: {  	[tilespmem:s29+$0x780] =	vst v2  }
0x237: {  	v2 =	vld.idx.msk [tilespmem:v3+s12+$0x0], $0xffff  }
0x238: {  	v3 =	vor.u32 $0x31, v1;
	_ =	sdelay $0x3  }
0x239: {  	[tilespmem:s29+$0x800] =	vst v2  }
0x23a: {  	v2 =	vld.idx.msk [tilespmem:v3+s12+$0x0], $0xffff  }
0x23b: {  	v3 =	vor.u32 $0x32, v1;
	_ =	sdelay $0x3  }
0x23c: {  	[tilespmem:s29+$0x880] =	vst v2  }
0x23d: {  	v2 =	vld.idx.msk [tilespmem:v3+s12+$0x0], $0xffff  }
0x23e: {  	v3 =	vor.u32 $0x33, v1;
	_ =	sdelay $0x3  }
0x23f: {  	[tilespmem:s29+$0x900] =	vst v2  }
0x240: {  	v2 =	vld.idx.msk [tilespmem:v3+s12+$0x0], $0xffff  }
0x241: {  	v3 =	vor.u32 $0x34, v1;
	_ =	sdelay $0x3  }
0x242: {  	[tilespmem:s29+$0x980] =	vst v2  }
0x243: {  	v2 =	vld.idx.msk [tilespmem:v3+s12+$0x0], $0xffff  }
0x244: {  	v3 =	vor.u32 $0x35, v1;
	_ =	sdelay $0x3  }
0x245: {  	[tilespmem:s29+$0xA00] =	vst v2  }
0x246: {  	v2 =	vld.idx.msk [tilespmem:v3+s12+$0x0], $0xffff  }
0x247: {  	v3 =	vor.u32 $0x36, v1;
	_ =	sdelay $0x3  }
0x248: {  	[tilespmem:s29+$0xA80] =	vst v2  }
0x249: {  	v2 =	vld.idx.msk [tilespmem:v3+s12+$0x0], $0xffff  }
0x24a: {  	v3 =	vor.u32 $0x37, v1;
	_ =	sdelay $0x3  }
0x24b: {  	[tilespmem:s29+$0xB00] =	vst v2  }
0x24c: {  	v2 =	vld.idx.msk [tilespmem:v3+s12+$0x0], $0xffff  }
0x24d: {  	v3 =	vor.u32 $0x38, v1;
	_ =	sdelay $0x3  }
0x24e: {  	[tilespmem:s29+$0xB80] =	vst v2  }
0x24f: {  	v2 =	vld.idx.msk [tilespmem:v3+s12+$0x0], $0xffff  }
0x250: {  	v3 =	vor.u32 $0x39, v1;
	_ =	sdelay $0x3  }
0x251: {  	[tilespmem:s29+$0xC00] =	vst v2  }
0x252: {  	v2 =	vld.idx.msk [tilespmem:v3+s12+$0x0], $0xffff  }
0x253: {  	v3 =	vor.u32 $0x3A, v1;
	_ =	sdelay $0x3  }
0x254: {  	[tilespmem:s29+$0xC80] =	vst v2  }
0x255: {  	v2 =	vld.idx.msk [tilespmem:v3+s12+$0x0], $0xffff  }
0x256: {  	v3 =	vor.u32 $0x3B, v1;
	_ =	sdelay $0x3  }
0x257: {  	[tilespmem:s29+$0xD00] =	vst v2  }
0x258: {  	v2 =	vld.idx.msk [tilespmem:v3+s12+$0x0], $0xffff  }
0x259: {  	v3 =	vor.u32 $0x3C, v1;
	_ =	sdelay $0x3  }
0x25a: {  	[tilespmem:s29+$0xD80] =	vst v2  }
0x25b: {  	v2 =	vld.idx.msk [tilespmem:v3+s12+$0x0], $0xffff  }
0x25c: {  	v3 =	vor.u32 $0x3D, v1;
	_ =	sdelay $0x3  }
0x25d: {  	[tilespmem:s29+$0xE00] =	vst v2  }
0x25e: {  	v2 =	vld.idx.msk [tilespmem:v3+s12+$0x0], $0xffff  }
0x25f: {  	v3 =	vor.u32 $0x3E, v1;
	_ =	sdelay $0x3  }
0x260: {  	[tilespmem:s29+$0xE80] =	vst v2  }
0x261: {  	v2 =	vld.idx.msk [tilespmem:v3+s12+$0x0], $0xffff  }
0x262: {  	v1 =	vor.u32 $0x3F, v1;
	_ =	sdelay $0x3  }
0x263: {  	[tilespmem:s29+$0xF00] =	vst v2  }
0x264: {  	v1 =	vld.idx.msk [tilespmem:v1+s12+$0x0], $0xffff;
	_ =	sdelay $0x1  }
0x265: {  	s23 =	sshll.u32 s21, $0x13  }
0x266: {  	s23 =	sor.u32 s4, s23  }
0x267: {  	s23 =	sshrl.u32 s23, $0x3  }
0x268: {  	s24 =	simm.s32 $0x0;
	s30 =	sadd.s32 s5, s23;
	[tilespmem:s29+$0xF80] =	vst v1  }
0x269: {  	[hbm4b:s30+s9] =	stream.strided.scatter [tilespmem:s15], [sflag:$0x3], $0x2000, s10, s9, $0x38;
	[tilespmem:$0xE400] =	vst v63  }
0x26a: {  	p0 =	seq.s32 s21, $0x63;
	s22 =	sshll.u32 s21, $0xA;
	v1 =	vmov s24;
	_ =	swait.ge [sflag:s16], $0x2000  }
0x26b: {  	s25 =	simm.s32 @!p0 $0x80;
	s24 =	sshrl.u32 @!p0 s22, $0x2;
	v1 =	vshll.u32 v1, $0x6;
	[sflag:s16] =	ssyncset.done $0x0  }
0x26c: {  	s26 =	simm.s32 @!p0 $0x6400;
	s24 =	sadd.s32 @!p0 $0x100, s24;
	v1 =	vor.u32 v0, v1;
	[sflag:s16] =	ssyncadd.s32 $0xFFFFE000  }
0x26d: {  	[tilespmem:s26], [sflag:$0x1] =	stream.indirect.gather @!p0 [hbm4b:s3+s25], $0x40, s24, s25, $0xb8;
	[tilespmem:$0xE400] =	vst v63  }
0x26e: {  	_ =	swait.ge [sflag:s17], $0x2000  }
0x26f: {  	[sflag:s17] =	ssyncset.done $0x0  }
0x270: {  	[sflag:s17] =	ssyncadd.s32 $0xFFFFE000  }
0x271: {  	v2 =	vld.idx.msk [tilespmem:v1+s13+$0x0], $0xffff  }
0x272: {  	v3 =	vor.u32 $0x1, v1;
	_ =	sdelay $0x2  }
0x273: {  	s24 =	simm.s32 $0xD400  }
0x274: {  	[tilespmem:s24+$0xFFFFF000] =	vst v2  }
0x275: {  	v2 =	vld.idx.msk [tilespmem:v3+s13+$0x0], $0xffff  }
0x276: {  	v3 =	vor.u32 $0x2, v1;
	_ =	sdelay $0x3  }
0x277: {  	[tilespmem:s24+$0xFFFFF080] =	vst v2  }
0x278: {  	v2 =	vld.idx.msk [tilespmem:v3+s13+$0x0], $0xffff  }
0x279: {  	v3 =	vor.u32 $0x3, v1;
	_ =	sdelay $0x3  }
0x27a: {  	[tilespmem:s24+$0xFFFFF100] =	vst v2  }
0x27b: {  	v2 =	vld.idx.msk [tilespmem:v3+s13+$0x0], $0xffff  }
0x27c: {  	v3 =	vor.u32 $0x4, v1;
	_ =	sdelay $0x3  }
0x27d: {  	[tilespmem:s24+$0xFFFFF180] =	vst v2  }
0x27e: {  	v2 =	vld.idx.msk [tilespmem:v3+s13+$0x0], $0xffff  }
0x27f: {  	v3 =	vor.u32 $0x5, v1;
	_ =	sdelay $0x3  }
0x280: {  	[tilespmem:s24+$0xFFFFF200] =	vst v2  }
0x281: {  	v2 =	vld.idx.msk [tilespmem:v3+s13+$0x0], $0xffff  }
0x282: {  	v3 =	vor.u32 $0x6, v1;
	_ =	sdelay $0x3  }
0x283: {  	[tilespmem:s24+$0xFFFFF280] =	vst v2  }
0x284: {  	v2 =	vld.idx.msk [tilespmem:v3+s13+$0x0], $0xffff  }
0x285: {  	v3 =	vor.u32 $0x7, v1;
	_ =	sdelay $0x3  }
0x286: {  	[tilespmem:s24+$0xFFFFF300] =	vst v2  }
0x287: {  	v2 =	vld.idx.msk [tilespmem:v3+s13+$0x0], $0xffff  }
0x288: {  	v3 =	vor.u32 $0x8, v1;
	_ =	sdelay $0x3  }
0x289: {  	[tilespmem:s24+$0xFFFFF380] =	vst v2  }
0x28a: {  	v2 =	vld.idx.msk [tilespmem:v3+s13+$0x0], $0xffff  }
0x28b: {  	v3 =	vor.u32 $0x9, v1;
	_ =	sdelay $0x3  }
0x28c: {  	[tilespmem:s24+$0xFFFFF400] =	vst v2  }
0x28d: {  	v2 =	vld.idx.msk [tilespmem:v3+s13+$0x0], $0xffff  }
0x28e: {  	v3 =	vor.u32 $0xA, v1;
	_ =	sdelay $0x3  }
0x28f: {  	[tilespmem:s24+$0xFFFFF480] =	vst v2  }
0x290: {  	v2 =	vld.idx.msk [tilespmem:v3+s13+$0x0], $0xffff  }
0x291: {  	v3 =	vor.u32 $0xB, v1;
	_ =	sdelay $0x3  }
0x292: {  	[tilespmem:s24+$0xFFFFF500] =	vst v2  }
0x293: {  	v2 =	vld.idx.msk [tilespmem:v3+s13+$0x0], $0xffff  }
0x294: {  	v3 =	vor.u32 $0xC, v1;
	_ =	sdelay $0x3  }
0x295: {  	[tilespmem:s24+$0xFFFFF580] =	vst v2  }
0x296: {  	v2 =	vld.idx.msk [tilespmem:v3+s13+$0x0], $0xffff  }
0x297: {  	v3 =	vor.u32 $0xD, v1;
	_ =	sdelay $0x3  }
0x298: {  	[tilespmem:s24+$0xFFFFF600] =	vst v2  }
0x299: {  	v2 =	vld.idx.msk [tilespmem:v3+s13+$0x0], $0xffff  }
0x29a: {  	v3 =	vor.u32 $0xE, v1;
	_ =	sdelay $0x3  }
0x29b: {  	[tilespmem:s24+$0xFFFFF680] =	vst v2  }
0x29c: {  	v2 =	vld.idx.msk [tilespmem:v3+s13+$0x0], $0xffff  }
0x29d: {  	v3 =	vor.u32 $0xF, v1;
	_ =	sdelay $0x3  }
0x29e: {  	[tilespmem:s24+$0xFFFFF700] =	vst v2  }
0x29f: {  	v2 =	vld.idx.msk [tilespmem:v3+s13+$0x0], $0xffff  }
0x2a0: {  	v3 =	vor.u32 $0x10, v1;
	_ =	sdelay $0x3  }
0x2a1: {  	[tilespmem:s24+$0xFFFFF780] =	vst v2  }
0x2a2: {  	v2 =	vld.idx.msk [tilespmem:v3+s13+$0x0], $0xffff  }
0x2a3: {  	v3 =	vor.u32 $0x11, v1;
	_ =	sdelay $0x3  }
0x2a4: {  	[tilespmem:s24+$0xFFFFF800] =	vst v2  }
0x2a5: {  	v2 =	vld.idx.msk [tilespmem:v3+s13+$0x0], $0xffff  }
0x2a6: {  	v3 =	vor.u32 $0x12, v1;
	_ =	sdelay $0x3  }
0x2a7: {  	[tilespmem:s24+$0xFFFFF880] =	vst v2  }
0x2a8: {  	v2 =	vld.idx.msk [tilespmem:v3+s13+$0x0], $0xffff  }
0x2a9: {  	v3 =	vor.u32 $0x13, v1;
	_ =	sdelay $0x3  }
0x2aa: {  	[tilespmem:s24+$0xFFFFF900] =	vst v2  }
0x2ab: {  	v2 =	vld.idx.msk [tilespmem:v3+s13+$0x0], $0xffff  }
0x2ac: {  	v3 =	vor.u32 $0x14, v1;
	_ =	sdelay $0x3  }
0x2ad: {  	[tilespmem:s24+$0xFFFFF980] =	vst v2  }
0x2ae: {  	v2 =	vld.idx.msk [tilespmem:v3+s13+$0x0], $0xffff  }
0x2af: {  	v3 =	vor.u32 $0x15, v1;
	_ =	sdelay $0x3  }
0x2b0: {  	[tilespmem:s24+$0xFFFFFA00] =	vst v2  }
0x2b1: {  	v2 =	vld.idx.msk [tilespmem:v3+s13+$0x0], $0xffff  }
0x2b2: {  	v3 =	vor.u32 $0x16, v1;
	_ =	sdelay $0x3  }
0x2b3: {  	[tilespmem:s24+$0xFFFFFA80] =	vst v2  }
0x2b4: {  	v2 =	vld.idx.msk [tilespmem:v3+s13+$0x0], $0xffff  }
0x2b5: {  	v3 =	vor.u32 $0x17, v1;
	_ =	sdelay $0x3  }
0x2b6: {  	[tilespmem:s24+$0xFFFFFB00] =	vst v2  }
0x2b7: {  	v2 =	vld.idx.msk [tilespmem:v3+s13+$0x0], $0xffff  }
0x2b8: {  	v3 =	vor.u32 $0x18, v1;
	_ =	sdelay $0x3  }
0x2b9: {  	[tilespmem:s24+$0xFFFFFB80] =	vst v2  }
0x2ba: {  	v2 =	vld.idx.msk [tilespmem:v3+s13+$0x0], $0xffff  }
0x2bb: {  	v3 =	vor.u32 $0x19, v1;
	_ =	sdelay $0x3  }
0x2bc: {  	[tilespmem:s24+$0xFFFFFC00] =	vst v2  }
0x2bd: {  	v2 =	vld.idx.msk [tilespmem:v3+s13+$0x0], $0xffff  }
0x2be: {  	v3 =	vor.u32 $0x1A, v1;
	_ =	sdelay $0x3  }
0x2bf: {  	[tilespmem:s24+$0xFFFFFC80] =	vst v2  }
0x2c0: {  	v2 =	vld.idx.msk [tilespmem:v3+s13+$0x0], $0xffff  }
0x2c1: {  	v3 =	vor.u32 $0x1B, v1;
	_ =	sdelay $0x3  }
0x2c2: {  	[tilespmem:s24+$0xFFFFFD00] =	vst v2  }
0x2c3: {  	v2 =	vld.idx.msk [tilespmem:v3+s13+$0x0], $0xffff  }
0x2c4: {  	v3 =	vor.u32 $0x1C, v1;
	_ =	sdelay $0x3  }
0x2c5: {  	[tilespmem:s24+$0xFFFFFD80] =	vst v2  }
0x2c6: {  	v2 =	vld.idx.msk [tilespmem:v3+s13+$0x0], $0xffff  }
0x2c7: {  	v3 =	vor.u32 $0x1D, v1;
	_ =	sdelay $0x3  }
0x2c8: {  	[tilespmem:s24+$0xFFFFFE00] =	vst v2  }
0x2c9: {  	v2 =	vld.idx.msk [tilespmem:v3+s13+$0x0], $0xffff  }
0x2ca: {  	v3 =	vor.u32 $0x1E, v1;
	_ =	sdelay $0x3  }
0x2cb: {  	[tilespmem:s24+$0xFFFFFE80] =	vst v2  }
0x2cc: {  	v2 =	vld.idx.msk [tilespmem:v3+s13+$0x0], $0xffff  }
0x2cd: {  	v3 =	vor.u32 $0x1F, v1;
	_ =	sdelay $0x3  }
0x2ce: {  	[tilespmem:s24+$0xFFFFFF00] =	vst v2  }
0x2cf: {  	v2 =	vld.idx.msk [tilespmem:v3+s13+$0x0], $0xffff  }
0x2d0: {  	v3 =	vor.u32 $0x20, v1;
	_ =	sdelay $0x3  }
0x2d1: {  	[tilespmem:s24+$0xFFFFFF80] =	vst v2  }
0x2d2: {  	v2 =	vld.idx.msk [tilespmem:v3+s13+$0x0], $0xffff  }
0x2d3: {  	v3 =	vor.u32 $0x21, v1;
	_ =	sdelay $0x3  }
0x2d4: {  	[tilespmem:s24+$0x0] =	vst v2  }
0x2d5: {  	v2 =	vld.idx.msk [tilespmem:v3+s13+$0x0], $0xffff  }
0x2d6: {  	v3 =	vor.u32 $0x22, v1;
	_ =	sdelay $0x3  }
0x2d7: {  	[tilespmem:s24+$0x80] =	vst v2  }
0x2d8: {  	v2 =	vld.idx.msk [tilespmem:v3+s13+$0x0], $0xffff  }
0x2d9: {  	v3 =	vor.u32 $0x23, v1;
	_ =	sdelay $0x3  }
0x2da: {  	[tilespmem:s24+$0x100] =	vst v2  }
0x2db: {  	v2 =	vld.idx.msk [tilespmem:v3+s13+$0x0], $0xffff  }
0x2dc: {  	v3 =	vor.u32 $0x24, v1;
	_ =	sdelay $0x3  }
0x2dd: {  	[tilespmem:s24+$0x180] =	vst v2  }
0x2de: {  	v2 =	vld.idx.msk [tilespmem:v3+s13+$0x0], $0xffff  }
0x2df: {  	v3 =	vor.u32 $0x25, v1;
	_ =	sdelay $0x3  }
0x2e0: {  	[tilespmem:s24+$0x200] =	vst v2  }
0x2e1: {  	v2 =	vld.idx.msk [tilespmem:v3+s13+$0x0], $0xffff  }
0x2e2: {  	v3 =	vor.u32 $0x26, v1;
	_ =	sdelay $0x3  }
0x2e3: {  	[tilespmem:s24+$0x280] =	vst v2  }
0x2e4: {  	v2 =	vld.idx.msk [tilespmem:v3+s13+$0x0], $0xffff  }
0x2e5: {  	v3 =	vor.u32 $0x27, v1;
	_ =	sdelay $0x3  }
0x2e6: {  	[tilespmem:s24+$0x300] =	vst v2  }
0x2e7: {  	v2 =	vld.idx.msk [tilespmem:v3+s13+$0x0], $0xffff  }
0x2e8: {  	v3 =	vor.u32 $0x28, v1;
	_ =	sdelay $0x3  }
0x2e9: {  	[tilespmem:s24+$0x380] =	vst v2  }
0x2ea: {  	v2 =	vld.idx.msk [tilespmem:v3+s13+$0x0], $0xffff  }
0x2eb: {  	v3 =	vor.u32 $0x29, v1;
	_ =	sdelay $0x3  }
0x2ec: {  	[tilespmem:s24+$0x400] =	vst v2  }
0x2ed: {  	v2 =	vld.idx.msk [tilespmem:v3+s13+$0x0], $0xffff  }
0x2ee: {  	v3 =	vor.u32 $0x2A, v1;
	_ =	sdelay $0x3  }
0x2ef: {  	[tilespmem:s24+$0x480] =	vst v2  }
0x2f0: {  	v2 =	vld.idx.msk [tilespmem:v3+s13+$0x0], $0xffff  }
0x2f1: {  	v3 =	vor.u32 $0x2B, v1;
	_ =	sdelay $0x3  }
0x2f2: {  	[tilespmem:s24+$0x500] =	vst v2  }
0x2f3: {  	v2 =	vld.idx.msk [tilespmem:v3+s13+$0x0], $0xffff  }
0x2f4: {  	v3 =	vor.u32 $0x2C, v1;
	_ =	sdelay $0x3  }
0x2f5: {  	[tilespmem:s24+$0x580] =	vst v2  }
0x2f6: {  	v2 =	vld.idx.msk [tilespmem:v3+s13+$0x0], $0xffff  }
0x2f7: {  	v3 =	vor.u32 $0x2D, v1;
	_ =	sdelay $0x3  }
0x2f8: {  	[tilespmem:s24+$0x600] =	vst v2  }
0x2f9: {  	v2 =	vld.idx.msk [tilespmem:v3+s13+$0x0], $0xffff  }
0x2fa: {  	v3 =	vor.u32 $0x2E, v1;
	_ =	sdelay $0x3  }
0x2fb: {  	[tilespmem:s24+$0x680] =	vst v2  }
0x2fc: {  	v2 =	vld.idx.msk [tilespmem:v3+s13+$0x0], $0xffff  }
0x2fd: {  	v3 =	vor.u32 $0x2F, v1;
	_ =	sdelay $0x3  }
0x2fe: {  	[tilespmem:s24+$0x700] =	vst v2  }
0x2ff: {  	v2 =	vld.idx.msk [tilespmem:v3+s13+$0x0], $0xffff  }
0x300: {  	v3 =	vor.u32 $0x30, v1;
	_ =	sdelay $0x3  }
0x301: {  	[tilespmem:s24+$0x780] =	vst v2  }
0x302: {  	v2 =	vld.idx.msk [tilespmem:v3+s13+$0x0], $0xffff  }
0x303: {  	v3 =	vor.u32 $0x31, v1;
	_ =	sdelay $0x3  }
0x304: {  	[tilespmem:s24+$0x800] =	vst v2  }
0x305: {  	v2 =	vld.idx.msk [tilespmem:v3+s13+$0x0], $0xffff  }
0x306: {  	v3 =	vor.u32 $0x32, v1;
	_ =	sdelay $0x3  }
0x307: {  	[tilespmem:s24+$0x880] =	vst v2  }
0x308: {  	v2 =	vld.idx.msk [tilespmem:v3+s13+$0x0], $0xffff  }
0x309: {  	v3 =	vor.u32 $0x33, v1;
	_ =	sdelay $0x3  }
0x30a: {  	[tilespmem:s24+$0x900] =	vst v2  }
0x30b: {  	v2 =	vld.idx.msk [tilespmem:v3+s13+$0x0], $0xffff  }
0x30c: {  	v3 =	vor.u32 $0x34, v1;
	_ =	sdelay $0x3  }
0x30d: {  	[tilespmem:s24+$0x980] =	vst v2  }
0x30e: {  	v2 =	vld.idx.msk [tilespmem:v3+s13+$0x0], $0xffff  }
0x30f: {  	v3 =	vor.u32 $0x35, v1;
	_ =	sdelay $0x3  }
0x310: {  	[tilespmem:s24+$0xA00] =	vst v2  }
0x311: {  	v2 =	vld.idx.msk [tilespmem:v3+s13+$0x0], $0xffff  }
0x312: {  	v3 =	vor.u32 $0x36, v1;
	_ =	sdelay $0x3  }
0x313: {  	[tilespmem:s24+$0xA80] =	vst v2  }
0x314: {  	v2 =	vld.idx.msk [tilespmem:v3+s13+$0x0], $0xffff  }
0x315: {  	v3 =	vor.u32 $0x37, v1;
	_ =	sdelay $0x3  }
0x316: {  	[tilespmem:s24+$0xB00] =	vst v2  }
0x317: {  	v2 =	vld.idx.msk [tilespmem:v3+s13+$0x0], $0xffff  }
0x318: {  	v3 =	vor.u32 $0x38, v1;
	_ =	sdelay $0x3  }
0x319: {  	[tilespmem:s24+$0xB80] =	vst v2  }
0x31a: {  	v2 =	vld.idx.msk [tilespmem:v3+s13+$0x0], $0xffff  }
0x31b: {  	v3 =	vor.u32 $0x39, v1;
	_ =	sdelay $0x3  }
0x31c: {  	[tilespmem:s24+$0xC00] =	vst v2  }
0x31d: {  	v2 =	vld.idx.msk [tilespmem:v3+s13+$0x0], $0xffff  }
0x31e: {  	v3 =	vor.u32 $0x3A, v1;
	_ =	sdelay $0x3  }
0x31f: {  	[tilespmem:s24+$0xC80] =	vst v2  }
0x320: {  	v2 =	vld.idx.msk [tilespmem:v3+s13+$0x0], $0xffff  }
0x321: {  	v3 =	vor.u32 $0x3B, v1;
	_ =	sdelay $0x3  }
0x322: {  	[tilespmem:s24+$0xD00] =	vst v2  }
0x323: {  	v2 =	vld.idx.msk [tilespmem:v3+s13+$0x0], $0xffff  }
0x324: {  	v3 =	vor.u32 $0x3C, v1;
	_ =	sdelay $0x3  }
0x325: {  	[tilespmem:s24+$0xD80] =	vst v2  }
0x326: {  	v2 =	vld.idx.msk [tilespmem:v3+s13+$0x0], $0xffff  }
0x327: {  	v3 =	vor.u32 $0x3D, v1;
	_ =	sdelay $0x3  }
0x328: {  	[tilespmem:s24+$0xE00] =	vst v2  }
0x329: {  	v2 =	vld.idx.msk [tilespmem:v3+s13+$0x0], $0xffff  }
0x32a: {  	v3 =	vor.u32 $0x3E, v1;
	_ =	sdelay $0x3  }
0x32b: {  	[tilespmem:s24+$0xE80] =	vst v2  }
0x32c: {  	v2 =	vld.idx.msk [tilespmem:v3+s13+$0x0], $0xffff  }
0x32d: {  	v3 =	vor.u32 $0x3F, v1;
	_ =	sdelay $0x3  }
0x32e: {  	s31 =	simm.s32 $0x10;
	[tilespmem:s24+$0xF00] =	vst v2  }
0x32f: {  	s25 =	simm.s32 $0x20;
	v1 =	vmov s31;
	v2 =	vld.idx.msk [tilespmem:v3+s13+$0x0], $0xffff  }
.LBB2_5:
0x330: {  	p1 =	sne.s32 s25, $0x70;
	v1 =	vshll.u32 v1, $0x6  }
0x331: {  	v1 =	vor.u32 v0, v1;
	_ =	sdelay $0x3  }
0x332: {  	[tilespmem:s24+$0xF80] =	vst v2  }
0x333: {  	v2 =	vld.idx.msk [tilespmem:v1+s13+$0x0], $0xffff;
	_ =	sdelay $0x1  }
0x334: {  	v3 =	vor.u32 $0x1, v1;
	_ =	sdelay $0x2  }
0x335: {  	s24 =	sadd.s32 $0x10, s24  }
0x336: {  	[tilespmem:s24+$0xFFFFF000] =	vst v2  }
0x337: {  	v2 =	vld.idx.msk [tilespmem:v3+s13+$0x0], $0xffff;
	_ =	sdelay $0x1  }
0x338: {  	v3 =	vor.u32 $0x2, v1;
	_ =	sdelay $0x3  }
0x339: {  	[tilespmem:s24+$0xFFFFF080] =	vst v2  }
0x33a: {  	v2 =	vld.idx.msk [tilespmem:v3+s13+$0x0], $0xffff;
	_ =	sdelay $0x1  }
0x33b: {  	v3 =	vor.u32 $0x3, v1;
	_ =	sdelay $0x3  }
0x33c: {  	[tilespmem:s24+$0xFFFFF100] =	vst v2  }
0x33d: {  	v2 =	vld.idx.msk [tilespmem:v3+s13+$0x0], $0xffff;
	_ =	sdelay $0x1  }
0x33e: {  	v3 =	vor.u32 $0x4, v1;
	_ =	sdelay $0x3  }
0x33f: {  	[tilespmem:s24+$0xFFFFF180] =	vst v2  }
0x340: {  	v2 =	vld.idx.msk [tilespmem:v3+s13+$0x0], $0xffff;
	_ =	sdelay $0x1  }
0x341: {  	v3 =	vor.u32 $0x5, v1;
	_ =	sdelay $0x3  }
0x342: {  	[tilespmem:s24+$0xFFFFF200] =	vst v2  }
0x343: {  	v2 =	vld.idx.msk [tilespmem:v3+s13+$0x0], $0xffff;
	_ =	sdelay $0x1  }
0x344: {  	v3 =	vor.u32 $0x6, v1;
	_ =	sdelay $0x3  }
0x345: {  	[tilespmem:s24+$0xFFFFF280] =	vst v2  }
0x346: {  	v2 =	vld.idx.msk [tilespmem:v3+s13+$0x0], $0xffff;
	_ =	sdelay $0x1  }
0x347: {  	v3 =	vor.u32 $0x7, v1;
	_ =	sdelay $0x3  }
0x348: {  	[tilespmem:s24+$0xFFFFF300] =	vst v2  }
0x349: {  	v2 =	vld.idx.msk [tilespmem:v3+s13+$0x0], $0xffff;
	_ =	sdelay $0x1  }
0x34a: {  	v3 =	vor.u32 $0x8, v1;
	_ =	sdelay $0x3  }
0x34b: {  	[tilespmem:s24+$0xFFFFF380] =	vst v2  }
0x34c: {  	v2 =	vld.idx.msk [tilespmem:v3+s13+$0x0], $0xffff;
	_ =	sdelay $0x1  }
0x34d: {  	v3 =	vor.u32 $0x9, v1;
	_ =	sdelay $0x3  }
0x34e: {  	[tilespmem:s24+$0xFFFFF400] =	vst v2  }
0x34f: {  	v2 =	vld.idx.msk [tilespmem:v3+s13+$0x0], $0xffff;
	_ =	sdelay $0x1  }
0x350: {  	v3 =	vor.u32 $0xA, v1;
	_ =	sdelay $0x3  }
0x351: {  	[tilespmem:s24+$0xFFFFF480] =	vst v2  }
0x352: {  	v2 =	vld.idx.msk [tilespmem:v3+s13+$0x0], $0xffff;
	_ =	sdelay $0x1  }
0x353: {  	v3 =	vor.u32 $0xB, v1;
	_ =	sdelay $0x3  }
0x354: {  	[tilespmem:s24+$0xFFFFF500] =	vst v2  }
0x355: {  	v2 =	vld.idx.msk [tilespmem:v3+s13+$0x0], $0xffff;
	_ =	sdelay $0x1  }
0x356: {  	v3 =	vor.u32 $0xC, v1;
	_ =	sdelay $0x3  }
0x357: {  	[tilespmem:s24+$0xFFFFF580] =	vst v2  }
0x358: {  	v2 =	vld.idx.msk [tilespmem:v3+s13+$0x0], $0xffff;
	_ =	sdelay $0x1  }
0x359: {  	v3 =	vor.u32 $0xD, v1;
	_ =	sdelay $0x3  }
0x35a: {  	[tilespmem:s24+$0xFFFFF600] =	vst v2  }
0x35b: {  	v2 =	vld.idx.msk [tilespmem:v3+s13+$0x0], $0xffff;
	_ =	sdelay $0x1  }
0x35c: {  	v3 =	vor.u32 $0xE, v1;
	_ =	sdelay $0x3  }
0x35d: {  	[tilespmem:s24+$0xFFFFF680] =	vst v2  }
0x35e: {  	v2 =	vld.idx.msk [tilespmem:v3+s13+$0x0], $0xffff;
	_ =	sdelay $0x1  }
0x35f: {  	v3 =	vor.u32 $0xF, v1;
	_ =	sdelay $0x3  }
0x360: {  	[tilespmem:s24+$0xFFFFF700] =	vst v2  }
0x361: {  	v2 =	vld.idx.msk [tilespmem:v3+s13+$0x0], $0xffff;
	_ =	sdelay $0x1  }
0x362: {  	v3 =	vor.u32 $0x10, v1;
	_ =	sdelay $0x3  }
0x363: {  	[tilespmem:s24+$0xFFFFF780] =	vst v2  }
0x364: {  	v2 =	vld.idx.msk [tilespmem:v3+s13+$0x0], $0xffff;
	_ =	sdelay $0x1  }
0x365: {  	v3 =	vor.u32 $0x11, v1;
	_ =	sdelay $0x3  }
0x366: {  	[tilespmem:s24+$0xFFFFF800] =	vst v2  }
0x367: {  	v2 =	vld.idx.msk [tilespmem:v3+s13+$0x0], $0xffff;
	_ =	sdelay $0x1  }
0x368: {  	v3 =	vor.u32 $0x12, v1;
	_ =	sdelay $0x3  }
0x369: {  	[tilespmem:s24+$0xFFFFF880] =	vst v2  }
0x36a: {  	v2 =	vld.idx.msk [tilespmem:v3+s13+$0x0], $0xffff;
	_ =	sdelay $0x1  }
0x36b: {  	v3 =	vor.u32 $0x13, v1;
	_ =	sdelay $0x3  }
0x36c: {  	[tilespmem:s24+$0xFFFFF900] =	vst v2  }
0x36d: {  	v2 =	vld.idx.msk [tilespmem:v3+s13+$0x0], $0xffff;
	_ =	sdelay $0x1  }
0x36e: {  	v3 =	vor.u32 $0x14, v1;
	_ =	sdelay $0x3  }
0x36f: {  	[tilespmem:s24+$0xFFFFF980] =	vst v2  }
0x370: {  	v2 =	vld.idx.msk [tilespmem:v3+s13+$0x0], $0xffff;
	_ =	sdelay $0x1  }
0x371: {  	v3 =	vor.u32 $0x15, v1;
	_ =	sdelay $0x3  }
0x372: {  	[tilespmem:s24+$0xFFFFFA00] =	vst v2  }
0x373: {  	v2 =	vld.idx.msk [tilespmem:v3+s13+$0x0], $0xffff;
	_ =	sdelay $0x1  }
0x374: {  	v3 =	vor.u32 $0x16, v1;
	_ =	sdelay $0x3  }
0x375: {  	[tilespmem:s24+$0xFFFFFA80] =	vst v2  }
0x376: {  	v2 =	vld.idx.msk [tilespmem:v3+s13+$0x0], $0xffff;
	_ =	sdelay $0x1  }
0x377: {  	v3 =	vor.u32 $0x17, v1;
	_ =	sdelay $0x3  }
0x378: {  	[tilespmem:s24+$0xFFFFFB00] =	vst v2  }
0x379: {  	v2 =	vld.idx.msk [tilespmem:v3+s13+$0x0], $0xffff;
	_ =	sdelay $0x1  }
0x37a: {  	v3 =	vor.u32 $0x18, v1;
	_ =	sdelay $0x3  }
0x37b: {  	[tilespmem:s24+$0xFFFFFB80] =	vst v2  }
0x37c: {  	v2 =	vld.idx.msk [tilespmem:v3+s13+$0x0], $0xffff;
	_ =	sdelay $0x1  }
0x37d: {  	v3 =	vor.u32 $0x19, v1;
	_ =	sdelay $0x3  }
0x37e: {  	[tilespmem:s24+$0xFFFFFC00] =	vst v2  }
0x37f: {  	v2 =	vld.idx.msk [tilespmem:v3+s13+$0x0], $0xffff;
	_ =	sdelay $0x1  }
0x380: {  	v3 =	vor.u32 $0x1A, v1;
	_ =	sdelay $0x3  }
0x381: {  	[tilespmem:s24+$0xFFFFFC80] =	vst v2  }
0x382: {  	v2 =	vld.idx.msk [tilespmem:v3+s13+$0x0], $0xffff;
	_ =	sdelay $0x1  }
0x383: {  	v3 =	vor.u32 $0x1B, v1;
	_ =	sdelay $0x3  }
0x384: {  	[tilespmem:s24+$0xFFFFFD00] =	vst v2  }
0x385: {  	v2 =	vld.idx.msk [tilespmem:v3+s13+$0x0], $0xffff;
	_ =	sdelay $0x1  }
0x386: {  	v3 =	vor.u32 $0x1C, v1;
	_ =	sdelay $0x3  }
0x387: {  	[tilespmem:s24+$0xFFFFFD80] =	vst v2  }
0x388: {  	v2 =	vld.idx.msk [tilespmem:v3+s13+$0x0], $0xffff;
	_ =	sdelay $0x1  }
0x389: {  	v3 =	vor.u32 $0x1D, v1;
	_ =	sdelay $0x3  }
0x38a: {  	[tilespmem:s24+$0xFFFFFE00] =	vst v2  }
0x38b: {  	v2 =	vld.idx.msk [tilespmem:v3+s13+$0x0], $0xffff;
	_ =	sdelay $0x1  }
0x38c: {  	v3 =	vor.u32 $0x1E, v1;
	_ =	sdelay $0x3  }
0x38d: {  	[tilespmem:s24+$0xFFFFFE80] =	vst v2  }
0x38e: {  	v2 =	vld.idx.msk [tilespmem:v3+s13+$0x0], $0xffff;
	_ =	sdelay $0x1  }
0x38f: {  	v3 =	vor.u32 $0x1F, v1;
	_ =	sdelay $0x3  }
0x390: {  	[tilespmem:s24+$0xFFFFFF00] =	vst v2  }
0x391: {  	v2 =	vld.idx.msk [tilespmem:v3+s13+$0x0], $0xffff;
	_ =	sdelay $0x1  }
0x392: {  	v3 =	vor.u32 $0x20, v1;
	_ =	sdelay $0x3  }
0x393: {  	[tilespmem:s24+$0xFFFFFF80] =	vst v2  }
0x394: {  	v2 =	vld.idx.msk [tilespmem:v3+s13+$0x0], $0xffff;
	_ =	sdelay $0x1  }
0x395: {  	v3 =	vor.u32 $0x21, v1;
	_ =	sdelay $0x3  }
0x396: {  	[tilespmem:s24+$0x0] =	vst v2  }
0x397: {  	v2 =	vld.idx.msk [tilespmem:v3+s13+$0x0], $0xffff;
	_ =	sdelay $0x1  }
0x398: {  	v3 =	vor.u32 $0x22, v1;
	_ =	sdelay $0x3  }
0x399: {  	[tilespmem:s24+$0x80] =	vst v2  }
0x39a: {  	v2 =	vld.idx.msk [tilespmem:v3+s13+$0x0], $0xffff;
	_ =	sdelay $0x1  }
0x39b: {  	v3 =	vor.u32 $0x23, v1;
	_ =	sdelay $0x3  }
0x39c: {  	[tilespmem:s24+$0x100] =	vst v2  }
0x39d: {  	v2 =	vld.idx.msk [tilespmem:v3+s13+$0x0], $0xffff;
	_ =	sdelay $0x1  }
0x39e: {  	v3 =	vor.u32 $0x24, v1;
	_ =	sdelay $0x3  }
0x39f: {  	[tilespmem:s24+$0x180] =	vst v2  }
0x3a0: {  	v2 =	vld.idx.msk [tilespmem:v3+s13+$0x0], $0xffff;
	_ =	sdelay $0x1  }
0x3a1: {  	v3 =	vor.u32 $0x25, v1;
	_ =	sdelay $0x3  }
0x3a2: {  	[tilespmem:s24+$0x200] =	vst v2  }
0x3a3: {  	v2 =	vld.idx.msk [tilespmem:v3+s13+$0x0], $0xffff;
	_ =	sdelay $0x1  }
0x3a4: {  	v3 =	vor.u32 $0x26, v1;
	_ =	sdelay $0x3  }
0x3a5: {  	[tilespmem:s24+$0x280] =	vst v2  }
0x3a6: {  	v2 =	vld.idx.msk [tilespmem:v3+s13+$0x0], $0xffff;
	_ =	sdelay $0x1  }
0x3a7: {  	v3 =	vor.u32 $0x27, v1;
	_ =	sdelay $0x3  }
0x3a8: {  	[tilespmem:s24+$0x300] =	vst v2  }
0x3a9: {  	v2 =	vld.idx.msk [tilespmem:v3+s13+$0x0], $0xffff;
	_ =	sdelay $0x1  }
0x3aa: {  	v3 =	vor.u32 $0x28, v1;
	_ =	sdelay $0x3  }
0x3ab: {  	[tilespmem:s24+$0x380] =	vst v2  }
0x3ac: {  	v2 =	vld.idx.msk [tilespmem:v3+s13+$0x0], $0xffff;
	_ =	sdelay $0x1  }
0x3ad: {  	v3 =	vor.u32 $0x29, v1;
	_ =	sdelay $0x3  }
0x3ae: {  	[tilespmem:s24+$0x400] =	vst v2  }
0x3af: {  	v2 =	vld.idx.msk [tilespmem:v3+s13+$0x0], $0xffff;
	_ =	sdelay $0x1  }
0x3b0: {  	v3 =	vor.u32 $0x2A, v1;
	_ =	sdelay $0x3  }
0x3b1: {  	[tilespmem:s24+$0x480] =	vst v2  }
0x3b2: {  	v2 =	vld.idx.msk [tilespmem:v3+s13+$0x0], $0xffff;
	_ =	sdelay $0x1  }
0x3b3: {  	v3 =	vor.u32 $0x2B, v1;
	_ =	sdelay $0x3  }
0x3b4: {  	[tilespmem:s24+$0x500] =	vst v2  }
0x3b5: {  	v2 =	vld.idx.msk [tilespmem:v3+s13+$0x0], $0xffff;
	_ =	sdelay $0x1  }
0x3b6: {  	v3 =	vor.u32 $0x2C, v1;
	_ =	sdelay $0x3  }
0x3b7: {  	[tilespmem:s24+$0x580] =	vst v2  }
0x3b8: {  	v2 =	vld.idx.msk [tilespmem:v3+s13+$0x0], $0xffff;
	_ =	sdelay $0x1  }
0x3b9: {  	v3 =	vor.u32 $0x2D, v1;
	_ =	sdelay $0x3  }
0x3ba: {  	[tilespmem:s24+$0x600] =	vst v2  }
0x3bb: {  	v2 =	vld.idx.msk [tilespmem:v3+s13+$0x0], $0xffff;
	_ =	sdelay $0x1  }
0x3bc: {  	v3 =	vor.u32 $0x2E, v1;
	_ =	sdelay $0x3  }
0x3bd: {  	[tilespmem:s24+$0x680] =	vst v2  }
0x3be: {  	v2 =	vld.idx.msk [tilespmem:v3+s13+$0x0], $0xffff;
	_ =	sdelay $0x1  }
0x3bf: {  	v3 =	vor.u32 $0x2F, v1;
	_ =	sdelay $0x3  }
0x3c0: {  	[tilespmem:s24+$0x700] =	vst v2  }
0x3c1: {  	v2 =	vld.idx.msk [tilespmem:v3+s13+$0x0], $0xffff;
	_ =	sdelay $0x1  }
0x3c2: {  	v3 =	vor.u32 $0x30, v1;
	_ =	sdelay $0x3  }
0x3c3: {  	[tilespmem:s24+$0x780] =	vst v2  }
0x3c4: {  	v2 =	vld.idx.msk [tilespmem:v3+s13+$0x0], $0xffff;
	_ =	sdelay $0x1  }
0x3c5: {  	v3 =	vor.u32 $0x31, v1;
	_ =	sdelay $0x3  }
0x3c6: {  	[tilespmem:s24+$0x800] =	vst v2  }
0x3c7: {  	v2 =	vld.idx.msk [tilespmem:v3+s13+$0x0], $0xffff;
	_ =	sdelay $0x1  }
0x3c8: {  	v3 =	vor.u32 $0x32, v1;
	_ =	sdelay $0x3  }
0x3c9: {  	[tilespmem:s24+$0x880] =	vst v2  }
0x3ca: {  	v2 =	vld.idx.msk [tilespmem:v3+s13+$0x0], $0xffff;
	_ =	sdelay $0x1  }
0x3cb: {  	v3 =	vor.u32 $0x33, v1;
	_ =	sdelay $0x3  }
0x3cc: {  	[tilespmem:s24+$0x900] =	vst v2  }
0x3cd: {  	v2 =	vld.idx.msk [tilespmem:v3+s13+$0x0], $0xffff;
	_ =	sdelay $0x1  }
0x3ce: {  	v3 =	vor.u32 $0x34, v1;
	_ =	sdelay $0x3  }
0x3cf: {  	[tilespmem:s24+$0x980] =	vst v2  }
0x3d0: {  	v2 =	vld.idx.msk [tilespmem:v3+s13+$0x0], $0xffff;
	_ =	sdelay $0x1  }
0x3d1: {  	v3 =	vor.u32 $0x35, v1;
	_ =	sdelay $0x3  }
0x3d2: {  	[tilespmem:s24+$0xA00] =	vst v2  }
0x3d3: {  	v2 =	vld.idx.msk [tilespmem:v3+s13+$0x0], $0xffff;
	_ =	sdelay $0x1  }
0x3d4: {  	v3 =	vor.u32 $0x36, v1;
	_ =	sdelay $0x3  }
0x3d5: {  	[tilespmem:s24+$0xA80] =	vst v2  }
0x3d6: {  	v2 =	vld.idx.msk [tilespmem:v3+s13+$0x0], $0xffff;
	_ =	sdelay $0x1  }
0x3d7: {  	v3 =	vor.u32 $0x37, v1;
	_ =	sdelay $0x3  }
0x3d8: {  	[tilespmem:s24+$0xB00] =	vst v2  }
0x3d9: {  	v2 =	vld.idx.msk [tilespmem:v3+s13+$0x0], $0xffff;
	_ =	sdelay $0x1  }
0x3da: {  	v3 =	vor.u32 $0x38, v1;
	_ =	sdelay $0x3  }
0x3db: {  	[tilespmem:s24+$0xB80] =	vst v2  }
0x3dc: {  	v2 =	vld.idx.msk [tilespmem:v3+s13+$0x0], $0xffff;
	_ =	sdelay $0x1  }
0x3dd: {  	v3 =	vor.u32 $0x39, v1;
	_ =	sdelay $0x3  }
0x3de: {  	[tilespmem:s24+$0xC00] =	vst v2  }
0x3df: {  	v2 =	vld.idx.msk [tilespmem:v3+s13+$0x0], $0xffff;
	_ =	sdelay $0x1  }
0x3e0: {  	v3 =	vor.u32 $0x3A, v1;
	_ =	sdelay $0x3  }
0x3e1: {  	[tilespmem:s24+$0xC80] =	vst v2  }
0x3e2: {  	v2 =	vld.idx.msk [tilespmem:v3+s13+$0x0], $0xffff;
	_ =	sdelay $0x1  }
0x3e3: {  	v3 =	vor.u32 $0x3B, v1;
	_ =	sdelay $0x3  }
0x3e4: {  	[tilespmem:s24+$0xD00] =	vst v2  }
0x3e5: {  	v2 =	vld.idx.msk [tilespmem:v3+s13+$0x0], $0xffff;
	_ =	sdelay $0x1  }
0x3e6: {  	v3 =	vor.u32 $0x3C, v1;
	_ =	sdelay $0x3  }
0x3e7: {  	[tilespmem:s24+$0xD80] =	vst v2  }
0x3e8: {  	v2 =	vld.idx.msk [tilespmem:v3+s13+$0x0], $0xffff;
	_ =	sdelay $0x1  }
0x3e9: {  	v3 =	vor.u32 $0x3D, v1;
	_ =	sdelay $0x3  }
0x3ea: {  	[tilespmem:s24+$0xE00] =	vst v2  }
0x3eb: {  	v2 =	vld.idx.msk [tilespmem:v3+s13+$0x0], $0xffff;
	_ =	sdelay $0x1  }
0x3ec: {  	v3 =	vor.u32 $0x3E, v1;
	_ =	sdelay $0x3  }
0x3ed: {  	[tilespmem:s24+$0xE80] =	vst v2  }
0x3ee: {  	v2 =	vld.idx.msk [tilespmem:v3+s13+$0x0], $0xffff;
	_ =	sdelay $0x1  }
0x3ef: {  	v3 =	vor.u32 $0x3F, v1  }
.Ltmp3:
0x3f0: {  	(pc) =	sbr.rel @p1 .LBB2_5-.Ltmp3, $3  }
0x3f1: {  	_ =	sdelay $0x1  }
0x3f2: {  	[tilespmem:s24+$0xF00] =	vst v2  }
0x3f3: {  	v1 =	vmov s25;
	s25 =	sadd.s32 $0x10, s25;
	v2 =	vld.idx.msk [tilespmem:v3+s13+$0x0], $0xffff  }
0x3f4: {  	v1 =	vshll.u32 v1, $0x6  }
0x3f5: {  	v1 =	vor.u32 v0, v1;
	_ =	sdelay $0x3  }
0x3f6: {  	[tilespmem:s24+$0xF80] =	vst v2  }
0x3f7: {  	v2 =	vld.idx.msk [tilespmem:v1+s13+$0x0], $0xffff  }
0x3f8: {  	v3 =	vor.u32 $0x1, v1;
	_ =	sdelay $0x2  }
0x3f9: {  	s31 =	sadd.s32 $0x10, s24  }
0x3fa: {  	[tilespmem:s31+$0xFFFFF000] =	vst v2  }
0x3fb: {  	v2 =	vld.idx.msk [tilespmem:v3+s13+$0x0], $0xffff  }
0x3fc: {  	v3 =	vor.u32 $0x2, v1;
	_ =	sdelay $0x3  }
0x3fd: {  	[tilespmem:s31+$0xFFFFF080] =	vst v2  }
0x3fe: {  	v2 =	vld.idx.msk [tilespmem:v3+s13+$0x0], $0xffff  }
0x3ff: {  	v3 =	vor.u32 $0x3, v1;
	_ =	sdelay $0x3  }
0x400: {  	[tilespmem:s31+$0xFFFFF100] =	vst v2  }
0x401: {  	v2 =	vld.idx.msk [tilespmem:v3+s13+$0x0], $0xffff  }
0x402: {  	v3 =	vor.u32 $0x4, v1;
	_ =	sdelay $0x3  }
0x403: {  	[tilespmem:s31+$0xFFFFF180] =	vst v2  }
0x404: {  	v2 =	vld.idx.msk [tilespmem:v3+s13+$0x0], $0xffff  }
0x405: {  	v3 =	vor.u32 $0x5, v1;
	_ =	sdelay $0x3  }
0x406: {  	[tilespmem:s31+$0xFFFFF200] =	vst v2  }
0x407: {  	v2 =	vld.idx.msk [tilespmem:v3+s13+$0x0], $0xffff  }
0x408: {  	v3 =	vor.u32 $0x6, v1;
	_ =	sdelay $0x3  }
0x409: {  	[tilespmem:s31+$0xFFFFF280] =	vst v2  }
0x40a: {  	v2 =	vld.idx.msk [tilespmem:v3+s13+$0x0], $0xffff  }
0x40b: {  	v3 =	vor.u32 $0x7, v1;
	_ =	sdelay $0x3  }
0x40c: {  	[tilespmem:s31+$0xFFFFF300] =	vst v2  }
0x40d: {  	v2 =	vld.idx.msk [tilespmem:v3+s13+$0x0], $0xffff  }
0x40e: {  	v3 =	vor.u32 $0x8, v1;
	_ =	sdelay $0x3  }
0x40f: {  	[tilespmem:s31+$0xFFFFF380] =	vst v2  }
0x410: {  	v2 =	vld.idx.msk [tilespmem:v3+s13+$0x0], $0xffff  }
0x411: {  	v3 =	vor.u32 $0x9, v1;
	_ =	sdelay $0x3  }
0x412: {  	[tilespmem:s31+$0xFFFFF400] =	vst v2  }
0x413: {  	v2 =	vld.idx.msk [tilespmem:v3+s13+$0x0], $0xffff  }
0x414: {  	v3 =	vor.u32 $0xA, v1;
	_ =	sdelay $0x3  }
0x415: {  	[tilespmem:s31+$0xFFFFF480] =	vst v2  }
0x416: {  	v2 =	vld.idx.msk [tilespmem:v3+s13+$0x0], $0xffff  }
0x417: {  	v3 =	vor.u32 $0xB, v1;
	_ =	sdelay $0x3  }
0x418: {  	[tilespmem:s31+$0xFFFFF500] =	vst v2  }
0x419: {  	v2 =	vld.idx.msk [tilespmem:v3+s13+$0x0], $0xffff  }
0x41a: {  	v3 =	vor.u32 $0xC, v1;
	_ =	sdelay $0x3  }
0x41b: {  	[tilespmem:s31+$0xFFFFF580] =	vst v2  }
0x41c: {  	v2 =	vld.idx.msk [tilespmem:v3+s13+$0x0], $0xffff  }
0x41d: {  	v3 =	vor.u32 $0xD, v1;
	_ =	sdelay $0x3  }
0x41e: {  	[tilespmem:s31+$0xFFFFF600] =	vst v2  }
0x41f: {  	v2 =	vld.idx.msk [tilespmem:v3+s13+$0x0], $0xffff  }
0x420: {  	v3 =	vor.u32 $0xE, v1;
	_ =	sdelay $0x3  }
0x421: {  	[tilespmem:s31+$0xFFFFF680] =	vst v2  }
0x422: {  	v2 =	vld.idx.msk [tilespmem:v3+s13+$0x0], $0xffff  }
0x423: {  	v3 =	vor.u32 $0xF, v1;
	_ =	sdelay $0x3  }
0x424: {  	[tilespmem:s31+$0xFFFFF700] =	vst v2  }
0x425: {  	v2 =	vld.idx.msk [tilespmem:v3+s13+$0x0], $0xffff  }
0x426: {  	v3 =	vor.u32 $0x10, v1;
	_ =	sdelay $0x3  }
0x427: {  	[tilespmem:s31+$0xFFFFF780] =	vst v2  }
0x428: {  	v2 =	vld.idx.msk [tilespmem:v3+s13+$0x0], $0xffff  }
0x429: {  	v3 =	vor.u32 $0x11, v1;
	_ =	sdelay $0x3  }
0x42a: {  	[tilespmem:s31+$0xFFFFF800] =	vst v2  }
0x42b: {  	v2 =	vld.idx.msk [tilespmem:v3+s13+$0x0], $0xffff  }
0x42c: {  	v3 =	vor.u32 $0x12, v1;
	_ =	sdelay $0x3  }
0x42d: {  	[tilespmem:s31+$0xFFFFF880] =	vst v2  }
0x42e: {  	v2 =	vld.idx.msk [tilespmem:v3+s13+$0x0], $0xffff  }
0x42f: {  	v3 =	vor.u32 $0x13, v1;
	_ =	sdelay $0x3  }
0x430: {  	[tilespmem:s31+$0xFFFFF900] =	vst v2  }
0x431: {  	v2 =	vld.idx.msk [tilespmem:v3+s13+$0x0], $0xffff  }
0x432: {  	v3 =	vor.u32 $0x14, v1;
	_ =	sdelay $0x3  }
0x433: {  	[tilespmem:s31+$0xFFFFF980] =	vst v2  }
0x434: {  	v2 =	vld.idx.msk [tilespmem:v3+s13+$0x0], $0xffff  }
0x435: {  	v3 =	vor.u32 $0x15, v1;
	_ =	sdelay $0x3  }
0x436: {  	[tilespmem:s31+$0xFFFFFA00] =	vst v2  }
0x437: {  	v2 =	vld.idx.msk [tilespmem:v3+s13+$0x0], $0xffff  }
0x438: {  	v3 =	vor.u32 $0x16, v1;
	_ =	sdelay $0x3  }
0x439: {  	[tilespmem:s31+$0xFFFFFA80] =	vst v2  }
0x43a: {  	v2 =	vld.idx.msk [tilespmem:v3+s13+$0x0], $0xffff  }
0x43b: {  	v3 =	vor.u32 $0x17, v1;
	_ =	sdelay $0x3  }
0x43c: {  	[tilespmem:s31+$0xFFFFFB00] =	vst v2  }
0x43d: {  	v2 =	vld.idx.msk [tilespmem:v3+s13+$0x0], $0xffff  }
0x43e: {  	v3 =	vor.u32 $0x18, v1;
	_ =	sdelay $0x3  }
0x43f: {  	[tilespmem:s31+$0xFFFFFB80] =	vst v2  }
0x440: {  	v2 =	vld.idx.msk [tilespmem:v3+s13+$0x0], $0xffff  }
0x441: {  	v3 =	vor.u32 $0x19, v1;
	_ =	sdelay $0x3  }
0x442: {  	[tilespmem:s31+$0xFFFFFC00] =	vst v2  }
0x443: {  	v2 =	vld.idx.msk [tilespmem:v3+s13+$0x0], $0xffff  }
0x444: {  	v3 =	vor.u32 $0x1A, v1;
	_ =	sdelay $0x3  }
0x445: {  	[tilespmem:s31+$0xFFFFFC80] =	vst v2  }
0x446: {  	v2 =	vld.idx.msk [tilespmem:v3+s13+$0x0], $0xffff  }
0x447: {  	v3 =	vor.u32 $0x1B, v1;
	_ =	sdelay $0x3  }
0x448: {  	[tilespmem:s31+$0xFFFFFD00] =	vst v2  }
0x449: {  	v2 =	vld.idx.msk [tilespmem:v3+s13+$0x0], $0xffff  }
0x44a: {  	v3 =	vor.u32 $0x1C, v1;
	_ =	sdelay $0x3  }
0x44b: {  	[tilespmem:s31+$0xFFFFFD80] =	vst v2  }
0x44c: {  	v2 =	vld.idx.msk [tilespmem:v3+s13+$0x0], $0xffff  }
0x44d: {  	v3 =	vor.u32 $0x1D, v1;
	_ =	sdelay $0x3  }
0x44e: {  	[tilespmem:s31+$0xFFFFFE00] =	vst v2  }
0x44f: {  	v2 =	vld.idx.msk [tilespmem:v3+s13+$0x0], $0xffff  }
0x450: {  	v3 =	vor.u32 $0x1E, v1;
	_ =	sdelay $0x3  }
0x451: {  	[tilespmem:s31+$0xFFFFFE80] =	vst v2  }
0x452: {  	v2 =	vld.idx.msk [tilespmem:v3+s13+$0x0], $0xffff  }
0x453: {  	v3 =	vor.u32 $0x1F, v1;
	_ =	sdelay $0x3  }
0x454: {  	[tilespmem:s31+$0xFFFFFF00] =	vst v2  }
0x455: {  	v2 =	vld.idx.msk [tilespmem:v3+s13+$0x0], $0xffff  }
0x456: {  	v3 =	vor.u32 $0x20, v1;
	_ =	sdelay $0x3  }
0x457: {  	[tilespmem:s31+$0xFFFFFF80] =	vst v2  }
0x458: {  	v2 =	vld.idx.msk [tilespmem:v3+s13+$0x0], $0xffff  }
0x459: {  	v3 =	vor.u32 $0x21, v1;
	_ =	sdelay $0x3  }
0x45a: {  	[tilespmem:s31+$0x0] =	vst v2  }
0x45b: {  	v2 =	vld.idx.msk [tilespmem:v3+s13+$0x0], $0xffff  }
0x45c: {  	v3 =	vor.u32 $0x22, v1;
	_ =	sdelay $0x3  }
0x45d: {  	[tilespmem:s31+$0x80] =	vst v2  }
0x45e: {  	v2 =	vld.idx.msk [tilespmem:v3+s13+$0x0], $0xffff  }
0x45f: {  	v3 =	vor.u32 $0x23, v1;
	_ =	sdelay $0x3  }
0x460: {  	[tilespmem:s31+$0x100] =	vst v2  }
0x461: {  	v2 =	vld.idx.msk [tilespmem:v3+s13+$0x0], $0xffff  }
0x462: {  	v3 =	vor.u32 $0x24, v1;
	_ =	sdelay $0x3  }
0x463: {  	[tilespmem:s31+$0x180] =	vst v2  }
0x464: {  	v2 =	vld.idx.msk [tilespmem:v3+s13+$0x0], $0xffff  }
0x465: {  	v3 =	vor.u32 $0x25, v1;
	_ =	sdelay $0x3  }
0x466: {  	[tilespmem:s31+$0x200] =	vst v2  }
0x467: {  	v2 =	vld.idx.msk [tilespmem:v3+s13+$0x0], $0xffff  }
0x468: {  	v3 =	vor.u32 $0x26, v1;
	_ =	sdelay $0x3  }
0x469: {  	[tilespmem:s31+$0x280] =	vst v2  }
0x46a: {  	v2 =	vld.idx.msk [tilespmem:v3+s13+$0x0], $0xffff  }
0x46b: {  	v3 =	vor.u32 $0x27, v1;
	_ =	sdelay $0x3  }
0x46c: {  	[tilespmem:s31+$0x300] =	vst v2  }
0x46d: {  	v2 =	vld.idx.msk [tilespmem:v3+s13+$0x0], $0xffff  }
0x46e: {  	v3 =	vor.u32 $0x28, v1;
	_ =	sdelay $0x3  }
0x46f: {  	[tilespmem:s31+$0x380] =	vst v2  }
0x470: {  	v2 =	vld.idx.msk [tilespmem:v3+s13+$0x0], $0xffff  }
0x471: {  	v3 =	vor.u32 $0x29, v1;
	_ =	sdelay $0x3  }
0x472: {  	[tilespmem:s31+$0x400] =	vst v2  }
0x473: {  	v2 =	vld.idx.msk [tilespmem:v3+s13+$0x0], $0xffff  }
0x474: {  	v3 =	vor.u32 $0x2A, v1;
	_ =	sdelay $0x3  }
0x475: {  	[tilespmem:s31+$0x480] =	vst v2  }
0x476: {  	v2 =	vld.idx.msk [tilespmem:v3+s13+$0x0], $0xffff  }
0x477: {  	v3 =	vor.u32 $0x2B, v1;
	_ =	sdelay $0x3  }
0x478: {  	[tilespmem:s31+$0x500] =	vst v2  }
0x479: {  	v2 =	vld.idx.msk [tilespmem:v3+s13+$0x0], $0xffff  }
0x47a: {  	v3 =	vor.u32 $0x2C, v1;
	_ =	sdelay $0x3  }
0x47b: {  	[tilespmem:s31+$0x580] =	vst v2  }
0x47c: {  	v2 =	vld.idx.msk [tilespmem:v3+s13+$0x0], $0xffff  }
0x47d: {  	v3 =	vor.u32 $0x2D, v1;
	_ =	sdelay $0x3  }
0x47e: {  	[tilespmem:s31+$0x600] =	vst v2  }
0x47f: {  	v2 =	vld.idx.msk [tilespmem:v3+s13+$0x0], $0xffff  }
0x480: {  	v3 =	vor.u32 $0x2E, v1;
	_ =	sdelay $0x3  }
0x481: {  	[tilespmem:s31+$0x680] =	vst v2  }
0x482: {  	v2 =	vld.idx.msk [tilespmem:v3+s13+$0x0], $0xffff  }
0x483: {  	v3 =	vor.u32 $0x2F, v1;
	_ =	sdelay $0x3  }
0x484: {  	[tilespmem:s31+$0x700] =	vst v2  }
0x485: {  	v2 =	vld.idx.msk [tilespmem:v3+s13+$0x0], $0xffff  }
0x486: {  	v3 =	vor.u32 $0x30, v1;
	_ =	sdelay $0x3  }
0x487: {  	[tilespmem:s31+$0x780] =	vst v2  }
0x488: {  	v2 =	vld.idx.msk [tilespmem:v3+s13+$0x0], $0xffff  }
0x489: {  	v3 =	vor.u32 $0x31, v1;
	_ =	sdelay $0x3  }
0x48a: {  	[tilespmem:s31+$0x800] =	vst v2  }
0x48b: {  	v2 =	vld.idx.msk [tilespmem:v3+s13+$0x0], $0xffff  }
0x48c: {  	v3 =	vor.u32 $0x32, v1;
	_ =	sdelay $0x3  }
0x48d: {  	[tilespmem:s31+$0x880] =	vst v2  }
0x48e: {  	v2 =	vld.idx.msk [tilespmem:v3+s13+$0x0], $0xffff  }
0x48f: {  	v3 =	vor.u32 $0x33, v1;
	_ =	sdelay $0x3  }
0x490: {  	[tilespmem:s31+$0x900] =	vst v2  }
0x491: {  	v2 =	vld.idx.msk [tilespmem:v3+s13+$0x0], $0xffff  }
0x492: {  	v3 =	vor.u32 $0x34, v1;
	_ =	sdelay $0x3  }
0x493: {  	[tilespmem:s31+$0x980] =	vst v2  }
0x494: {  	v2 =	vld.idx.msk [tilespmem:v3+s13+$0x0], $0xffff  }
0x495: {  	v3 =	vor.u32 $0x35, v1;
	_ =	sdelay $0x3  }
0x496: {  	[tilespmem:s31+$0xA00] =	vst v2  }
0x497: {  	v2 =	vld.idx.msk [tilespmem:v3+s13+$0x0], $0xffff  }
0x498: {  	v3 =	vor.u32 $0x36, v1;
	_ =	sdelay $0x3  }
0x499: {  	[tilespmem:s31+$0xA80] =	vst v2  }
0x49a: {  	v2 =	vld.idx.msk [tilespmem:v3+s13+$0x0], $0xffff  }
0x49b: {  	v3 =	vor.u32 $0x37, v1;
	_ =	sdelay $0x3  }
0x49c: {  	[tilespmem:s31+$0xB00] =	vst v2  }
0x49d: {  	v2 =	vld.idx.msk [tilespmem:v3+s13+$0x0], $0xffff  }
0x49e: {  	v3 =	vor.u32 $0x38, v1;
	_ =	sdelay $0x3  }
0x49f: {  	[tilespmem:s31+$0xB80] =	vst v2  }
0x4a0: {  	v2 =	vld.idx.msk [tilespmem:v3+s13+$0x0], $0xffff  }
0x4a1: {  	v3 =	vor.u32 $0x39, v1;
	_ =	sdelay $0x3  }
0x4a2: {  	[tilespmem:s31+$0xC00] =	vst v2  }
0x4a3: {  	v2 =	vld.idx.msk [tilespmem:v3+s13+$0x0], $0xffff  }
0x4a4: {  	v3 =	vor.u32 $0x3A, v1;
	_ =	sdelay $0x3  }
0x4a5: {  	[tilespmem:s31+$0xC80] =	vst v2  }
0x4a6: {  	v2 =	vld.idx.msk [tilespmem:v3+s13+$0x0], $0xffff  }
0x4a7: {  	v3 =	vor.u32 $0x3B, v1;
	_ =	sdelay $0x3  }
0x4a8: {  	[tilespmem:s31+$0xD00] =	vst v2  }
0x4a9: {  	v2 =	vld.idx.msk [tilespmem:v3+s13+$0x0], $0xffff  }
0x4aa: {  	v3 =	vor.u32 $0x3C, v1;
	_ =	sdelay $0x3  }
0x4ab: {  	[tilespmem:s31+$0xD80] =	vst v2  }
0x4ac: {  	v2 =	vld.idx.msk [tilespmem:v3+s13+$0x0], $0xffff  }
0x4ad: {  	v3 =	vor.u32 $0x3D, v1;
	_ =	sdelay $0x3  }
0x4ae: {  	[tilespmem:s31+$0xE00] =	vst v2  }
0x4af: {  	v2 =	vld.idx.msk [tilespmem:v3+s13+$0x0], $0xffff  }
0x4b0: {  	v3 =	vor.u32 $0x3E, v1;
	_ =	sdelay $0x3  }
0x4b1: {  	[tilespmem:s31+$0xE80] =	vst v2  }
0x4b2: {  	v2 =	vld.idx.msk [tilespmem:v3+s13+$0x0], $0xffff  }
0x4b3: {  	v1 =	vor.u32 $0x3F, v1;
	_ =	sdelay $0x3  }
0x4b4: {  	[tilespmem:s31+$0xF00] =	vst v2  }
0x4b5: {  	v1 =	vld.idx.msk [tilespmem:v1+s13+$0x0], $0xffff;
	_ =	sdelay $0x4  }
.Ltmp4:
0x4b6: {  	s23 =	sadd.s32 s23, s7;
	[tilespmem:s31+$0xF80] =	vst v1;
	(pc) =	sbr.rel @p0 .LBB2_8-.Ltmp4, $4  }
0x4b7: {  	[hbm4b:s23+s9] =	stream.strided.scatter [tilespmem:s18], [sflag:$0x4], $0x2000, s10, s9, $0x38;
	[tilespmem:$0xE400] =	vst v63  }
0x4b8: {  	_ =	swait.ge [sflag:s19], $0x2000  }
0x4b9: {  	[sflag:s19] =	ssyncset.done $0x0  }
0x4ba: {  	[sflag:s19] =	ssyncadd.s32 $0xFFFFE000  }
.Ltmp5:
0x4bb: {  	(pc) =	sbr.rel .LBB2_2-.Ltmp5, $4  }
0x4bc: {  	_ = 	snop  }
0x4bd: {  	s22 =	sshrl.u32 s22, $0x2  }
0x4be: {  	s21 =	sadd.s32 $0x1, s21;
	s22 =	sadd.s32 $0x180, s22  }
0x4bf: {  	[tilespmem:s13], [sflag:$0x2] =	stream.indirect.gather [hbm4b:s3+s9], $0x40, s22, s9, $0xb8;
	[tilespmem:$0xE400] =	vst v63  }
.LBB2_9:
0x4c0: {  	_ =	sfence.sel $0x180000  }
0x4c1: {  	[bflag:$0x0] =	sbarrier.arrive $0xFFFF  }
0x4c2: {  	p0 =	sne.s32 s1, $0x0;
	_ =	strace $0x90000047  }
0x4c3: {  	s0 =	sadd.s32 @!p0 $0x100000, s0;
	[bflag:$0x2] =	sbarrier.arrive $0xFFFF  }
0x4c4: {  	[sflag:s0] =	ssyncadd.tile.s32 @!p0 $0x1;
	_ =	shalt  }
.Lfunc_end2:
_tile_overlayer_lowered:
.L_overlay_start_2:
0x4c5: {  	(tag) =	ssettag $0x2  }
0x4c6: {  	s0 =	rddreg [dreg:$0x0];
	s2 =	stileid.u32  }
0x4c7: {  	s1 =	rddreg [dreg:$0x1];
	p0 =	sne.s32 s2, $0x0  }
0x4c8: {  	s3 =	rddreg [dreg:$0x2];
	[bflag:$0x3] =	sbarrier.arrive $0xFFFF;
	s2 =	simm.s32 @!p0 $0x1C05  }
0x4c9: {  	[timem:s3], [sflag:s2] =	dma.local @!p0 [hbm:s0], s1  }
0x4ca: {  	s0 =	simm.s32 @!p0 $0x5  }
0x4cb: {  	_ =	swait.ge @!p0 [sflag:s0], s1  }
0x4cc: {  	s1 =	ssub.s32 @!p0 $0x0, s1;
	[sflag:s0] =	ssyncset.done @!p0 $0x0  }
0x4cd: {  	[sflag:s0] =	ssyncadd.s32 @!p0 s1  }
0x4ce: {  	[bflag:$0x3] =	sbarrier.arrive $0xFFFF  }
0x4cf: {  	_ =	shalt  }

</sc_bundles>
